<compile_context>
chip_gen: v7x
topology: tpu7x:2x2x1
jax: 0.10.2.dev20260603
libtpu: 0.0.44.dev20260713+nightly
codegen_flags: <defaults>
</compile_context>

<pallas_src>
import functools

import jax
import jax.numpy as jnp
from jax import lax
from jax.experimental import pallas as pl
from jax.experimental.pallas import tpu as pltpu
from jax.experimental.pallas import tpu_sc as plsc

ST = 8
CH = 8


def _lut_t_body(item_t_ref, pos_t_ref, gamma_ref, beta_ref, out_ref):
    it = item_t_ref[0]
    pt = pos_t_ref[...]
    emb = it[:, :, None] + pt[:, None, :]
    mean = jnp.mean(emb, axis=0, keepdims=True)
    var = jnp.mean((emb - mean) ** 2, axis=0, keepdims=True)
    h = (emb - mean) / jnp.sqrt(var + 1e-5)
    res = h * gamma_ref[...] + beta_ref[...]
    d, st, v = res.shape
    pairs = res.reshape(d // 2, 2, st, v)
    even = jax.lax.bitcast_convert_type(pairs[:, 0], jnp.uint32)
    odd = jax.lax.bitcast_convert_type(pairs[:, 1], jnp.uint32)
    packed = (even >> 16) | (odd & jnp.uint32(0xFFFF0000))
    out_ref[...] = jax.lax.bitcast_convert_type(packed, jnp.int32)


def _build_lut_t(item_table, pos_table, gamma, beta, S, V, D):
    item_t3 = item_table[:S].reshape(S // ST, ST, D).transpose(0, 2, 1)
    pos_t = pos_table.T
    return pl.pallas_call(
        _lut_t_body,
        grid=(S // ST,),
        in_specs=[
            pl.BlockSpec((1, D, ST), lambda i: (i, 0, 0)),
            pl.BlockSpec((D, V), lambda i: (0, 0)),
            pl.BlockSpec((D, 1, 1), lambda i: (0, 0, 0)),
            pl.BlockSpec((D, 1, 1), lambda i: (0, 0, 0)),
        ],
        out_specs=pl.BlockSpec((D // 2, ST, V), lambda i: (0, i, 0)),
        out_shape=jax.ShapeDtypeStruct((D // 2, S, V), jnp.int32),
    )(item_t3, pos_t, gamma.reshape(D, 1, 1), beta.reshape(D, 1, 1))


def _make_sc_gather(B, S, V, D):
    info = plsc.get_sparse_core_info()
    nc, ns = info.num_cores, info.num_subcores
    nw = nc * ns
    dpw = D // nw
    nck = B // 16
    mesh = plsc.VectorSubcoreMesh(core_axis_name="c", subcore_axis_name="s")

    @functools.partial(
        pl.kernel,
        mesh=mesh,
        compiler_params=pltpu.CompilerParams(needs_layout_passes=False),
        out_type=jax.ShapeDtypeStruct((S, D, B), jnp.float32),
        scratch_types=(
            [pltpu.VMEM((S, V), jnp.int32)]
            + [pltpu.VMEM((B,), jnp.int32) for _ in range(2)]
            + [pltpu.VMEM((B,), jnp.float32) for _ in range(2 * dpw)]
            + [pltpu.SemaphoreType.DMA for _ in range(2 + 2 * dpw)]
        ),
    )
    def sc_gather(lut_hbm, xt_hbm, out_hbm, *rest):
        ltab = rest[0]
        xrows = rest[1:3]
        wbufs = rest[3:3 + 2 * dpw]
        xsems = rest[3 + 2 * dpw:5 + 2 * dpw]
        wsems = rest[5 + 2 * dpw:]

        wid = lax.axis_index("s") * nc + lax.axis_index("c")
        d0 = wid * dpw
        pltpu.sync_copy(lut_hbm.at[wid], ltab)

        def fire_x(s, j):
            pltpu.async_copy(xt_hbm.at[pl.ds(s * B, B)], xrows[j], xsems[j])

        def wait_x(j):
            pltpu.make_async_copy(xt_hbm.at[pl.ds(0, B)], xrows[j],
                                  xsems[j]).wait()

        def fire_w(s, j, e):
            pltpu.async_copy(wbufs[j * dpw + e],
                             out_hbm.at[s, d0 + e],
                             wsems[j * dpw + e])

        def wait_w(j, e):
            pltpu.make_async_copy(wbufs[j * dpw + e],
                                  out_hbm.at[0, 0],
                                  wsems[j * dpw + e]).wait()

        fire_x(0, 0)
        fire_x(1, 1)

        def do_s(s, j):
            wait_x(j)

            @pl.when(s >= 2)
            def _():
                for e in range(dpw):
                    wait_w(j, e)

            sv = jnp.zeros((16,), jnp.int32) + s

            @plsc.parallel_loop(0, nck, step=CH, unroll=4)
            def chunk(i):
                for u in range(CH):
                    off = (i + u) * 16
                    xv = xrows[j][pl.ds(off, 16)]
                    w = plsc.load_gather(ltab, [sv, xv])
                    wbufs[j * dpw][pl.ds(off, 16)] = plsc.bitcast(
                        w << 16, jnp.float32)
                    wbufs[j * dpw + 1][pl.ds(off, 16)] = plsc.bitcast(
                        w & jnp.int32(-65536), jnp.float32)
            for e in range(dpw):
                fire_w(s, j, e)

            @pl.when(s + 2 < S)
            def _():
                fire_x(s + 2, j)

        def outer(k, carry):
            for j in range(2):
                do_s(2 * k + j, j)
            return carry

        lax.fori_loop(0, S // 2, outer, 0)
        for j in range(2):
            for e in range(dpw):
                wait_w(j, e)

    return sc_gather


def kernel(x, item_table, pos_table, gamma, beta):
    B, S = x.shape
    V, D = pos_table.shape
    lut_t = _build_lut_t(item_table, pos_table, gamma, beta, S, V, D)
    sc_gather = _make_sc_gather(B, S, V, D)
    out_t = sc_gather(lut_t, x.T.reshape(S * B))
    return out_t.transpose(2, 0, 1)

# --- scband reference (transcript-rebuilt; emitter-appended) ---
"""Pipeline reference for scband-embedding-layer-52321291600246 (READ-ONLY COPY).

The authoritative reference and input builder live on the scoring server;
editing this copy changes nothing except your own understanding.
"""

import jax, jax.numpy as jnp
import numpy as np

VOCAB = 100000
DIM = 64
MAX_SEQ = 200
BATCH = 4096
SEQ = 200

def setup_inputs(seed: int = 0) -> dict:
    key = jax.random.key(seed)
    k1, k2, k3 = jax.random.split(key, 3)
    x = jax.random.randint(k1, (BATCH, SEQ), 0, MAX_SEQ)
    item_table = jax.random.normal(k2, (VOCAB, DIM), dtype=jnp.float32) * 0.02
    item_table = item_table.at[0].set(0.0)  # padding_idx=0 row is zeros
    pos_table = jax.random.normal(k3, (MAX_SEQ, DIM), dtype=jnp.float32) * 0.02
    gamma = jnp.ones((DIM,), dtype=jnp.float32)
    beta = jnp.zeros((DIM,), dtype=jnp.float32)
    return {"x": x, "item_table": item_table, "pos_table": pos_table, "gamma": gamma, "beta": beta}

def reference(x, item_table, pos_table, gamma, beta):
    # Faithful to the torch module (which indexes item_embeddings with positions
    # and position_embeddings with x -- preserved as-is).
    seq_len = x.shape[1]
    positions = jnp.broadcast_to(jnp.arange(seq_len)[None, :], x.shape)
    emb = jnp.take(item_table, positions, axis=0) + jnp.take(pos_table, x, axis=0)
    mean = jnp.mean(emb, axis=-1, keepdims=True)
    var = jnp.var(emb, axis=-1, keepdims=True)
    h = (emb - mean) / jnp.sqrt(var + 1e-5)
    # dropout is identity in eval/reference mode
    return h * gamma + beta

if __name__ == "__main__":
    import jax
    _d = setup_inputs()
    print(jax.jit(kernel)(*tuple(_d.values())))

</pallas_src>

<mosaic_0001>
#map = affine_map<(d0, d1) -> (0, 0, 0)>
#map1 = affine_map<(d0, d1) -> (0)>
module attributes {stable_mosaic.version = 14 : i64} {
  func.func @sc_gather(%arg0: i32, %arg1: i32, %arg2: memref<32x200x200xi32, #tpu.memory_space<hbm>>, %arg3: memref<819200xi32, #tpu.memory_space<hbm>>, %arg4: memref<200x64x4096xf32, #tpu.memory_space<hbm>>, %arg5: memref<200x200xi32, #tpu.memory_space<vmem>>, %arg6: memref<4096xi32, #tpu.memory_space<vmem>>, %arg7: memref<4096xi32, #tpu.memory_space<vmem>>, %arg8: memref<4096xf32, #tpu.memory_space<vmem>>, %arg9: memref<4096xf32, #tpu.memory_space<vmem>>, %arg10: memref<4096xf32, #tpu.memory_space<vmem>>, %arg11: memref<4096xf32, #tpu.memory_space<vmem>>, %arg12: memref<!tpu.dma_semaphore, #tpu.memory_space<semaphore_mem>>, %arg13: memref<!tpu.dma_semaphore, #tpu.memory_space<semaphore_mem>>, %arg14: memref<!tpu.dma_semaphore, #tpu.memory_space<semaphore_mem>>, %arg15: memref<!tpu.dma_semaphore, #tpu.memory_space<semaphore_mem>>, %arg16: memref<!tpu.dma_semaphore, #tpu.memory_space<semaphore_mem>>, %arg17: memref<!tpu.dma_semaphore, #tpu.memory_space<semaphore_mem>>) attributes {dimension_semantics = [#tpu.dimension_semantics<core_parallel>, #tpu.dimension_semantics<subcore_parallel>], iteration_bounds = array<i64: 2, 16>, scalar_prefetch = 0 : i64, scratch_operands = 13 : i64, tpu.core_type = #tpu.core_type<sc_vector_subcore>, window_params = [{transform_indices = #map}, {transform_indices = #map1}, {transform_indices = #map}]} {
    %mul3A = arith.constant 2 : i32
    %mul3A_0 = arith.muli %arg1, %mul3A : i32
    %add3A = arith.addi %mul3A_0, %arg0 : i32
    %mul3A_1 = arith.constant 2 : i32
    %mul3A_2 = arith.muli %add3A, %mul3A_1 : i32
    "tpu.region"() ({
      %run_scoped3A = tpu.sem_alloc : memref<!tpu.dma_semaphore, #tpu.memory_space<semaphore_mem>>
      %dma_start3A_46 = arith.constant 0 : i32
      %dma_start3A_47 = arith.constant 0 : i32
      %dma_start3A_48 = tpu.memref_slice %arg2[%add3A, %dma_start3A_46, %dma_start3A_47] : memref<32x200x200xi32, #tpu.memory_space<hbm>> -> memref<1x200x200xi32, #tpu.memory_space<hbm>>
      %dma_start3A_49 = tpu.memref_squeeze %dma_start3A_48 : memref<1x200x200xi32, #tpu.memory_space<hbm>> -> memref<200x200xi32, #tpu.memory_space<hbm>>
      %dma_start3A_50 = arith.constant 0 : i32
      %dma_start3A_51 = arith.constant 0 : i32
      %dma_start3A_52 = tpu.memref_slice %arg2[%add3A, %dma_start3A_50, %dma_start3A_51] : memref<32x200x200xi32, #tpu.memory_space<hbm>> -> memref<1x200x200xi32, #tpu.memory_space<hbm>>
      %dma_start3A_53 = tpu.memref_squeeze %dma_start3A_52 : memref<1x200x200xi32, #tpu.memory_space<hbm>> -> memref<200x200xi32, #tpu.memory_space<hbm>>
      tpu.enqueue_dma source(%dma_start3A_53 : memref<200x200xi32, #tpu.memory_space<hbm>>) target(%arg5 : memref<200x200xi32, #tpu.memory_space<vmem>>) target_semaphore(%run_scoped3A : memref<!tpu.dma_semaphore, #tpu.memory_space<semaphore_mem>>)
      %dma_wait3A_54 = arith.constant 0 : i32
      %dma_wait3A_55 = arith.constant 0 : i32
      %dma_wait3A_56 = tpu.memref_slice %arg2[%add3A, %dma_wait3A_54, %dma_wait3A_55] : memref<32x200x200xi32, #tpu.memory_space<hbm>> -> memref<1x200x200xi32, #tpu.memory_space<hbm>>
      %dma_wait3A_57 = tpu.memref_squeeze %dma_wait3A_56 : memref<1x200x200xi32, #tpu.memory_space<hbm>> -> memref<200x200xi32, #tpu.memory_space<hbm>>
      %dma_wait3A_58 = arith.constant 0 : i32
      %dma_wait3A_59 = arith.constant 0 : i32
      %dma_wait3A_60 = tpu.memref_slice %arg2[%add3A, %dma_wait3A_58, %dma_wait3A_59] : memref<32x200x200xi32, #tpu.memory_space<hbm>> -> memref<1x200x200xi32, #tpu.memory_space<hbm>>
      %dma_wait3A_61 = tpu.memref_squeeze %dma_wait3A_60 : memref<1x200x200xi32, #tpu.memory_space<hbm>> -> memref<200x200xi32, #tpu.memory_space<hbm>>
      tpu.wait_dma2 semaphore(%run_scoped3A : memref<!tpu.dma_semaphore, #tpu.memory_space<semaphore_mem>>) src(%dma_wait3A_61 : memref<200x200xi32, #tpu.memory_space<hbm>>) dst(%arg5 : memref<200x200xi32, #tpu.memory_space<vmem>>)
      tpu.yield
    }) : () -> ()
    %dma_start3A = arith.constant 0 : i32
    %dma_start3A_3 = tpu.memref_slice %arg3[%dma_start3A] : memref<819200xi32, #tpu.memory_space<hbm>> -> memref<4096xi32, #tpu.memory_space<hbm>>
    %dma_start3A_4 = arith.constant 0 : i32
    %dma_start3A_5 = tpu.memref_slice %arg3[%dma_start3A_4] : memref<819200xi32, #tpu.memory_space<hbm>> -> memref<4096xi32, #tpu.memory_space<hbm>>
    tpu.enqueue_dma source(%dma_start3A_5 : memref<4096xi32, #tpu.memory_space<hbm>>) target(%arg6 : memref<4096xi32, #tpu.memory_space<vmem>>) target_semaphore(%arg12 : memref<!tpu.dma_semaphore, #tpu.memory_space<semaphore_mem>>)
    %dma_start3A_6 = arith.constant 4096 : i32
    %dma_start3A_7 = tpu.memref_slice %arg3[%dma_start3A_6] : memref<819200xi32, #tpu.memory_space<hbm>> -> memref<4096xi32, #tpu.memory_space<hbm>>
    %dma_start3A_8 = arith.constant 4096 : i32
    %dma_start3A_9 = tpu.memref_slice %arg3[%dma_start3A_8] : memref<819200xi32, #tpu.memory_space<hbm>> -> memref<4096xi32, #tpu.memory_space<hbm>>
    tpu.enqueue_dma source(%dma_start3A_9 : memref<4096xi32, #tpu.memory_space<hbm>>) target(%arg7 : memref<4096xi32, #tpu.memory_space<vmem>>) target_semaphore(%arg13 : memref<!tpu.dma_semaphore, #tpu.memory_space<semaphore_mem>>)
    %scan3A = arith.constant 0 : i32
    %scan3A_10 = arith.constant 0 : i32
    %scan3A_11 = arith.constant 100 : i32
    %scan3A_12 = arith.addi %scan3A_10, %scan3A_11 : i32
    %scan3A_13 = arith.constant 1 : i32
    scf.for %scan3A_46 = %scan3A_10 to %scan3A_12 step %scan3A_13  : i32 {
      %mul3A_47 = arith.constant 2 : i32
      %mul3A_48 = arith.muli %mul3A_47, %scan3A_46 : i32
      %add3A_49 = arith.constant 0 : i32
      %add3A_50 = arith.addi %mul3A_48, %add3A_49 : i32
      %dma_wait3A_51 = arith.constant 0 : i32
      %dma_wait3A_52 = tpu.memref_slice %arg3[%dma_wait3A_51] : memref<819200xi32, #tpu.memory_space<hbm>> -> memref<4096xi32, #tpu.memory_space<hbm>>
      %dma_wait3A_53 = arith.constant 0 : i32
      %dma_wait3A_54 = tpu.memref_slice %arg3[%dma_wait3A_53] : memref<819200xi32, #tpu.memory_space<hbm>> -> memref<4096xi32, #tpu.memory_space<hbm>>
      tpu.wait_dma2 semaphore(%arg12 : memref<!tpu.dma_semaphore, #tpu.memory_space<semaphore_mem>>) src(%dma_wait3A_54 : memref<4096xi32, #tpu.memory_space<hbm>>) dst(%arg6 : memref<4096xi32, #tpu.memory_space<vmem>>)
      %ge3A = arith.constant 2 : i32
      %ge3A_55 = arith.cmpi sge, %add3A_50, %ge3A : i32
      %convert_element_type3A = arith.extui %ge3A_55 : i1 to i32
      %cond3A = arith.constant 0 : i32
      %cond3A_56 = arith.cmpi ne, %convert_element_type3A, %cond3A : i32
      scf.if %cond3A_56 {
        %dma_wait3A_127 = arith.constant 0 : i32
        %dma_wait3A_128 = arith.constant 0 : i32
        %dma_wait3A_129 = arith.constant 0 : i32
        %dma_wait3A_130 = tpu.memref_slice %arg4[%dma_wait3A_127, %dma_wait3A_128, %dma_wait3A_129] : memref<200x64x4096xf32, #tpu.memory_space<hbm>> -> memref<1x1x4096xf32, #tpu.memory_space<hbm>>
        %dma_wait3A_131 = tpu.memref_squeeze %dma_wait3A_130 : memref<1x1x4096xf32, #tpu.memory_space<hbm>> -> memref<4096xf32, #tpu.memory_space<hbm>>
        %dma_wait3A_132 = arith.constant 0 : i32
        %dma_wait3A_133 = tpu.memref_slice %arg4[%dma_wait3A_127, %dma_wait3A_128, %dma_wait3A_132] : memref<200x64x4096xf32, #tpu.memory_space<hbm>> -> memref<1x1x4096xf32, #tpu.memory_space<hbm>>
        %dma_wait3A_134 = tpu.memref_squeeze %dma_wait3A_133 : memref<1x1x4096xf32, #tpu.memory_space<hbm>> -> memref<4096xf32, #tpu.memory_space<hbm>>
        tpu.wait_dma2 semaphore(%arg14 : memref<!tpu.dma_semaphore, #tpu.memory_space<semaphore_mem>>) src(%arg8 : memref<4096xf32, #tpu.memory_space<vmem>>) dst(%dma_wait3A_134 : memref<4096xf32, #tpu.memory_space<hbm>>)
        %dma_wait3A_135 = arith.constant 0 : i32
        %dma_wait3A_136 = arith.constant 0 : i32
        %dma_wait3A_137 = arith.constant 0 : i32
        %dma_wait3A_138 = tpu.memref_slice %arg4[%dma_wait3A_135, %dma_wait3A_136, %dma_wait3A_137] : memref<200x64x4096xf32, #tpu.memory_space<hbm>> -> memref<1x1x4096xf32, #tpu.memory_space<hbm>>
        %dma_wait3A_139 = tpu.memref_squeeze %dma_wait3A_138 : memref<1x1x4096xf32, #tpu.memory_space<hbm>> -> memref<4096xf32, #tpu.memory_space<hbm>>
        %dma_wait3A_140 = arith.constant 0 : i32
        %dma_wait3A_141 = tpu.memref_slice %arg4[%dma_wait3A_135, %dma_wait3A_136, %dma_wait3A_140] : memref<200x64x4096xf32, #tpu.memory_space<hbm>> -> memref<1x1x4096xf32, #tpu.memory_space<hbm>>
        %dma_wait3A_142 = tpu.memref_squeeze %dma_wait3A_141 : memref<1x1x4096xf32, #tpu.memory_space<hbm>> -> memref<4096xf32, #tpu.memory_space<hbm>>
        tpu.wait_dma2 semaphore(%arg15 : memref<!tpu.dma_semaphore, #tpu.memory_space<semaphore_mem>>) src(%arg9 : memref<4096xf32, #tpu.memory_space<vmem>>) dst(%dma_wait3A_142 : memref<4096xf32, #tpu.memory_space<hbm>>)
      } else {
      }
      %broadcast_in_dim3A = arith.constant 0 : i32
      %broadcast_in_dim3A_57 = vector.broadcast %broadcast_in_dim3A : i32 to vector<16xi32>
      %add3A_58 = vector.broadcast %add3A_50 : i32 to vector<16xi32>
      %add3A_59 = arith.addi %broadcast_in_dim3A_57, %add3A_58 : vector<16xi32>
      %parallel_loop3A = arith.constant 0 : i32
      %parallel_loop3A_60 = arith.constant 256 : i32
      %parallel_loop3A_61 = arith.constant 8 : i32
      scf.for %parallel_loop3A_127 = %parallel_loop3A to %parallel_loop3A_60 step %parallel_loop3A_61  : i32 {
        %parallel_loop3A_128 = arith.constant 0 : i32
        %parallel_loop3A_129 = arith.addi %parallel_loop3A_127, %parallel_loop3A_128 : i32
        %parallel_loop3A_130 = arith.constant 16 : i32
        %parallel_loop3A_131 = arith.muli %parallel_loop3A_129, %parallel_loop3A_130 : i32
        %parallel_loop3A_132 = arith.index_cast %parallel_loop3A_131 : i32 to index
        %parallel_loop3A_133 = tpu.vector_load %arg6[%parallel_loop3A_132] {strides = array<i32>} : memref<4096xi32, #tpu.memory_space<vmem>>, vector<16xi32>,
        %parallel_loop3A_134 = tpu.vector_load_idx %arg5[%add3A_59, %parallel_loop3A_133] : memref<200x200xi32, #tpu.memory_space<vmem>>[vector<16xi32>, vector<16xi32>], vector<16xi32>,
        %parallel_loop3A_135 = arith.constant 16 : i32
        %parallel_loop3A_136 = vector.broadcast %parallel_loop3A_135 : i32 to vector<16xi32>
        %parallel_loop3A_137 = arith.shli %parallel_loop3A_134, %parallel_loop3A_136 : vector<16xi32>
        %parallel_loop3A_138 = vector.bitcast %parallel_loop3A_137 : vector<16xi32> to vector<16xf32>
        %parallel_loop3A_139 = arith.index_cast %parallel_loop3A_131 : i32 to index
        %parallel_loop3A_140 = tpu.vector_load %arg8[%parallel_loop3A_139] {strides = array<i32>} : memref<4096xf32, #tpu.memory_space<vmem>>, vector<16xf32>,
        tpu.vector_store %arg8[%parallel_loop3A_139], %parallel_loop3A_138 {strides = array<i32>} : memref<4096xf32, #tpu.memory_space<vmem>>, vector<16xf32>,
        %parallel_loop3A_141 = arith.constant -65536 : i32
        %parallel_loop3A_142 = vector.broadcast %parallel_loop3A_141 : i32 to vector<16xi32>
        %parallel_loop3A_143 = arith.andi %parallel_loop3A_134, %parallel_loop3A_142 : vector<16xi32>
        %parallel_loop3A_144 = vector.bitcast %parallel_loop3A_143 : vector<16xi32> to vector<16xf32>
        %parallel_loop3A_145 = arith.index_cast %parallel_loop3A_131 : i32 to index
        %parallel_loop3A_146 = tpu.vector_load %arg9[%parallel_loop3A_145] {strides = array<i32>} : memref<4096xf32, #tpu.memory_space<vmem>>, vector<16xf32>,
        tpu.vector_store %arg9[%parallel_loop3A_145], %parallel_loop3A_144 {strides = array<i32>} : memref<4096xf32, #tpu.memory_space<vmem>>, vector<16xf32>,
        %parallel_loop3A_147 = arith.constant 1 : i32
        %parallel_loop3A_148 = arith.addi %parallel_loop3A_127, %parallel_loop3A_147 : i32
        %parallel_loop3A_149 = arith.constant 16 : i32
        %parallel_loop3A_150 = arith.muli %parallel_loop3A_148, %parallel_loop3A_149 : i32
        %parallel_loop3A_151 = arith.index_cast %parallel_loop3A_150 : i32 to index
        %parallel_loop3A_152 = tpu.vector_load %arg6[%parallel_loop3A_151] {strides = array<i32>} : memref<4096xi32, #tpu.memory_space<vmem>>, vector<16xi32>,
        %parallel_loop3A_153 = tpu.vector_load_idx %arg5[%add3A_59, %parallel_loop3A_152] : memref<200x200xi32, #tpu.memory_space<vmem>>[vector<16xi32>, vector<16xi32>], vector<16xi32>,
        %parallel_loop3A_154 = arith.constant 16 : i32
        %parallel_loop3A_155 = vector.broadcast %parallel_loop3A_154 : i32 to vector<16xi32>
        %parallel_loop3A_156 = arith.shli %parallel_loop3A_153, %parallel_loop3A_155 : vector<16xi32>
        %parallel_loop3A_157 = vector.bitcast %parallel_loop3A_156 : vector<16xi32> to vector<16xf32>
        %parallel_loop3A_158 = arith.index_cast %parallel_loop3A_150 : i32 to index
        %parallel_loop3A_159 = tpu.vector_load %arg8[%parallel_loop3A_158] {strides = array<i32>} : memref<4096xf32, #tpu.memory_space<vmem>>, vector<16xf32>,
        tpu.vector_store %arg8[%parallel_loop3A_158], %parallel_loop3A_157 {strides = array<i32>} : memref<4096xf32, #tpu.memory_space<vmem>>, vector<16xf32>,
        %parallel_loop3A_160 = arith.constant -65536 : i32
        %parallel_loop3A_161 = vector.broadcast %parallel_loop3A_160 : i32 to vector<16xi32>
        %parallel_loop3A_162 = arith.andi %parallel_loop3A_153, %parallel_loop3A_161 : vector<16xi32>
        %parallel_loop3A_163 = vector.bitcast %parallel_loop3A_162 : vector<16xi32> to vector<16xf32>
        %parallel_loop3A_164 = arith.index_cast %parallel_loop3A_150 : i32 to index
        %parallel_loop3A_165 = tpu.vector_load %arg9[%parallel_loop3A_164] {strides = array<i32>} : memref<4096xf32, #tpu.memory_space<vmem>>, vector<16xf32>,
        tpu.vector_store %arg9[%parallel_loop3A_164], %parallel_loop3A_163 {strides = array<i32>} : memref<4096xf32, #tpu.memory_space<vmem>>, vector<16xf32>,
        %parallel_loop3A_166 = arith.constant 2 : i32
        %parallel_loop3A_167 = arith.addi %parallel_loop3A_127, %parallel_loop3A_166 : i32
        %parallel_loop3A_168 = arith.constant 16 : i32
        %parallel_loop3A_169 = arith.muli %parallel_loop3A_167, %parallel_loop3A_168 : i32
        %parallel_loop3A_170 = arith.index_cast %parallel_loop3A_169 : i32 to index
        %parallel_loop3A_171 = tpu.vector_load %arg6[%parallel_loop3A_170] {strides = array<i32>} : memref<4096xi32, #tpu.memory_space<vmem>>, vector<16xi32>,
        %parallel_loop3A_172 = tpu.vector_load_idx %arg5[%add3A_59, %parallel_loop3A_171] : memref<200x200xi32, #tpu.memory_space<vmem>>[vector<16xi32>, vector<16xi32>], vector<16xi32>,
        %parallel_loop3A_173 = arith.constant 16 : i32
        %parallel_loop3A_174 = vector.broadcast %parallel_loop3A_173 : i32 to vector<16xi32>
        %parallel_loop3A_175 = arith.shli %parallel_loop3A_172, %parallel_loop3A_174 : vector<16xi32>
        %parallel_loop3A_176 = vector.bitcast %parallel_loop3A_175 : vector<16xi32> to vector<16xf32>
        %parallel_loop3A_177 = arith.index_cast %parallel_loop3A_169 : i32 to index
        %parallel_loop3A_178 = tpu.vector_load %arg8[%parallel_loop3A_177] {strides = array<i32>} : memref<4096xf32, #tpu.memory_space<vmem>>, vector<16xf32>,
        tpu.vector_store %arg8[%parallel_loop3A_177], %parallel_loop3A_176 {strides = array<i32>} : memref<4096xf32, #tpu.memory_space<vmem>>, vector<16xf32>,
        %parallel_loop3A_179 = arith.constant -65536 : i32
        %parallel_loop3A_180 = vector.broadcast %parallel_loop3A_179 : i32 to vector<16xi32>
        %parallel_loop3A_181 = arith.andi %parallel_loop3A_172, %parallel_loop3A_180 : vector<16xi32>
        %parallel_loop3A_182 = vector.bitcast %parallel_loop3A_181 : vector<16xi32> to vector<16xf32>
        %parallel_loop3A_183 = arith.index_cast %parallel_loop3A_169 : i32 to index
        %parallel_loop3A_184 = tpu.vector_load %arg9[%parallel_loop3A_183] {strides = array<i32>} : memref<4096xf32, #tpu.memory_space<vmem>>, vector<16xf32>,
        tpu.vector_store %arg9[%parallel_loop3A_183], %parallel_loop3A_182 {strides = array<i32>} : memref<4096xf32, #tpu.memory_space<vmem>>, vector<16xf32>,
        %parallel_loop3A_185 = arith.constant 3 : i32
        %parallel_loop3A_186 = arith.addi %parallel_loop3A_127, %parallel_loop3A_185 : i32
        %parallel_loop3A_187 = arith.constant 16 : i32
        %parallel_loop3A_188 = arith.muli %parallel_loop3A_186, %parallel_loop3A_187 : i32
        %parallel_loop3A_189 = arith.index_cast %parallel_loop3A_188 : i32 to index
        %parallel_loop3A_190 = tpu.vector_load %arg6[%parallel_loop3A_189] {strides = array<i32>} : memref<4096xi32, #tpu.memory_space<vmem>>, vector<16xi32>,
        %parallel_loop3A_191 = tpu.vector_load_idx %arg5[%add3A_59, %parallel_loop3A_190] : memref<200x200xi32, #tpu.memory_space<vmem>>[vector<16xi32>, vector<16xi32>], vector<16xi32>,
        %parallel_loop3A_192 = arith.constant 16 : i32
        %parallel_loop3A_193 = vector.broadcast %parallel_loop3A_192 : i32 to vector<16xi32>
        %parallel_loop3A_194 = arith.shli %parallel_loop3A_191, %parallel_loop3A_193 : vector<16xi32>
        %parallel_loop3A_195 = vector.bitcast %parallel_loop3A_194 : vector<16xi32> to vector<16xf32>
        %parallel_loop3A_196 = arith.index_cast %parallel_loop3A_188 : i32 to index
        %parallel_loop3A_197 = tpu.vector_load %arg8[%parallel_loop3A_196] {strides = array<i32>} : memref<4096xf32, #tpu.memory_space<vmem>>, vector<16xf32>,
        tpu.vector_store %arg8[%parallel_loop3A_196], %parallel_loop3A_195 {strides = array<i32>} : memref<4096xf32, #tpu.memory_space<vmem>>, vector<16xf32>,
        %parallel_loop3A_198 = arith.constant -65536 : i32
        %parallel_loop3A_199 = vector.broadcast %parallel_loop3A_198 : i32 to vector<16xi32>
        %parallel_loop3A_200 = arith.andi %parallel_loop3A_191, %parallel_loop3A_199 : vector<16xi32>
        %parallel_loop3A_201 = vector.bitcast %parallel_loop3A_200 : vector<16xi32> to vector<16xf32>
        %parallel_loop3A_202 = arith.index_cast %parallel_loop3A_188 : i32 to index
        %parallel_loop3A_203 = tpu.vector_load %arg9[%parallel_loop3A_202] {strides = array<i32>} : memref<4096xf32, #tpu.memory_space<vmem>>, vector<16xf32>,
        tpu.vector_store %arg9[%parallel_loop3A_202], %parallel_loop3A_201 {strides = array<i32>} : memref<4096xf32, #tpu.memory_space<vmem>>, vector<16xf32>,
        %parallel_loop3A_204 = arith.constant 4 : i32
        %parallel_loop3A_205 = arith.addi %parallel_loop3A_127, %parallel_loop3A_204 : i32
        %parallel_loop3A_206 = arith.constant 16 : i32
        %parallel_loop3A_207 = arith.muli %parallel_loop3A_205, %parallel_loop3A_206 : i32
        %parallel_loop3A_208 = arith.index_cast %parallel_loop3A_207 : i32 to index
        %parallel_loop3A_209 = tpu.vector_load %arg6[%parallel_loop3A_208] {strides = array<i32>} : memref<4096xi32, #tpu.memory_space<vmem>>, vector<16xi32>,
        %parallel_loop3A_210 = tpu.vector_load_idx %arg5[%add3A_59, %parallel_loop3A_209] : memref<200x200xi32, #tpu.memory_space<vmem>>[vector<16xi32>, vector<16xi32>], vector<16xi32>,
        %parallel_loop3A_211 = arith.constant 16 : i32
        %parallel_loop3A_212 = vector.broadcast %parallel_loop3A_211 : i32 to vector<16xi32>
        %parallel_loop3A_213 = arith.shli %parallel_loop3A_210, %parallel_loop3A_212 : vector<16xi32>
        %parallel_loop3A_214 = vector.bitcast %parallel_loop3A_213 : vector<16xi32> to vector<16xf32>
        %parallel_loop3A_215 = arith.index_cast %parallel_loop3A_207 : i32 to index
        %parallel_loop3A_216 = tpu.vector_load %arg8[%parallel_loop3A_215] {strides = array<i32>} : memref<4096xf32, #tpu.memory_space<vmem>>, vector<16xf32>,
        tpu.vector_store %arg8[%parallel_loop3A_215], %parallel_loop3A_214 {strides = array<i32>} : memref<4096xf32, #tpu.memory_space<vmem>>, vector<16xf32>,
        %parallel_loop3A_217 = arith.constant -65536 : i32
        %parallel_loop3A_218 = vector.broadcast %parallel_loop3A_217 : i32 to vector<16xi32>
        %parallel_loop3A_219 = arith.andi %parallel_loop3A_210, %parallel_loop3A_218 : vector<16xi32>
        %parallel_loop3A_220 = vector.bitcast %parallel_loop3A_219 : vector<16xi32> to vector<16xf32>
        %parallel_loop3A_221 = arith.index_cast %parallel_loop3A_207 : i32 to index
        %parallel_loop3A_222 = tpu.vector_load %arg9[%parallel_loop3A_221] {strides = array<i32>} : memref<4096xf32, #tpu.memory_space<vmem>>, vector<16xf32>,
        tpu.vector_store %arg9[%parallel_loop3A_221], %parallel_loop3A_220 {strides = array<i32>} : memref<4096xf32, #tpu.memory_space<vmem>>, vector<16xf32>,
        %parallel_loop3A_223 = arith.constant 5 : i32
        %parallel_loop3A_224 = arith.addi %parallel_loop3A_127, %parallel_loop3A_223 : i32
        %parallel_loop3A_225 = arith.constant 16 : i32
        %parallel_loop3A_226 = arith.muli %parallel_loop3A_224, %parallel_loop3A_225 : i32
        %parallel_loop3A_227 = arith.index_cast %parallel_loop3A_226 : i32 to index
        %parallel_loop3A_228 = tpu.vector_load %arg6[%parallel_loop3A_227] {strides = array<i32>} : memref<4096xi32, #tpu.memory_space<vmem>>, vector<16xi32>,
        %parallel_loop3A_229 = tpu.vector_load_idx %arg5[%add3A_59, %parallel_loop3A_228] : memref<200x200xi32, #tpu.memory_space<vmem>>[vector<16xi32>, vector<16xi32>], vector<16xi32>,
        %parallel_loop3A_230 = arith.constant 16 : i32
        %parallel_loop3A_231 = vector.broadcast %parallel_loop3A_230 : i32 to vector<16xi32>
        %parallel_loop3A_232 = arith.shli %parallel_loop3A_229, %parallel_loop3A_231 : vector<16xi32>
        %parallel_loop3A_233 = vector.bitcast %parallel_loop3A_232 : vector<16xi32> to vector<16xf32>
        %parallel_loop3A_234 = arith.index_cast %parallel_loop3A_226 : i32 to index
        %parallel_loop3A_235 = tpu.vector_load %arg8[%parallel_loop3A_234] {strides = array<i32>} : memref<4096xf32, #tpu.memory_space<vmem>>, vector<16xf32>,
        tpu.vector_store %arg8[%parallel_loop3A_234], %parallel_loop3A_233 {strides = array<i32>} : memref<4096xf32, #tpu.memory_space<vmem>>, vector<16xf32>,
        %parallel_loop3A_236 = arith.constant -65536 : i32
        %parallel_loop3A_237 = vector.broadcast %parallel_loop3A_236 : i32 to vector<16xi32>
        %parallel_loop3A_238 = arith.andi %parallel_loop3A_229, %parallel_loop3A_237 : vector<16xi32>
        %parallel_loop3A_239 = vector.bitcast %parallel_loop3A_238 : vector<16xi32> to vector<16xf32>
        %parallel_loop3A_240 = arith.index_cast %parallel_loop3A_226 : i32 to index
        %parallel_loop3A_241 = tpu.vector_load %arg9[%parallel_loop3A_240] {strides = array<i32>} : memref<4096xf32, #tpu.memory_space<vmem>>, vector<16xf32>,
        tpu.vector_store %arg9[%parallel_loop3A_240], %parallel_loop3A_239 {strides = array<i32>} : memref<4096xf32, #tpu.memory_space<vmem>>, vector<16xf32>,
        %parallel_loop3A_242 = arith.constant 6 : i32
        %parallel_loop3A_243 = arith.addi %parallel_loop3A_127, %parallel_loop3A_242 : i32
        %parallel_loop3A_244 = arith.constant 16 : i32
        %parallel_loop3A_245 = arith.muli %parallel_loop3A_243, %parallel_loop3A_244 : i32
        %parallel_loop3A_246 = arith.index_cast %parallel_loop3A_245 : i32 to index
        %parallel_loop3A_247 = tpu.vector_load %arg6[%parallel_loop3A_246] {strides = array<i32>} : memref<4096xi32, #tpu.memory_space<vmem>>, vector<16xi32>,
        %parallel_loop3A_248 = tpu.vector_load_idx %arg5[%add3A_59, %parallel_loop3A_247] : memref<200x200xi32, #tpu.memory_space<vmem>>[vector<16xi32>, vector<16xi32>], vector<16xi32>,
        %parallel_loop3A_249 = arith.constant 16 : i32
        %parallel_loop3A_250 = vector.broadcast %parallel_loop3A_249 : i32 to vector<16xi32>
        %parallel_loop3A_251 = arith.shli %parallel_loop3A_248, %parallel_loop3A_250 : vector<16xi32>
        %parallel_loop3A_252 = vector.bitcast %parallel_loop3A_251 : vector<16xi32> to vector<16xf32>
        %parallel_loop3A_253 = arith.index_cast %parallel_loop3A_245 : i32 to index
        %parallel_loop3A_254 = tpu.vector_load %arg8[%parallel_loop3A_253] {strides = array<i32>} : memref<4096xf32, #tpu.memory_space<vmem>>, vector<16xf32>,
        tpu.vector_store %arg8[%parallel_loop3A_253], %parallel_loop3A_252 {strides = array<i32>} : memref<4096xf32, #tpu.memory_space<vmem>>, vector<16xf32>,
        %parallel_loop3A_255 = arith.constant -65536 : i32
        %parallel_loop3A_256 = vector.broadcast %parallel_loop3A_255 : i32 to vector<16xi32>
        %parallel_loop3A_257 = arith.andi %parallel_loop3A_248, %parallel_loop3A_256 : vector<16xi32>
        %parallel_loop3A_258 = vector.bitcast %parallel_loop3A_257 : vector<16xi32> to vector<16xf32>
        %parallel_loop3A_259 = arith.index_cast %parallel_loop3A_245 : i32 to index
        %parallel_loop3A_260 = tpu.vector_load %arg9[%parallel_loop3A_259] {strides = array<i32>} : memref<4096xf32, #tpu.memory_space<vmem>>, vector<16xf32>,
        tpu.vector_store %arg9[%parallel_loop3A_259], %parallel_loop3A_258 {strides = array<i32>} : memref<4096xf32, #tpu.memory_space<vmem>>, vector<16xf32>,
        %parallel_loop3A_261 = arith.constant 7 : i32
        %parallel_loop3A_262 = arith.addi %parallel_loop3A_127, %parallel_loop3A_261 : i32
        %parallel_loop3A_263 = arith.constant 16 : i32
        %parallel_loop3A_264 = arith.muli %parallel_loop3A_262, %parallel_loop3A_263 : i32
        %parallel_loop3A_265 = arith.index_cast %parallel_loop3A_264 : i32 to index
        %parallel_loop3A_266 = tpu.vector_load %arg6[%parallel_loop3A_265] {strides = array<i32>} : memref<4096xi32, #tpu.memory_space<vmem>>, vector<16xi32>,
        %parallel_loop3A_267 = tpu.vector_load_idx %arg5[%add3A_59, %parallel_loop3A_266] : memref<200x200xi32, #tpu.memory_space<vmem>>[vector<16xi32>, vector<16xi32>], vector<16xi32>,
        %parallel_loop3A_268 = arith.constant 16 : i32
        %parallel_loop3A_269 = vector.broadcast %parallel_loop3A_268 : i32 to vector<16xi32>
        %parallel_loop3A_270 = arith.shli %parallel_loop3A_267, %parallel_loop3A_269 : vector<16xi32>
        %parallel_loop3A_271 = vector.bitcast %parallel_loop3A_270 : vector<16xi32> to vector<16xf32>
        %parallel_loop3A_272 = arith.index_cast %parallel_loop3A_264 : i32 to index
        %parallel_loop3A_273 = tpu.vector_load %arg8[%parallel_loop3A_272] {strides = array<i32>} : memref<4096xf32, #tpu.memory_space<vmem>>, vector<16xf32>,
        tpu.vector_store %arg8[%parallel_loop3A_272], %parallel_loop3A_271 {strides = array<i32>} : memref<4096xf32, #tpu.memory_space<vmem>>, vector<16xf32>,
        %parallel_loop3A_274 = arith.constant -65536 : i32
        %parallel_loop3A_275 = vector.broadcast %parallel_loop3A_274 : i32 to vector<16xi32>
        %parallel_loop3A_276 = arith.andi %parallel_loop3A_267, %parallel_loop3A_275 : vector<16xi32>
        %parallel_loop3A_277 = vector.bitcast %parallel_loop3A_276 : vector<16xi32> to vector<16xf32>
        %parallel_loop3A_278 = arith.index_cast %parallel_loop3A_264 : i32 to index
        %parallel_loop3A_279 = tpu.vector_load %arg9[%parallel_loop3A_278] {strides = array<i32>} : memref<4096xf32, #tpu.memory_space<vmem>>, vector<16xf32>,
        tpu.vector_store %arg9[%parallel_loop3A_278], %parallel_loop3A_277 {strides = array<i32>} : memref<4096xf32, #tpu.memory_space<vmem>>, vector<16xf32>,
      } {sc.loop_unroll_factor = 4 : i64, sc.parallel_access}
      %add3A_62 = arith.constant 0 : i32
      %add3A_63 = arith.addi %mul3A_2, %add3A_62 : i32
      %dma_start3A_64 = arith.constant 0 : i32
      %dma_start3A_65 = tpu.memref_slice %arg4[%add3A_50, %add3A_63, %dma_start3A_64] : memref<200x64x4096xf32, #tpu.memory_space<hbm>> -> memref<1x1x4096xf32, #tpu.memory_space<hbm>>
      %dma_start3A_66 = tpu.memref_squeeze %dma_start3A_65 : memref<1x1x4096xf32, #tpu.memory_space<hbm>> -> memref<4096xf32, #tpu.memory_space<hbm>>
      %dma_start3A_67 = arith.constant 0 : i32
      %dma_start3A_68 = tpu.memref_slice %arg4[%add3A_50, %add3A_63, %dma_start3A_67] : memref<200x64x4096xf32, #tpu.memory_space<hbm>> -> memref<1x1x4096xf32, #tpu.memory_space<hbm>>
      %dma_start3A_69 = tpu.memref_squeeze %dma_start3A_68 : memref<1x1x4096xf32, #tpu.memory_space<hbm>> -> memref<4096xf32, #tpu.memory_space<hbm>>
      tpu.enqueue_dma source(%arg8 : memref<4096xf32, #tpu.memory_space<vmem>>) target(%dma_start3A_69 : memref<4096xf32, #tpu.memory_space<hbm>>) target_semaphore(%arg14 : memref<!tpu.dma_semaphore, #tpu.memory_space<semaphore_mem>>)
      %add3A_70 = arith.constant 1 : i32
      %add3A_71 = arith.addi %mul3A_2, %add3A_70 : i32
      %dma_start3A_72 = arith.constant 0 : i32
      %dma_start3A_73 = tpu.memref_slice %arg4[%add3A_50, %add3A_71, %dma_start3A_72] : memref<200x64x4096xf32, #tpu.memory_space<hbm>> -> memref<1x1x4096xf32, #tpu.memory_space<hbm>>
      %dma_start3A_74 = tpu.memref_squeeze %dma_start3A_73 : memref<1x1x4096xf32, #tpu.memory_space<hbm>> -> memref<4096xf32, #tpu.memory_space<hbm>>
      %dma_start3A_75 = arith.constant 0 : i32
      %dma_start3A_76 = tpu.memref_slice %arg4[%add3A_50, %add3A_71, %dma_start3A_75] : memref<200x64x4096xf32, #tpu.memory_space<hbm>> -> memref<1x1x4096xf32, #tpu.memory_space<hbm>>
      %dma_start3A_77 = tpu.memref_squeeze %dma_start3A_76 : memref<1x1x4096xf32, #tpu.memory_space<hbm>> -> memref<4096xf32, #tpu.memory_space<hbm>>
      tpu.enqueue_dma source(%arg9 : memref<4096xf32, #tpu.memory_space<vmem>>) target(%dma_start3A_77 : memref<4096xf32, #tpu.memory_space<hbm>>) target_semaphore(%arg15 : memref<!tpu.dma_semaphore, #tpu.memory_space<semaphore_mem>>)
      %add3A_78 = arith.constant 2 : i32
      %add3A_79 = arith.addi %add3A_50, %add3A_78 : i32
      %lt3A = arith.constant 200 : i32
      %lt3A_80 = arith.cmpi slt, %add3A_79, %lt3A : i32
      %convert_element_type3A_81 = arith.extui %lt3A_80 : i1 to i32
      %cond3A_82 = arith.constant 0 : i32
      %cond3A_83 = arith.cmpi ne, %convert_element_type3A_81, %cond3A_82 : i32
      scf.if %cond3A_83 {
        %add3A_127 = arith.constant 2 : i32
        %add3A_128 = arith.addi %add3A_50, %add3A_127 : i32
        %mul3A_129 = arith.constant 4096 : i32
        %mul3A_130 = arith.muli %add3A_128, %mul3A_129 : i32
        %dma_start3A_131 = tpu.memref_slice %arg3[%mul3A_130] : memref<819200xi32, #tpu.memory_space<hbm>> -> memref<4096xi32, #tpu.memory_space<hbm>>
        %dma_start3A_132 = tpu.memref_slice %arg3[%mul3A_130] : memref<819200xi32, #tpu.memory_space<hbm>> -> memref<4096xi32, #tpu.memory_space<hbm>>
        tpu.enqueue_dma source(%dma_start3A_132 : memref<4096xi32, #tpu.memory_space<hbm>>) target(%arg6 : memref<4096xi32, #tpu.memory_space<vmem>>) target_semaphore(%arg12 : memref<!tpu.dma_semaphore, #tpu.memory_space<semaphore_mem>>)
      } else {
      }
      %mul3A_84 = arith.constant 2 : i32
      %mul3A_85 = arith.muli %mul3A_84, %scan3A_46 : i32
      %add3A_86 = arith.constant 1 : i32
      %add3A_87 = arith.addi %mul3A_85, %add3A_86 : i32
      %dma_wait3A_88 = arith.constant 0 : i32
      %dma_wait3A_89 = tpu.memref_slice %arg3[%dma_wait3A_88] : memref<819200xi32, #tpu.memory_space<hbm>> -> memref<4096xi32, #tpu.memory_space<hbm>>
      %dma_wait3A_90 = arith.constant 0 : i32
      %dma_wait3A_91 = tpu.memref_slice %arg3[%dma_wait3A_90] : memref<819200xi32, #tpu.memory_space<hbm>> -> memref<4096xi32, #tpu.memory_space<hbm>>
      tpu.wait_dma2 semaphore(%arg13 : memref<!tpu.dma_semaphore, #tpu.memory_space<semaphore_mem>>) src(%dma_wait3A_91 : memref<4096xi32, #tpu.memory_space<hbm>>) dst(%arg7 : memref<4096xi32, #tpu.memory_space<vmem>>)
      %ge3A_92 = arith.constant 2 : i32
      %ge3A_93 = arith.cmpi sge, %add3A_87, %ge3A_92 : i32
      %convert_element_type3A_94 = arith.extui %ge3A_93 : i1 to i32
      %cond3A_95 = arith.constant 0 : i32
      %cond3A_96 = arith.cmpi ne, %convert_element_type3A_94, %cond3A_95 : i32
      scf.if %cond3A_96 {
        %dma_wait3A_127 = arith.constant 0 : i32
        %dma_wait3A_128 = arith.constant 0 : i32
        %dma_wait3A_129 = arith.constant 0 : i32
        %dma_wait3A_130 = tpu.memref_slice %arg4[%dma_wait3A_127, %dma_wait3A_128, %dma_wait3A_129] : memref<200x64x4096xf32, #tpu.memory_space<hbm>> -> memref<1x1x4096xf32, #tpu.memory_space<hbm>>
        %dma_wait3A_131 = tpu.memref_squeeze %dma_wait3A_130 : memref<1x1x4096xf32, #tpu.memory_space<hbm>> -> memref<4096xf32, #tpu.memory_space<hbm>>
        %dma_wait3A_132 = arith.constant 0 : i32
        %dma_wait3A_133 = tpu.memref_slice %arg4[%dma_wait3A_127, %dma_wait3A_128, %dma_wait3A_132] : memref<200x64x4096xf32, #tpu.memory_space<hbm>> -> memref<1x1x4096xf32, #tpu.memory_space<hbm>>
        %dma_wait3A_134 = tpu.memref_squeeze %dma_wait3A_133 : memref<1x1x4096xf32, #tpu.memory_space<hbm>> -> memref<4096xf32, #tpu.memory_space<hbm>>
        tpu.wait_dma2 semaphore(%arg16 : memref<!tpu.dma_semaphore, #tpu.memory_space<semaphore_mem>>) src(%arg10 : memref<4096xf32, #tpu.memory_space<vmem>>) dst(%dma_wait3A_134 : memref<4096xf32, #tpu.memory_space<hbm>>)
        %dma_wait3A_135 = arith.constant 0 : i32
        %dma_wait3A_136 = arith.constant 0 : i32
        %dma_wait3A_137 = arith.constant 0 : i32
        %dma_wait3A_138 = tpu.memref_slice %arg4[%dma_wait3A_135, %dma_wait3A_136, %dma_wait3A_137] : memref<200x64x4096xf32, #tpu.memory_space<hbm>> -> memref<1x1x4096xf32, #tpu.memory_space<hbm>>
        %dma_wait3A_139 = tpu.memref_squeeze %dma_wait3A_138 : memref<1x1x4096xf32, #tpu.memory_space<hbm>> -> memref<4096xf32, #tpu.memory_space<hbm>>
        %dma_wait3A_140 = arith.constant 0 : i32
        %dma_wait3A_141 = tpu.memref_slice %arg4[%dma_wait3A_135, %dma_wait3A_136, %dma_wait3A_140] : memref<200x64x4096xf32, #tpu.memory_space<hbm>> -> memref<1x1x4096xf32, #tpu.memory_space<hbm>>
        %dma_wait3A_142 = tpu.memref_squeeze %dma_wait3A_141 : memref<1x1x4096xf32, #tpu.memory_space<hbm>> -> memref<4096xf32, #tpu.memory_space<hbm>>
        tpu.wait_dma2 semaphore(%arg17 : memref<!tpu.dma_semaphore, #tpu.memory_space<semaphore_mem>>) src(%arg11 : memref<4096xf32, #tpu.memory_space<vmem>>) dst(%dma_wait3A_142 : memref<4096xf32, #tpu.memory_space<hbm>>)
      } else {
      }
      %broadcast_in_dim3A_97 = arith.constant 0 : i32
      %broadcast_in_dim3A_98 = vector.broadcast %broadcast_in_dim3A_97 : i32 to vector<16xi32>
      %add3A_99 = vector.broadcast %add3A_87 : i32 to vector<16xi32>
      %add3A_100 = arith.addi %broadcast_in_dim3A_98, %add3A_99 : vector<16xi32>
      %parallel_loop3A_101 = arith.constant 0 : i32
      %parallel_loop3A_102 = arith.constant 256 : i32
      %parallel_loop3A_103 = arith.constant 8 : i32
      scf.for %parallel_loop3A_127 = %parallel_loop3A_101 to %parallel_loop3A_102 step %parallel_loop3A_103  : i32 {
        %parallel_loop3A_128 = arith.constant 0 : i32
        %parallel_loop3A_129 = arith.addi %parallel_loop3A_127, %parallel_loop3A_128 : i32
        %parallel_loop3A_130 = arith.constant 16 : i32
        %parallel_loop3A_131 = arith.muli %parallel_loop3A_129, %parallel_loop3A_130 : i32
        %parallel_loop3A_132 = arith.index_cast %parallel_loop3A_131 : i32 to index
        %parallel_loop3A_133 = tpu.vector_load %arg7[%parallel_loop3A_132] {strides = array<i32>} : memref<4096xi32, #tpu.memory_space<vmem>>, vector<16xi32>,
        %parallel_loop3A_134 = tpu.vector_load_idx %arg5[%add3A_100, %parallel_loop3A_133] : memref<200x200xi32, #tpu.memory_space<vmem>>[vector<16xi32>, vector<16xi32>], vector<16xi32>,
        %parallel_loop3A_135 = arith.constant 16 : i32
        %parallel_loop3A_136 = vector.broadcast %parallel_loop3A_135 : i32 to vector<16xi32>
        %parallel_loop3A_137 = arith.shli %parallel_loop3A_134, %parallel_loop3A_136 : vector<16xi32>
        %parallel_loop3A_138 = vector.bitcast %parallel_loop3A_137 : vector<16xi32> to vector<16xf32>
        %parallel_loop3A_139 = arith.index_cast %parallel_loop3A_131 : i32 to index
        %parallel_loop3A_140 = tpu.vector_load %arg10[%parallel_loop3A_139] {strides = array<i32>} : memref<4096xf32, #tpu.memory_space<vmem>>, vector<16xf32>,
        tpu.vector_store %arg10[%parallel_loop3A_139], %parallel_loop3A_138 {strides = array<i32>} : memref<4096xf32, #tpu.memory_space<vmem>>, vector<16xf32>,
        %parallel_loop3A_141 = arith.constant -65536 : i32
        %parallel_loop3A_142 = vector.broadcast %parallel_loop3A_141 : i32 to vector<16xi32>
        %parallel_loop3A_143 = arith.andi %parallel_loop3A_134, %parallel_loop3A_142 : vector<16xi32>
        %parallel_loop3A_144 = vector.bitcast %parallel_loop3A_143 : vector<16xi32> to vector<16xf32>
        %parallel_loop3A_145 = arith.index_cast %parallel_loop3A_131 : i32 to index
        %parallel_loop3A_146 = tpu.vector_load %arg11[%parallel_loop3A_145] {strides = array<i32>} : memref<4096xf32, #tpu.memory_space<vmem>>, vector<16xf32>,
        tpu.vector_store %arg11[%parallel_loop3A_145], %parallel_loop3A_144 {strides = array<i32>} : memref<4096xf32, #tpu.memory_space<vmem>>, vector<16xf32>,
        %parallel_loop3A_147 = arith.constant 1 : i32
        %parallel_loop3A_148 = arith.addi %parallel_loop3A_127, %parallel_loop3A_147 : i32
        %parallel_loop3A_149 = arith.constant 16 : i32
        %parallel_loop3A_150 = arith.muli %parallel_loop3A_148, %parallel_loop3A_149 : i32
        %parallel_loop3A_151 = arith.index_cast %parallel_loop3A_150 : i32 to index
        %parallel_loop3A_152 = tpu.vector_load %arg7[%parallel_loop3A_151] {strides = array<i32>} : memref<4096xi32, #tpu.memory_space<vmem>>, vector<16xi32>,
        %parallel_loop3A_153 = tpu.vector_load_idx %arg5[%add3A_100, %parallel_loop3A_152] : memref<200x200xi32, #tpu.memory_space<vmem>>[vector<16xi32>, vector<16xi32>], vector<16xi32>,
        %parallel_loop3A_154 = arith.constant 16 : i32
        %parallel_loop3A_155 = vector.broadcast %parallel_loop3A_154 : i32 to vector<16xi32>
        %parallel_loop3A_156 = arith.shli %parallel_loop3A_153, %parallel_loop3A_155 : vector<16xi32>
        %parallel_loop3A_157 = vector.bitcast %parallel_loop3A_156 : vector<16xi32> to vector<16xf32>
        %parallel_loop3A_158 = arith.index_cast %parallel_loop3A_150 : i32 to index
        %parallel_loop3A_159 = tpu.vector_load %arg10[%parallel_loop3A_158] {strides = array<i32>} : memref<4096xf32, #tpu.memory_space<vmem>>, vector<16xf32>,
        tpu.vector_store %arg10[%parallel_loop3A_158], %parallel_loop3A_157 {strides = array<i32>} : memref<4096xf32, #tpu.memory_space<vmem>>, vector<16xf32>,
        %parallel_loop3A_160 = arith.constant -65536 : i32
        %parallel_loop3A_161 = vector.broadcast %parallel_loop3A_160 : i32 to vector<16xi32>
        %parallel_loop3A_162 = arith.andi %parallel_loop3A_153, %parallel_loop3A_161 : vector<16xi32>
        %parallel_loop3A_163 = vector.bitcast %parallel_loop3A_162 : vector<16xi32> to vector<16xf32>
        %parallel_loop3A_164 = arith.index_cast %parallel_loop3A_150 : i32 to index
        %parallel_loop3A_165 = tpu.vector_load %arg11[%parallel_loop3A_164] {strides = array<i32>} : memref<4096xf32, #tpu.memory_space<vmem>>, vector<16xf32>,
        tpu.vector_store %arg11[%parallel_loop3A_164], %parallel_loop3A_163 {strides = array<i32>} : memref<4096xf32, #tpu.memory_space<vmem>>, vector<16xf32>,
        %parallel_loop3A_166 = arith.constant 2 : i32
        %parallel_loop3A_167 = arith.addi %parallel_loop3A_127, %parallel_loop3A_166 : i32
        %parallel_loop3A_168 = arith.constant 16 : i32
        %parallel_loop3A_169 = arith.muli %parallel_loop3A_167, %parallel_loop3A_168 : i32
        %parallel_loop3A_170 = arith.index_cast %parallel_loop3A_169 : i32 to index
        %parallel_loop3A_171 = tpu.vector_load %arg7[%parallel_loop3A_170] {strides = array<i32>} : memref<4096xi32, #tpu.memory_space<vmem>>, vector<16xi32>,
        %parallel_loop3A_172 = tpu.vector_load_idx %arg5[%add3A_100, %parallel_loop3A_171] : memref<200x200xi32, #tpu.memory_space<vmem>>[vector<16xi32>, vector<16xi32>], vector<16xi32>,
        %parallel_loop3A_173 = arith.constant 16 : i32
        %parallel_loop3A_174 = vector.broadcast %parallel_loop3A_173 : i32 to vector<16xi32>
        %parallel_loop3A_175 = arith.shli %parallel_loop3A_172, %parallel_loop3A_174 : vector<16xi32>
        %parallel_loop3A_176 = vector.bitcast %parallel_loop3A_175 : vector<16xi32> to vector<16xf32>
        %parallel_loop3A_177 = arith.index_cast %parallel_loop3A_169 : i32 to index
        %parallel_loop3A_178 = tpu.vector_load %arg10[%parallel_loop3A_177] {strides = array<i32>} : memref<4096xf32, #tpu.memory_space<vmem>>, vector<16xf32>,
        tpu.vector_store %arg10[%parallel_loop3A_177], %parallel_loop3A_176 {strides = array<i32>} : memref<4096xf32, #tpu.memory_space<vmem>>, vector<16xf32>,
        %parallel_loop3A_179 = arith.constant -65536 : i32
        %parallel_loop3A_180 = vector.broadcast %parallel_loop3A_179 : i32 to vector<16xi32>
        %parallel_loop3A_181 = arith.andi %parallel_loop3A_172, %parallel_loop3A_180 : vector<16xi32>
        %parallel_loop3A_182 = vector.bitcast %parallel_loop3A_181 : vector<16xi32> to vector<16xf32>
        %parallel_loop3A_183 = arith.index_cast %parallel_loop3A_169 : i32 to index
        %parallel_loop3A_184 = tpu.vector_load %arg11[%parallel_loop3A_183] {strides = array<i32>} : memref<4096xf32, #tpu.memory_space<vmem>>, vector<16xf32>,
        tpu.vector_store %arg11[%parallel_loop3A_183], %parallel_loop3A_182 {strides = array<i32>} : memref<4096xf32, #tpu.memory_space<vmem>>, vector<16xf32>,
        %parallel_loop3A_185 = arith.constant 3 : i32
        %parallel_loop3A_186 = arith.addi %parallel_loop3A_127, %parallel_loop3A_185 : i32
        %parallel_loop3A_187 = arith.constant 16 : i32
        %parallel_loop3A_188 = arith.muli %parallel_loop3A_186, %parallel_loop3A_187 : i32
        %parallel_loop3A_189 = arith.index_cast %parallel_loop3A_188 : i32 to index
        %parallel_loop3A_190 = tpu.vector_load %arg7[%parallel_loop3A_189] {strides = array<i32>} : memref<4096xi32, #tpu.memory_space<vmem>>, vector<16xi32>,
        %parallel_loop3A_191 = tpu.vector_load_idx %arg5[%add3A_100, %parallel_loop3A_190] : memref<200x200xi32, #tpu.memory_space<vmem>>[vector<16xi32>, vector<16xi32>], vector<16xi32>,
        %parallel_loop3A_192 = arith.constant 16 : i32
        %parallel_loop3A_193 = vector.broadcast %parallel_loop3A_192 : i32 to vector<16xi32>
        %parallel_loop3A_194 = arith.shli %parallel_loop3A_191, %parallel_loop3A_193 : vector<16xi32>
        %parallel_loop3A_195 = vector.bitcast %parallel_loop3A_194 : vector<16xi32> to vector<16xf32>
        %parallel_loop3A_196 = arith.index_cast %parallel_loop3A_188 : i32 to index
        %parallel_loop3A_197 = tpu.vector_load %arg10[%parallel_loop3A_196] {strides = array<i32>} : memref<4096xf32, #tpu.memory_space<vmem>>, vector<16xf32>,
        tpu.vector_store %arg10[%parallel_loop3A_196], %parallel_loop3A_195 {strides = array<i32>} : memref<4096xf32, #tpu.memory_space<vmem>>, vector<16xf32>,
        %parallel_loop3A_198 = arith.constant -65536 : i32
        %parallel_loop3A_199 = vector.broadcast %parallel_loop3A_198 : i32 to vector<16xi32>
        %parallel_loop3A_200 = arith.andi %parallel_loop3A_191, %parallel_loop3A_199 : vector<16xi32>
        %parallel_loop3A_201 = vector.bitcast %parallel_loop3A_200 : vector<16xi32> to vector<16xf32>
        %parallel_loop3A_202 = arith.index_cast %parallel_loop3A_188 : i32 to index
        %parallel_loop3A_203 = tpu.vector_load %arg11[%parallel_loop3A_202] {strides = array<i32>} : memref<4096xf32, #tpu.memory_space<vmem>>, vector<16xf32>,
        tpu.vector_store %arg11[%parallel_loop3A_202], %parallel_loop3A_201 {strides = array<i32>} : memref<4096xf32, #tpu.memory_space<vmem>>, vector<16xf32>,
        %parallel_loop3A_204 = arith.constant 4 : i32
        %parallel_loop3A_205 = arith.addi %parallel_loop3A_127, %parallel_loop3A_204 : i32
        %parallel_loop3A_206 = arith.constant 16 : i32
        %parallel_loop3A_207 = arith.muli %parallel_loop3A_205, %parallel_loop3A_206 : i32
        %parallel_loop3A_208 = arith.index_cast %parallel_loop3A_207 : i32 to index
        %parallel_loop3A_209 = tpu.vector_load %arg7[%parallel_loop3A_208] {strides = array<i32>} : memref<4096xi32, #tpu.memory_space<vmem>>, vector<16xi32>,
        %parallel_loop3A_210 = tpu.vector_load_idx %arg5[%add3A_100, %parallel_loop3A_209] : memref<200x200xi32, #tpu.memory_space<vmem>>[vector<16xi32>, vector<16xi32>], vector<16xi32>,
        %parallel_loop3A_211 = arith.constant 16 : i32
        %parallel_loop3A_212 = vector.broadcast %parallel_loop3A_211 : i32 to vector<16xi32>
        %parallel_loop3A_213 = arith.shli %parallel_loop3A_210, %parallel_loop3A_212 : vector<16xi32>
        %parallel_loop3A_214 = vector.bitcast %parallel_loop3A_213 : vector<16xi32> to vector<16xf32>
        %parallel_loop3A_215 = arith.index_cast %parallel_loop3A_207 : i32 to index
        %parallel_loop3A_216 = tpu.vector_load %arg10[%parallel_loop3A_215] {strides = array<i32>} : memref<4096xf32, #tpu.memory_space<vmem>>, vector<16xf32>,
        tpu.vector_store %arg10[%parallel_loop3A_215], %parallel_loop3A_214 {strides = array<i32>} : memref<4096xf32, #tpu.memory_space<vmem>>, vector<16xf32>,
        %parallel_loop3A_217 = arith.constant -65536 : i32
        %parallel_loop3A_218 = vector.broadcast %parallel_loop3A_217 : i32 to vector<16xi32>
        %parallel_loop3A_219 = arith.andi %parallel_loop3A_210, %parallel_loop3A_218 : vector<16xi32>
        %parallel_loop3A_220 = vector.bitcast %parallel_loop3A_219 : vector<16xi32> to vector<16xf32>
        %parallel_loop3A_221 = arith.index_cast %parallel_loop3A_207 : i32 to index
        %parallel_loop3A_222 = tpu.vector_load %arg11[%parallel_loop3A_221] {strides = array<i32>} : memref<4096xf32, #tpu.memory_space<vmem>>, vector<16xf32>,
        tpu.vector_store %arg11[%parallel_loop3A_221], %parallel_loop3A_220 {strides = array<i32>} : memref<4096xf32, #tpu.memory_space<vmem>>, vector<16xf32>,
        %parallel_loop3A_223 = arith.constant 5 : i32
        %parallel_loop3A_224 = arith.addi %parallel_loop3A_127, %parallel_loop3A_223 : i32
        %parallel_loop3A_225 = arith.constant 16 : i32
        %parallel_loop3A_226 = arith.muli %parallel_loop3A_224, %parallel_loop3A_225 : i32
        %parallel_loop3A_227 = arith.index_cast %parallel_loop3A_226 : i32 to index
        %parallel_loop3A_228 = tpu.vector_load %arg7[%parallel_loop3A_227] {strides = array<i32>} : memref<4096xi32, #tpu.memory_space<vmem>>, vector<16xi32>,
        %parallel_loop3A_229 = tpu.vector_load_idx %arg5[%add3A_100, %parallel_loop3A_228] : memref<200x200xi32, #tpu.memory_space<vmem>>[vector<16xi32>, vector<16xi32>], vector<16xi32>,
        %parallel_loop3A_230 = arith.constant 16 : i32
        %parallel_loop3A_231 = vector.broadcast %parallel_loop3A_230 : i32 to vector<16xi32>
        %parallel_loop3A_232 = arith.shli %parallel_loop3A_229, %parallel_loop3A_231 : vector<16xi32>
        %parallel_loop3A_233 = vector.bitcast %parallel_loop3A_232 : vector<16xi32> to vector<16xf32>
        %parallel_loop3A_234 = arith.index_cast %parallel_loop3A_226 : i32 to index
        %parallel_loop3A_235 = tpu.vector_load %arg10[%parallel_loop3A_234] {strides = array<i32>} : memref<4096xf32, #tpu.memory_space<vmem>>, vector<16xf32>,
        tpu.vector_store %arg10[%parallel_loop3A_234], %parallel_loop3A_233 {strides = array<i32>} : memref<4096xf32, #tpu.memory_space<vmem>>, vector<16xf32>,
        %parallel_loop3A_236 = arith.constant -65536 : i32
        %parallel_loop3A_237 = vector.broadcast %parallel_loop3A_236 : i32 to vector<16xi32>
        %parallel_loop3A_238 = arith.andi %parallel_loop3A_229, %parallel_loop3A_237 : vector<16xi32>
        %parallel_loop3A_239 = vector.bitcast %parallel_loop3A_238 : vector<16xi32> to vector<16xf32>
        %parallel_loop3A_240 = arith.index_cast %parallel_loop3A_226 : i32 to index
        %parallel_loop3A_241 = tpu.vector_load %arg11[%parallel_loop3A_240] {strides = array<i32>} : memref<4096xf32, #tpu.memory_space<vmem>>, vector<16xf32>,
        tpu.vector_store %arg11[%parallel_loop3A_240], %parallel_loop3A_239 {strides = array<i32>} : memref<4096xf32, #tpu.memory_space<vmem>>, vector<16xf32>,
        %parallel_loop3A_242 = arith.constant 6 : i32
        %parallel_loop3A_243 = arith.addi %parallel_loop3A_127, %parallel_loop3A_242 : i32
        %parallel_loop3A_244 = arith.constant 16 : i32
        %parallel_loop3A_245 = arith.muli %parallel_loop3A_243, %parallel_loop3A_244 : i32
        %parallel_loop3A_246 = arith.index_cast %parallel_loop3A_245 : i32 to index
        %parallel_loop3A_247 = tpu.vector_load %arg7[%parallel_loop3A_246] {strides = array<i32>} : memref<4096xi32, #tpu.memory_space<vmem>>, vector<16xi32>,
        %parallel_loop3A_248 = tpu.vector_load_idx %arg5[%add3A_100, %parallel_loop3A_247] : memref<200x200xi32, #tpu.memory_space<vmem>>[vector<16xi32>, vector<16xi32>], vector<16xi32>,
        %parallel_loop3A_249 = arith.constant 16 : i32
        %parallel_loop3A_250 = vector.broadcast %parallel_loop3A_249 : i32 to vector<16xi32>
        %parallel_loop3A_251 = arith.shli %parallel_loop3A_248, %parallel_loop3A_250 : vector<16xi32>
        %parallel_loop3A_252 = vector.bitcast %parallel_loop3A_251 : vector<16xi32> to vector<16xf32>
        %parallel_loop3A_253 = arith.index_cast %parallel_loop3A_245 : i32 to index
        %parallel_loop3A_254 = tpu.vector_load %arg10[%parallel_loop3A_253] {strides = array<i32>} : memref<4096xf32, #tpu.memory_space<vmem>>, vector<16xf32>,
        tpu.vector_store %arg10[%parallel_loop3A_253], %parallel_loop3A_252 {strides = array<i32>} : memref<4096xf32, #tpu.memory_space<vmem>>, vector<16xf32>,
        %parallel_loop3A_255 = arith.constant -65536 : i32
        %parallel_loop3A_256 = vector.broadcast %parallel_loop3A_255 : i32 to vector<16xi32>
        %parallel_loop3A_257 = arith.andi %parallel_loop3A_248, %parallel_loop3A_256 : vector<16xi32>
        %parallel_loop3A_258 = vector.bitcast %parallel_loop3A_257 : vector<16xi32> to vector<16xf32>
        %parallel_loop3A_259 = arith.index_cast %parallel_loop3A_245 : i32 to index
        %parallel_loop3A_260 = tpu.vector_load %arg11[%parallel_loop3A_259] {strides = array<i32>} : memref<4096xf32, #tpu.memory_space<vmem>>, vector<16xf32>,
        tpu.vector_store %arg11[%parallel_loop3A_259], %parallel_loop3A_258 {strides = array<i32>} : memref<4096xf32, #tpu.memory_space<vmem>>, vector<16xf32>,
        %parallel_loop3A_261 = arith.constant 7 : i32
        %parallel_loop3A_262 = arith.addi %parallel_loop3A_127, %parallel_loop3A_261 : i32
        %parallel_loop3A_263 = arith.constant 16 : i32
        %parallel_loop3A_264 = arith.muli %parallel_loop3A_262, %parallel_loop3A_263 : i32
        %parallel_loop3A_265 = arith.index_cast %parallel_loop3A_264 : i32 to index
        %parallel_loop3A_266 = tpu.vector_load %arg7[%parallel_loop3A_265] {strides = array<i32>} : memref<4096xi32, #tpu.memory_space<vmem>>, vector<16xi32>,
        %parallel_loop3A_267 = tpu.vector_load_idx %arg5[%add3A_100, %parallel_loop3A_266] : memref<200x200xi32, #tpu.memory_space<vmem>>[vector<16xi32>, vector<16xi32>], vector<16xi32>,
        %parallel_loop3A_268 = arith.constant 16 : i32
        %parallel_loop3A_269 = vector.broadcast %parallel_loop3A_268 : i32 to vector<16xi32>
        %parallel_loop3A_270 = arith.shli %parallel_loop3A_267, %parallel_loop3A_269 : vector<16xi32>
        %parallel_loop3A_271 = vector.bitcast %parallel_loop3A_270 : vector<16xi32> to vector<16xf32>
        %parallel_loop3A_272 = arith.index_cast %parallel_loop3A_264 : i32 to index
        %parallel_loop3A_273 = tpu.vector_load %arg10[%parallel_loop3A_272] {strides = array<i32>} : memref<4096xf32, #tpu.memory_space<vmem>>, vector<16xf32>,
        tpu.vector_store %arg10[%parallel_loop3A_272], %parallel_loop3A_271 {strides = array<i32>} : memref<4096xf32, #tpu.memory_space<vmem>>, vector<16xf32>,
        %parallel_loop3A_274 = arith.constant -65536 : i32
        %parallel_loop3A_275 = vector.broadcast %parallel_loop3A_274 : i32 to vector<16xi32>
        %parallel_loop3A_276 = arith.andi %parallel_loop3A_267, %parallel_loop3A_275 : vector<16xi32>
        %parallel_loop3A_277 = vector.bitcast %parallel_loop3A_276 : vector<16xi32> to vector<16xf32>
        %parallel_loop3A_278 = arith.index_cast %parallel_loop3A_264 : i32 to index
        %parallel_loop3A_279 = tpu.vector_load %arg11[%parallel_loop3A_278] {strides = array<i32>} : memref<4096xf32, #tpu.memory_space<vmem>>, vector<16xf32>,
        tpu.vector_store %arg11[%parallel_loop3A_278], %parallel_loop3A_277 {strides = array<i32>} : memref<4096xf32, #tpu.memory_space<vmem>>, vector<16xf32>,
      } {sc.loop_unroll_factor = 4 : i64, sc.parallel_access}
      %add3A_104 = arith.constant 0 : i32
      %add3A_105 = arith.addi %mul3A_2, %add3A_104 : i32
      %dma_start3A_106 = arith.constant 0 : i32
      %dma_start3A_107 = tpu.memref_slice %arg4[%add3A_87, %add3A_105, %dma_start3A_106] : memref<200x64x4096xf32, #tpu.memory_space<hbm>> -> memref<1x1x4096xf32, #tpu.memory_space<hbm>>
      %dma_start3A_108 = tpu.memref_squeeze %dma_start3A_107 : memref<1x1x4096xf32, #tpu.memory_space<hbm>> -> memref<4096xf32, #tpu.memory_space<hbm>>
      %dma_start3A_109 = arith.constant 0 : i32
      %dma_start3A_110 = tpu.memref_slice %arg4[%add3A_87, %add3A_105, %dma_start3A_109] : memref<200x64x4096xf32, #tpu.memory_space<hbm>> -> memref<1x1x4096xf32, #tpu.memory_space<hbm>>
      %dma_start3A_111 = tpu.memref_squeeze %dma_start3A_110 : memref<1x1x4096xf32, #tpu.memory_space<hbm>> -> memref<4096xf32, #tpu.memory_space<hbm>>
      tpu.enqueue_dma source(%arg10 : memref<4096xf32, #tpu.memory_space<vmem>>) target(%dma_start3A_111 : memref<4096xf32, #tpu.memory_space<hbm>>) target_semaphore(%arg16 : memref<!tpu.dma_semaphore, #tpu.memory_space<semaphore_mem>>)
      %add3A_112 = arith.constant 1 : i32
      %add3A_113 = arith.addi %mul3A_2, %add3A_112 : i32
      %dma_start3A_114 = arith.constant 0 : i32
      %dma_start3A_115 = tpu.memref_slice %arg4[%add3A_87, %add3A_113, %dma_start3A_114] : memref<200x64x4096xf32, #tpu.memory_space<hbm>> -> memref<1x1x4096xf32, #tpu.memory_space<hbm>>
      %dma_start3A_116 = tpu.memref_squeeze %dma_start3A_115 : memref<1x1x4096xf32, #tpu.memory_space<hbm>> -> memref<4096xf32, #tpu.memory_space<hbm>>
      %dma_start3A_117 = arith.constant 0 : i32
      %dma_start3A_118 = tpu.memref_slice %arg4[%add3A_87, %add3A_113, %dma_start3A_117] : memref<200x64x4096xf32, #tpu.memory_space<hbm>> -> memref<1x1x4096xf32, #tpu.memory_space<hbm>>
      %dma_start3A_119 = tpu.memref_squeeze %dma_start3A_118 : memref<1x1x4096xf32, #tpu.memory_space<hbm>> -> memref<4096xf32, #tpu.memory_space<hbm>>
      tpu.enqueue_dma source(%arg11 : memref<4096xf32, #tpu.memory_space<vmem>>) target(%dma_start3A_119 : memref<4096xf32, #tpu.memory_space<hbm>>) target_semaphore(%arg17 : memref<!tpu.dma_semaphore, #tpu.memory_space<semaphore_mem>>)
      %add3A_120 = arith.constant 2 : i32
      %add3A_121 = arith.addi %add3A_87, %add3A_120 : i32
      %lt3A_122 = arith.constant 200 : i32
      %lt3A_123 = arith.cmpi slt, %add3A_121, %lt3A_122 : i32
      %convert_element_type3A_124 = arith.extui %lt3A_123 : i1 to i32
      %cond3A_125 = arith.constant 0 : i32
      %cond3A_126 = arith.cmpi ne, %convert_element_type3A_124, %cond3A_125 : i32
      scf.if %cond3A_126 {
        %add3A_127 = arith.constant 2 : i32
        %add3A_128 = arith.addi %add3A_87, %add3A_127 : i32
        %mul3A_129 = arith.constant 4096 : i32
        %mul3A_130 = arith.muli %add3A_128, %mul3A_129 : i32
        %dma_start3A_131 = tpu.memref_slice %arg3[%mul3A_130] : memref<819200xi32, #tpu.memory_space<hbm>> -> memref<4096xi32, #tpu.memory_space<hbm>>
        %dma_start3A_132 = tpu.memref_slice %arg3[%mul3A_130] : memref<819200xi32, #tpu.memory_space<hbm>> -> memref<4096xi32, #tpu.memory_space<hbm>>
        tpu.enqueue_dma source(%dma_start3A_132 : memref<4096xi32, #tpu.memory_space<hbm>>) target(%arg7 : memref<4096xi32, #tpu.memory_space<vmem>>) target_semaphore(%arg13 : memref<!tpu.dma_semaphore, #tpu.memory_space<semaphore_mem>>)
      } else {
      }
    }
    %scan3A_14 = arith.constant 100 : i32
    %dma_wait3A = arith.constant 0 : i32
    %dma_wait3A_15 = arith.constant 0 : i32
    %dma_wait3A_16 = arith.constant 0 : i32
    %dma_wait3A_17 = tpu.memref_slice %arg4[%dma_wait3A, %dma_wait3A_15, %dma_wait3A_16] : memref<200x64x4096xf32, #tpu.memory_space<hbm>> -> memref<1x1x4096xf32, #tpu.memory_space<hbm>>
    %dma_wait3A_18 = tpu.memref_squeeze %dma_wait3A_17 : memref<1x1x4096xf32, #tpu.memory_space<hbm>> -> memref<4096xf32, #tpu.memory_space<hbm>>
    %dma_wait3A_19 = arith.constant 0 : i32
    %dma_wait3A_20 = tpu.memref_slice %arg4[%dma_wait3A, %dma_wait3A_15, %dma_wait3A_19] : memref<200x64x4096xf32, #tpu.memory_space<hbm>> -> memref<1x1x4096xf32, #tpu.memory_space<hbm>>
    %dma_wait3A_21 = tpu.memref_squeeze %dma_wait3A_20 : memref<1x1x4096xf32, #tpu.memory_space<hbm>> -> memref<4096xf32, #tpu.memory_space<hbm>>
    tpu.wait_dma2 semaphore(%arg14 : memref<!tpu.dma_semaphore, #tpu.memory_space<semaphore_mem>>) src(%arg8 : memref<4096xf32, #tpu.memory_space<vmem>>) dst(%dma_wait3A_21 : memref<4096xf32, #tpu.memory_space<hbm>>)
    %dma_wait3A_22 = arith.constant 0 : i32
    %dma_wait3A_23 = arith.constant 0 : i32
    %dma_wait3A_24 = arith.constant 0 : i32
    %dma_wait3A_25 = tpu.memref_slice %arg4[%dma_wait3A_22, %dma_wait3A_23, %dma_wait3A_24] : memref<200x64x4096xf32, #tpu.memory_space<hbm>> -> memref<1x1x4096xf32, #tpu.memory_space<hbm>>
    %dma_wait3A_26 = tpu.memref_squeeze %dma_wait3A_25 : memref<1x1x4096xf32, #tpu.memory_space<hbm>> -> memref<4096xf32, #tpu.memory_space<hbm>>
    %dma_wait3A_27 = arith.constant 0 : i32
    %dma_wait3A_28 = tpu.memref_slice %arg4[%dma_wait3A_22, %dma_wait3A_23, %dma_wait3A_27] : memref<200x64x4096xf32, #tpu.memory_space<hbm>> -> memref<1x1x4096xf32, #tpu.memory_space<hbm>>
    %dma_wait3A_29 = tpu.memref_squeeze %dma_wait3A_28 : memref<1x1x4096xf32, #tpu.memory_space<hbm>> -> memref<4096xf32, #tpu.memory_space<hbm>>
    tpu.wait_dma2 semaphore(%arg15 : memref<!tpu.dma_semaphore, #tpu.memory_space<semaphore_mem>>) src(%arg9 : memref<4096xf32, #tpu.memory_space<vmem>>) dst(%dma_wait3A_29 : memref<4096xf32, #tpu.memory_space<hbm>>)
    %dma_wait3A_30 = arith.constant 0 : i32
    %dma_wait3A_31 = arith.constant 0 : i32
    %dma_wait3A_32 = arith.constant 0 : i32
    %dma_wait3A_33 = tpu.memref_slice %arg4[%dma_wait3A_30, %dma_wait3A_31, %dma_wait3A_32] : memref<200x64x4096xf32, #tpu.memory_space<hbm>> -> memref<1x1x4096xf32, #tpu.memory_space<hbm>>
    %dma_wait3A_34 = tpu.memref_squeeze %dma_wait3A_33 : memref<1x1x4096xf32, #tpu.memory_space<hbm>> -> memref<4096xf32, #tpu.memory_space<hbm>>
    %dma_wait3A_35 = arith.constant 0 : i32
    %dma_wait3A_36 = tpu.memref_slice %arg4[%dma_wait3A_30, %dma_wait3A_31, %dma_wait3A_35] : memref<200x64x4096xf32, #tpu.memory_space<hbm>> -> memref<1x1x4096xf32, #tpu.memory_space<hbm>>
    %dma_wait3A_37 = tpu.memref_squeeze %dma_wait3A_36 : memref<1x1x4096xf32, #tpu.memory_space<hbm>> -> memref<4096xf32, #tpu.memory_space<hbm>>
    tpu.wait_dma2 semaphore(%arg16 : memref<!tpu.dma_semaphore, #tpu.memory_space<semaphore_mem>>) src(%arg10 : memref<4096xf32, #tpu.memory_space<vmem>>) dst(%dma_wait3A_37 : memref<4096xf32, #tpu.memory_space<hbm>>)
    %dma_wait3A_38 = arith.constant 0 : i32
    %dma_wait3A_39 = arith.constant 0 : i32
    %dma_wait3A_40 = arith.constant 0 : i32
    %dma_wait3A_41 = tpu.memref_slice %arg4[%dma_wait3A_38, %dma_wait3A_39, %dma_wait3A_40] : memref<200x64x4096xf32, #tpu.memory_space<hbm>> -> memref<1x1x4096xf32, #tpu.memory_space<hbm>>
    %dma_wait3A_42 = tpu.memref_squeeze %dma_wait3A_41 : memref<1x1x4096xf32, #tpu.memory_space<hbm>> -> memref<4096xf32, #tpu.memory_space<hbm>>
    %dma_wait3A_43 = arith.constant 0 : i32
    %dma_wait3A_44 = tpu.memref_slice %arg4[%dma_wait3A_38, %dma_wait3A_39, %dma_wait3A_43] : memref<200x64x4096xf32, #tpu.memory_space<hbm>> -> memref<1x1x4096xf32, #tpu.memory_space<hbm>>
    %dma_wait3A_45 = tpu.memref_squeeze %dma_wait3A_44 : memref<1x1x4096xf32, #tpu.memory_space<hbm>> -> memref<4096xf32, #tpu.memory_space<hbm>>
    tpu.wait_dma2 semaphore(%arg17 : memref<!tpu.dma_semaphore, #tpu.memory_space<semaphore_mem>>) src(%arg11 : memref<4096xf32, #tpu.memory_space<vmem>>) dst(%dma_wait3A_45 : memref<4096xf32, #tpu.memory_space<hbm>>)
    return
  }
}

module attributes {stable_mosaic.version = 14 : i64} {
  func.func @_lut_t_body(%arg0: i32, %arg1: memref<1x64x8xf32, #tpu.memory_space<vmem>>, %arg2: memref<64x200xf32, #tpu.memory_space<vmem>>, %arg3: memref<64x1x1xf32, #tpu.memory_space<vmem>>, %arg4: memref<64x1x1xf32, #tpu.memory_space<vmem>>, %arg5: memref<32x8x200xi32, #tpu.memory_space<vmem>>) attributes {dimension_semantics = [#tpu.dimension_semantics<arbitrary>], iteration_bounds = array<i64: 25>, scalar_prefetch = 0 : i64, scratch_operands = 0 : i64, tpu.core_type = #tpu.core_type<tc>, window_params = [{transform_indices = @transform_0, window_bounds = array<i64: 1, 64, 8>}, {pipeline_mode = #tpu.pipeline_mode<synchronous>, transform_indices = @transform_1, window_bounds = array<i64: 64, 200>}, {pipeline_mode = #tpu.pipeline_mode<synchronous>, transform_indices = @transform_2, window_bounds = array<i64: 64, 1, 1>}, {pipeline_mode = #tpu.pipeline_mode<synchronous>, transform_indices = @transform_3, window_bounds = array<i64: 64, 1, 1>}, {transform_indices = @transform_4, window_bounds = array<i64: 32, 8, 200>}]} {
    %get3A = arith.constant 0 : index
    %get3A_0 = arith.constant 0 : index
    %get3A_1 = arith.constant 0 : index
    %get3A_2 = vector.load %arg1[%get3A, %get3A_0, %get3A_1] : memref<1x64x8xf32, #tpu.memory_space<vmem>>, vector<1x64x8xf32>
    %get3A_3 = vector.shape_cast %get3A_2 : vector<1x64x8xf32> to vector<64x8xf32>
    %get3A_4 = arith.constant 0 : index
    %get3A_5 = arith.constant 0 : index
    %get3A_6 = vector.load %arg2[%get3A_4, %get3A_5] : memref<64x200xf32, #tpu.memory_space<vmem>>, vector<64x200xf32>
    %broadcast_in_dim3A = vector.shape_cast %get3A_3 : vector<64x8xf32> to vector<64x8x1xf32>
    %broadcast_in_dim3A_7 = vector.shape_cast %get3A_6 : vector<64x200xf32> to vector<64x1x200xf32>
    %add3A = vector.broadcast %broadcast_in_dim3A : vector<64x8x1xf32> to vector<64x8x200xf32>
    %add3A_8 = vector.broadcast %broadcast_in_dim3A_7 : vector<64x1x200xf32> to vector<64x8x200xf32>
    %add3A_9 = arith.addf %add3A, %add3A_8 : vector<64x8x200xf32>
    %reduce_sum3A = arith.constant dense<0.000000e+00> : vector<8x200xf32>
    %reduce_sum3A_10 = vector.multi_reduction <add>, %add3A_9, %reduce_sum3A [0] : vector<64x8x200xf32> to vector<8x200xf32>
    %broadcast_in_dim3A_11 = vector.shape_cast %reduce_sum3A_10 : vector<8x200xf32> to vector<1x8x200xf32>
    %div3A = arith.constant 6.400000e+01 : f32
    %div3A_12 = vector.broadcast %div3A : f32 to vector<1x8x200xf32>
    %div3A_13 = arith.divf %broadcast_in_dim3A_11, %div3A_12 : vector<1x8x200xf32>
    %sub3A = vector.broadcast %div3A_13 : vector<1x8x200xf32> to vector<64x8x200xf32>
    %sub3A_14 = arith.subf %add3A_9, %sub3A : vector<64x8x200xf32>
    %integer_pow3A = arith.mulf %sub3A_14, %sub3A_14 : vector<64x8x200xf32>
    %reduce_sum3A_15 = arith.constant dense<0.000000e+00> : vector<8x200xf32>
    %reduce_sum3A_16 = vector.multi_reduction <add>, %integer_pow3A, %reduce_sum3A_15 [0] : vector<64x8x200xf32> to vector<8x200xf32>
    %broadcast_in_dim3A_17 = vector.shape_cast %reduce_sum3A_16 : vector<8x200xf32> to vector<1x8x200xf32>
    %div3A_18 = arith.constant 6.400000e+01 : f32
    %div3A_19 = vector.broadcast %div3A_18 : f32 to vector<1x8x200xf32>
    %div3A_20 = arith.divf %broadcast_in_dim3A_17, %div3A_19 : vector<1x8x200xf32>
    %sub3A_21 = vector.broadcast %div3A_13 : vector<1x8x200xf32> to vector<64x8x200xf32>
    %sub3A_22 = arith.subf %add3A_9, %sub3A_21 : vector<64x8x200xf32>
    %add3A_23 = arith.constant 9.99999974E-6 : f32
    %add3A_24 = vector.broadcast %add3A_23 : f32 to vector<1x8x200xf32>
    %add3A_25 = arith.addf %div3A_20, %add3A_24 : vector<1x8x200xf32>
    %sqrt3A = math.sqrt %add3A_25 : vector<1x8x200xf32>
    %div3A_26 = vector.broadcast %sqrt3A : vector<1x8x200xf32> to vector<64x8x200xf32>
    %div3A_27 = arith.divf %sub3A_22, %div3A_26 : vector<64x8x200xf32>
    %get3A_28 = arith.constant 0 : index
    %get3A_29 = arith.constant 0 : index
    %get3A_30 = arith.constant 0 : index
    %get3A_31 = vector.load %arg3[%get3A_28, %get3A_29, %get3A_30] : memref<64x1x1xf32, #tpu.memory_space<vmem>>, vector<64x1x1xf32>
    %mul3A = vector.broadcast %get3A_31 : vector<64x1x1xf32> to vector<64x8x200xf32>
    %mul3A_32 = arith.mulf %div3A_27, %mul3A : vector<64x8x200xf32>
    %get3A_33 = arith.constant 0 : index
    %get3A_34 = arith.constant 0 : index
    %get3A_35 = arith.constant 0 : index
    %get3A_36 = vector.load %arg4[%get3A_33, %get3A_34, %get3A_35] : memref<64x1x1xf32, #tpu.memory_space<vmem>>, vector<64x1x1xf32>
    %add3A_37 = vector.broadcast %get3A_36 : vector<64x1x1xf32> to vector<64x8x200xf32>
    %add3A_38 = arith.addf %mul3A_32, %add3A_37 : vector<64x8x200xf32>
    %reshape3A = vector.shape_cast %add3A_38 : vector<64x8x200xf32> to vector<32x2x8x200xf32>
    %slice3A = vector.extract_strided_slice %reshape3A {offsets = [0, 0, 0, 0], sizes = [32, 1, 8, 200], strides = [1, 1, 1, 1]} : vector<32x2x8x200xf32> to vector<32x1x8x200xf32>
    %squeeze3A = vector.shape_cast %slice3A : vector<32x1x8x200xf32> to vector<32x8x200xf32>
    %bitcast_convert_type3A = tpu.bitcast %squeeze3A : vector<32x8x200xf32> -> vector<32x8x200xi32>
    %slice3A_39 = vector.extract_strided_slice %reshape3A {offsets = [0, 1, 0, 0], sizes = [32, 1, 8, 200], strides = [1, 1, 1, 1]} : vector<32x2x8x200xf32> to vector<32x1x8x200xf32>
    %squeeze3A_40 = vector.shape_cast %slice3A_39 : vector<32x1x8x200xf32> to vector<32x8x200xf32>
    %bitcast_convert_type3A_41 = tpu.bitcast %squeeze3A_40 : vector<32x8x200xf32> -> vector<32x8x200xi32>
    %shift_right_logical3A = arith.constant 16 : i32
    %shift_right_logical3A_42 = vector.broadcast %shift_right_logical3A : i32 to vector<32x8x200xi32>
    %shift_right_logical3A_43 = arith.shrui %bitcast_convert_type3A, %shift_right_logical3A_42 : vector<32x8x200xi32>
    %and3A = arith.constant -65536 : i32
    %and3A_44 = vector.broadcast %and3A : i32 to vector<32x8x200xi32>
    %and3A_45 = arith.andi %bitcast_convert_type3A_41, %and3A_44 : vector<32x8x200xi32>
    %or3A = arith.ori %shift_right_logical3A_43, %and3A_45 : vector<32x8x200xi32>
    %bitcast_convert_type3A_46 = tpu.bitcast %or3A : vector<32x8x200xi32> -> vector<32x8x200xi32>
    %swap3A = arith.constant 0 : index
    %swap3A_47 = arith.constant 0 : index
    %swap3A_48 = arith.constant 0 : index
    %swap3A_49 = vector.load %arg5[%swap3A, %swap3A_47, %swap3A_48] : memref<32x8x200xi32, #tpu.memory_space<vmem>>, vector<32x8x200xi32>
    tpu.vector_store %arg5[%swap3A, %swap3A_47, %swap3A_48], %bitcast_convert_type3A_46 {strides = array<i32>} : memref<32x8x200xi32, #tpu.memory_space<vmem>>, vector<32x8x200xi32>,
    return
  }
  func.func @transform_0(%arg0: i32) -> (i32, i32, i32) {
    %c0_i32 = arith.constant 0 : i32
    %c0_i32_0 = arith.constant 0 : i32
    %c0_i32_1 = arith.constant 0 : i32
    return %arg0, %c0_i32, %c0_i32_0 : i32, i32, i32
  }
  func.func @transform_1(%arg0: i32) -> (i32, i32) {
    %c0_i32 = arith.constant 0 : i32
    %c0_i32_0 = arith.constant 0 : i32
    %c0_i32_1 = arith.constant 0 : i32
    return %c0_i32, %c0_i32_0 : i32, i32
  }
  func.func @transform_2(%arg0: i32) -> (i32, i32, i32) {
    %c0_i32 = arith.constant 0 : i32
    %c0_i32_0 = arith.constant 0 : i32
    %c0_i32_1 = arith.constant 0 : i32
    %c0_i32_2 = arith.constant 0 : i32
    return %c0_i32, %c0_i32_0, %c0_i32_1 : i32, i32, i32
  }
  func.func @transform_3(%arg0: i32) -> (i32, i32, i32) {
    %c0_i32 = arith.constant 0 : i32
    %c0_i32_0 = arith.constant 0 : i32
    %c0_i32_1 = arith.constant 0 : i32
    %c0_i32_2 = arith.constant 0 : i32
    return %c0_i32, %c0_i32_0, %c0_i32_1 : i32, i32, i32
  }
  func.func @transform_4(%arg0: i32) -> (i32, i32, i32) {
    %c0_i32 = arith.constant 0 : i32
    %c0_i32_0 = arith.constant 0 : i32
    %c0_i32_1 = arith.constant 0 : i32
    return %c0_i32, %arg0, %c0_i32_0 : i32, i32, i32
  }
}

</mosaic_0001>

<sc_bundles>
// kernel: kernel.4.cloned.1.call-start
scs
__scs_entry_jumppad:
0x0: {  	(pc) =	sbr.rel $0x88, $3  }
0x1: {  	(tag) =	ssettag $0x0;
	lr =	simm.s32 $0x1  }
0x2: {  	[smem:$0x3F9C] =	sst lr;
	_ =	strace $0xD0000000  }
0x3: {  	_ = 	snop  }
0x4: {  	_ = 	snop  }
0x5: {  	_ = 	snop  }
0x6: {  	_ = 	snop  }
0x7: {  	_ = 	snop  }
__scs_overlays_trampoline_lowered:
0x8: {  	[smem:$0x3FAB] =	sst s0  }
0x9: {  	[smem:$0x3FAC] =	sst s1  }
0xa: {  	[smem:$0x3FAD] =	sst s2  }
0xb: {  	[smem:$0x3FAE] =	sst s3  }
0xc: {  	[smem:$0x3FAF] =	sst s4  }
0xd: {  	[smem:$0x3FB0] =	sst s5  }
0xe: {  	[smem:$0x3FB1] =	sst s6  }
0xf: {  	[smem:$0x3FB2] =	sst s7  }
0x10: {  	[smem:$0x3FB3] =	sst s8  }
0x11: {  	[smem:$0x3FB4] =	sst s9;
	s0 =	simm.s32 @!p0 $0x0  }
0x12: {  	s1 =	sld [smem:$0x3F9A];
	s0 =	simm.s32 @p0 $0x1  }
0x13: {  	[smem:$0x3FB5] =	sst s0;
	s0 =	simm.s32 @!p1 $0x0  }
0x14: {  	s2 =	sld [smem:$0x3F99];
	s0 =	simm.s32 @p1 $0x1  }
0x15: {  	[smem:$0x3FB6] =	sst s0;
	s0 =	simm.s32 @!p2 $0x0  }
0x16: {  	s3 =	sld [smem:$0x3FDB];
	s0 =	simm.s32 @p2 $0x1  }
0x17: {  	s4 =	simm.s32 $0x1BF5;
	[smem:$0x3FB8] =	sst s0  }
0x18: {  	s0 =	sld [smem:$0x3F9B];
	_ =	swait.ge [sflag:s4], $0x0  }
0x19: {  	s7 =	sld [smem:$0x3F9C]  }
0x1a: {  	s8 =	sadd.s32 $0xFFFFE003, lr  }
0x1b: {  	s9 =	sadd.s32 $0xFFFFFEF7, lr;
	s5 =	simm.s32 $0xFFFFFFFF;
	p2 =	slt.u32 s8, $0xFFFFF086  }
0x1c: {  	p1 =	slt.u32 s9, $0xF7A;
	s5 =	simm.s32 @!p2 $0x0  }
0x1d: {  	s5 =	simm.s32 @p1 $0x1;
	p0 =	seq.s32 s7, s2  }
0x1e: {  	s7 =	smul.u32 @!p0 $0xF7A, s2;
	p2 =	seq.s32 @!p0 s5, $0x0  }
0x1f: {  	s9 =	smul.u32 $0xF7A, s1;
	s8 =	simm.s32 @!p0 $0x1BF5;
	p2 =	por !p2, p0  }
0x20: {  	[sflag:s8] =	ssyncset.s32 @!p0 $0xFFFFF086;
	s6 =	sadd.s32 @!p0 s3, s7;
	s7 =	simm.s32 @!p0 $0x108  }
0x21: {  	s3 =	sadd.s32 s3, s9;
	s6 =	sadd.s32 @!p0 $0x88, s6;
	s7 =	simm.s32 @p2 $0x1082  }
0x22: {  	[simem:s7], [sflag:s8] =	dma.local @!p0 [hbm:s6], $0xF7A  }
0x23: {  	s9 =	sor.u32 $0xD0000000, s2;
	s6 =	simm.s32 $0x108;
	_ =	swait.ge @!p0 [sflag:s8], $0x0  }
0x24: {  	s3 =	sadd.s32 $0x88, s3;
	s6 =	simm.s32 @!p1 $0x1082;
	[sflag:s4] =	ssyncset.s32 $0xFFFFF086  }
0x25: {  	[simem:s6], [sflag:s4] =	dma.local [hbm:s3], $0xF7A  }
0x26: {  	[smem:$0x3F9C] =	sst s1;
	(tag) =	ssettag s2;
	_ =	strace s9  }
0x27: {  	s1 =	sld [smem:$0x3FAC]  }
0x28: {  	s2 =	sld [smem:$0x3FAD]  }
0x29: {  	s4 =	sld [smem:$0x3FAF]  }
0x2a: {  	p0 =	seq.s32 s5, $0x0;
	s5 =	sld [smem:$0x3FB0]  }
0x2b: {  	s6 =	sld [smem:$0x3FB1]  }
0x2c: {  	s7 =	sld [smem:$0x3FB2]  }
0x2d: {  	s3 =	simm.s32 $0x108;
	s8 =	sld [smem:$0x3FB3]  }
0x2e: {  	s3 =	simm.s32 @!p0 $0x1082;
	s9 =	sld [smem:$0x3FB4]  }
0x2f: {  	lr =	sadd.s32 s0, s3;
	s0 =	sld [smem:$0x3FAB]  }
0x30: {  	s3 =	sld [smem:$0x3FAE]  }
0x31: {  	[smem:$0x3FB7] =	sst s10  }
0x32: {  	s10 =	sld [smem:$0x3FB5];
	_ =	sdelay $0x3  }
0x33: {  	p0 =	seq.s32 s10, $0x1;
	s10 =	sld [smem:$0x3FB7];
	_ =	sdelay $0x3  }
0x34: {  	[smem:$0x3FB7] =	sst s10  }
0x35: {  	s10 =	sld [smem:$0x3FB6];
	_ =	sdelay $0x3  }
0x36: {  	p1 =	seq.s32 s10, $0x1;
	s10 =	sld [smem:$0x3FB7];
	_ =	sdelay $0x3  }
0x37: {  	[smem:$0x3FB7] =	sst s10  }
0x38: {  	s10 =	sld [smem:$0x3FB8]  }
0x39: {  	_ = 	snop;
	(pc) =	sbr.ind lr, $3  }
0x3a: {  	_ = 	snop  }
0x3b: {  	_ = 	snop  }
0x3c: {  	p2 =	seq.s32 s10, $0x1;
	s10 =	sld [smem:$0x3FB7]  }
0x3d: {  	_ =	shalt  }
0x3e: {  	_ =	shalt  }
0x3f: {  	_ =	shalt  }
0x40: {  	_ =	shalt  }
0x41: {  	_ =	shalt  }
0x42: {  	_ =	shalt  }
0x43: {  	_ =	shalt  }
0x44: {  	_ =	shalt  }
0x45: {  	_ =	shalt  }
0x46: {  	_ =	shalt  }
0x47: {  	_ =	shalt  }
0x48: {  	_ =	shalt  }
0x49: {  	_ =	shalt  }
0x4a: {  	_ =	shalt  }
0x4b: {  	_ =	shalt  }
0x4c: {  	_ =	shalt  }
0x4d: {  	_ =	shalt  }
0x4e: {  	_ =	shalt  }
0x4f: {  	_ =	shalt  }
0x50: {  	_ =	shalt  }
0x51: {  	_ =	shalt  }
0x52: {  	_ =	shalt  }
0x53: {  	_ =	shalt  }
0x54: {  	_ =	shalt  }
0x55: {  	_ =	shalt  }
0x56: {  	_ =	shalt  }
0x57: {  	_ =	shalt  }
0x58: {  	_ =	shalt  }
0x59: {  	_ =	shalt  }
0x5a: {  	_ =	shalt  }
0x5b: {  	_ =	shalt  }
0x5c: {  	_ =	shalt  }
0x5d: {  	_ =	shalt  }
0x5e: {  	_ =	shalt  }
0x5f: {  	_ =	shalt  }
0x60: {  	_ =	shalt  }
0x61: {  	_ =	shalt  }
0x62: {  	_ =	shalt  }
0x63: {  	_ =	shalt  }
0x64: {  	_ =	shalt  }
0x65: {  	_ =	shalt  }
0x66: {  	_ =	shalt  }
0x67: {  	_ =	shalt  }
0x68: {  	_ =	shalt  }
0x69: {  	_ =	shalt  }
0x6a: {  	_ =	shalt  }
0x6b: {  	_ =	shalt  }
0x6c: {  	_ =	shalt  }
0x6d: {  	_ =	shalt  }
0x6e: {  	_ =	shalt  }
0x6f: {  	_ =	shalt  }
0x70: {  	_ =	shalt  }
0x71: {  	_ =	shalt  }
0x72: {  	_ =	shalt  }
0x73: {  	_ =	shalt  }
0x74: {  	_ =	shalt  }
0x75: {  	_ =	shalt  }
0x76: {  	_ =	shalt  }
0x77: {  	_ =	shalt  }
0x78: {  	_ =	shalt  }
0x79: {  	_ =	shalt  }
0x7a: {  	_ =	shalt  }
0x7b: {  	_ =	shalt  }
0x7c: {  	_ =	shalt  }
0x7d: {  	_ =	shalt  }
0x7e: {  	_ =	shalt  }
0x7f: {  	_ =	shalt  }
0x80: {  	_ =	shalt  }
0x81: {  	_ =	shalt  }
0x82: {  	_ =	shalt  }
0x83: {  	_ =	shalt  }
0x84: {  	_ =	shalt  }
0x85: {  	_ =	shalt  }
0x86: {  	_ =	shalt  }
0x87: {  	_ =	shalt  }
.Lfunc_end0:
.L_simem_size_0:
called_computation_lowered:
.L_overlay_start_0:
0x88: {  	s2 =	sld [smem:$0x3FD9]  }
0x89: {  	s3 =	sld [smem:$0x3FFE];
	_ =	sdelay $0x1  }
0x8a: {  	s1 =	srdreg.scid  }
0x8b: {  	s0 =	sand.u32 $0x1, s1  }
0x8c: {  	s17 =	sshll.u32 s0, $0xA;
	s2 =	sadd.s32 s3, s2  }
0x8d: {  	s2 =	sadd.s32 s2, s17  }
0x8e: {  	[smem:$0x3FC3] =	sst s2  }
0x8f: {  	_ = 	snop  }
0x90: {  	s2 =	sld [smem:$0x3FD0];
	(tm) =	ssettm $0x1  }
0x91: {  	s18 =	sld [smem:$0x3FFB];
	_ =	sdelay $0x3  }
0x92: {  	_ =	strace s18  }
0x93: {  	s3 =	sld [smem:$0x3FFC];
	_ =	sdelay $0x3  }
0x94: {  	_ =	strace s3  }
0x95: {  	s3 =	sld [smem:$0x3FFD];
	_ =	sdelay $0x3  }
0x96: {  	_ =	strace s3  }
0x97: {  	_ =	strace $0x8FFFFFFF  }
0x98: {  	s19 =	sld [smem:$0x3FDB];
	_ =	sdelay $0x1  }
0x99: {  	s4 =	simm.s32 $_scs_section_size  }
0x9a: {  	s5 =	simm.s32 $_size__tile_overlayer_lowered;
	s6 =	simm.s32 $_tile_overlayer_lowered  }
0x9b: {  	s22 =	simm.s32 $0x1BFF;
	s21 =	sshll.u32 s6, $0x1;
	s3 =	sadd.s32 s4, s19  }
0x9c: {  	s7 =	simm.s32 $0x0;
	s20 =	sshll.u32 s5, $0x1;
	s5 =	sadd.s32 s21, s3  }
0x9d: {  	[timem:s7], [sflag:s22] =	dma.local [hbm:s5], s20  }
0x9e: {  	_ =	swait.ge [sflag:s22], s20  }
0x9f: {  	s4 =	ssub.s32 $0x0, s20;
	[sflag:s22] =	ssyncset.done $0x0  }
0xa0: {  	[sflag:s22] =	ssyncadd.s32 s4;
	_ =	sdelay $0x1  }
0xa1: {  	s23 =	simm.s32 $0x1B8B  }
0xa2: {  	_ =	swait.ge [sflag:s23], $0x1  }
0xa3: {  	[sflag:s23] =	ssyncset.done $0x0  }
0xa4: {  	s25 =	simm.s32 $0x1B8E;
	s24 =	sld [smem:$0x3FFE];
	[sflag:s23] =	ssyncadd.s32 $0xFFFFFFFF  }
0xa5: {  	s26 =	simm.s32 $execute0_lowered;
	[smem:$0x3FD2] =	sst s25  }
0xa6: {  	s5 =	sshll.u32 s26, $0x1;
	_ =	strace $0x80000046;
	[dreg:$0x1] =	wrdreg $0xFFFFFFFF  }
0xa7: {  	s28 =	simm.s32 $_size_execute0_lowered;
	s3 =	sadd.s32 s3, s5;
	[dreg:$0x0] =	wrdreg $0x0  }
0xa8: {  	s5 =	sshll.u32 s28, $0x1;
	[dreg:$0x2] =	wrdreg s3  }
0xa9: {  	[dreg:$0x3] =	wrdreg s5  }
0xaa: {  	[dreg:$0x4] =	wrdreg $0xC0  }
0xab: {  	_ =	task [dreg:s7], $0x5FFFF  }
0xac: {  	[dreg:$0x1] =	wrdreg $0xFFFFFFFF  }
0xad: {  	[dreg:$0x0] =	wrdreg $0x60  }
0xae: {  	[dreg:$0x2] =	wrdreg s24  }
0xaf: {  	[dreg:$0x3] =	wrdreg s2  }
0xb0: {  	[dreg:$0x4] =	wrdreg $0x9  }
0xb1: {  	_ =	task.clear_ibuf [dreg:s7], $0x5FFFF;
	_ =	strace $0x90000046  }
0xb2: {  	s29 =	simm.s32 $0x9;
	_ =	strace $0x80000048  }
0xb3: {  	_ =	swait.ge [sflag:s29], $0x1  }
0xb4: {  	[sflag:s29] =	ssyncadd.s32 $0xFFFFFFFF  }
0xb5: {  	_ =	strace $0x90000048  }
0xb6: {  	_ =	sfence  }
0xb7: {  	s30 =	sld [smem:$0x0];
	_ =	sdelay $0x2  }
0xb8: {  	s31 =	sshll.u32 s1, $0xD;
	s1 =	sshrl.u32 s1, $0x2  }
0xb9: {  	s3 =	sand.u32 $0x4000, s31;
	s1 =	sadd.s32 s1, s30  }
0xba: {  	s0 =	sor.u32 s3, s0;
	s1 =	sshll.u32 s1, $0x11  }
0xbb: {  	s0 =	sor.u32 s1, s0  }
0xbc: {  	s0 =	sadd.s32 $0x8F2B, s0  }
0xbd: {  	[sflag:s0] =	ssyncadd.remote.s32 $0x1  }
0xbe: {  	_ =	sfence.sel $0xFFFF  }
0xbf: {  	[dreg:$0x0] =	wrdreg $0xFFFFFFFF;
	(pc) =	sbr.abs _section_cstart, $3  }
0xc0: {  	[dreg:$0x1] =	wrdreg $0xFFFFFFFF  }
0xc1: {  	_ =	task.clear_ibuf [dreg:s7], $0x2FFFF;
	_ =	strace $0x9FFFFFFF  }
0xc2: {  	(tm) =	ssettm $0x7FFFFFFF  }
0xc3: {  	_ =	shalt  }
tec
execute0_lowered:
.L_overlay_start_1:
0x0: {  	(tag) =	ssettag $0x1  }
0x1: {  	s0 =	rddreg [dreg:$0x0]  }
0x2: {  	s1 =	srdreg.scid;
	s7 =	stileid.u32  }
0x3: {  	s2 =	rddreg [dreg:$0x1];
	s3 =	simm.s32 $0x0;
	s16 =	simm.s32 $0x1  }
0x4: {  	s17 =	simm.s32 $0x80;
	s18 =	simm.s32 $0x400;
	s20 =	simm.s32 $0xF800  }
0x5: {  	s21 =	simm.s32 $0x2;
	s22 =	simm.s32 $0x10800;
	s23 =	simm.s32 $0x11800  }
0x6: {  	s1 =	sand.u32 $0x1, s1;
	s4 =	sshll.u32 s7, $0x1;
	[smem:$0x7FF] =	sst s3  }
0x7: {  	s6 =	sadd.s32 $0x800, s0;
	s29 =	sadd.s32 $0xA00, s0;
	s30 =	sshll.u32 s7, $0xE  }
0x8: {  	s10 =	sadd.s32 $0xC00, s0;
	s11 =	sadd.s32 $0xE00, s0;
	s4 =	sor.u32 s1, s4  }
0x9: {  	_ =	strace $0x80000047;
	s1 =	ssub.s32 $0x2, s1;
	s5 =	smul.u32 $0x1900, s4  }
.Ltmp0:
0xa: {  	[dreg:$0x3] =	wrdreg s6;
	s28 =	sshrl.u32 s1, $0x1;
	(pc) =	sbr.rel .LBB2_1-.Ltmp0, $4  }
0xb: {  	[dreg:$0x5] =	wrdreg s29;
	s8 =	sand.u32 $0x38000, s30;
	s1 =	ssub.s32 s1, s28  }
0xc: {  	s4 =	sshll.u32 s4, $0x8;
	s5 =	sadd.s32 s5, s0;
	s31 =	smax.u32 s1, $0x1  }
0xd: {  	s7 =	sand.u32 $0x300, s4;
	s5 =	sadd.s32 $0x19800, s5;
	[dreg:$0x6] =	wrdreg s31  }
0xe: {  	s4 =	simm.s32 $0x0;
	s9 =	sor.u32 $0x80, s7;
	[dreg:$0x4] =	wrdreg s5  }
.LBB2_8:
0xf: {  	s0 =	simm.s32 $0x3  }
0x10: {  	_ =	swait.ge [sflag:s0], $0x1000  }
0x11: {  	[sflag:s0] =	ssyncset.done $0x0  }
0x12: {  	s29 =	simm.s32 $0x4;
	[sflag:s0] =	ssyncadd.s32 $0xFFFFF000  }
0x13: {  	_ =	swait.ge [sflag:s29], $0x1000  }
0x14: {  	[sflag:s29] =	ssyncset.done $0x0  }
0x15: {  	s30 =	simm.s32 $0x5;
	[sflag:s29] =	ssyncadd.s32 $0xFFFFF000  }
0x16: {  	_ =	swait.ge [sflag:s30], $0x1000  }
0x17: {  	[sflag:s30] =	ssyncset.done $0x0  }
0x18: {  	s1 =	simm.s32 $0x6;
	[sflag:s30] =	ssyncadd.s32 $0xFFFFF000  }
0x19: {  	_ =	swait.ge [sflag:s1], $0x1000  }
0x1a: {  	s4 =	rddreg [dreg:$0x7]  }
0x1b: {  	s31 =	rddreg [dreg:$0x6];
	s4 =	sadd.s32 $0x1, s4  }
0x1c: {  	p0 =	sne.s32 s4, s31  }
.Ltmp1:
0x1d: {  	_ = 	snop;
	(pc) =	sbr.rel @!p0 .LBB2_9-.Ltmp1, $3  }
0x1e: {  	_ =	sdelay $0x1  }
0x1f: {  	[sflag:s1] =	ssyncset.done $0x0  }
0x20: {  	[sflag:s1] =	ssyncadd.s32 $0xFFFFF000  }
.LBB2_1:
0x21: {  	[dreg:$0x7] =	wrdreg s4  }
0x22: {  	s0 =	rddreg [dreg:$0x4];
	s26 =	simm.s32 $0x7  }
0x23: {  	[tilespmem:s3], [sflag:$0x7] =	stream.linear.gather [hbm4b:s0+s3], $0xC800, $0x38;
	[tilespmem:$0x12800] =	vst v63  }
0x24: {  	_ =	swait.ge [sflag:s26], $0xC800  }
0x25: {  	[sflag:s26] =	ssyncset.done $0x0  }
0x26: {  	s1 =	simm.s32 $0xC800;
	s28 =	rddreg [dreg:$0x3];
	[sflag:s26] =	ssyncadd.s32 $0xFFFF3800  }
0x27: {  	[tilespmem:s1], [sflag:$0x1] =	stream.linear.gather [hbm4b:s28+s3], $0x1000, $0x38;
	[tilespmem:$0x12800] =	vst v63  }
0x28: {  	s31 =	simm.s32 $0xD800;
	s30 =	simm.s32 $0x0;
	s29 =	rddreg [dreg:$0x5]  }
0x29: {  	[tilespmem:s31], [sflag:$0x2] =	stream.linear.gather [hbm4b:s29+s3], $0x1000, $0x38;
	[tilespmem:$0x12800] =	vst v63  }
.LBB2_2:
0x2a: {  	_ =	swait.ge [sflag:s16], $0x1000  }
0x2b: {  	p0 =	seq.s32 s30, $0x0;
	[sflag:s16] =	ssyncset.done $0x0  }
0x2c: {  	s0 =	simm.s32 @!p0 $0x3;
	[sflag:s16] =	ssyncadd.s32 $0xFFFFF000  }
0x2d: {  	_ =	swait.ge @!p0 [sflag:s0], $0x1000  }
0x2e: {  	[sflag:s0] =	ssyncset.done @!p0 $0x0  }
0x2f: {  	[sflag:s0] =	ssyncadd.s32 @!p0 $0xFFFFF000;
	s0 =	simm.s32 @!p0 $0x4  }
0x30: {  	_ =	swait.ge @!p0 [sflag:s0], $0x1000  }
0x31: {  	[sflag:s0] =	ssyncset.done @!p0 $0x0  }
0x32: {  	s25 =	simm.s32 $0xC900;
	[sflag:s0] =	ssyncadd.s32 @!p0 $0xFFFFF000  }
0x33: {  	v0 =	vld [tilespmem:s25+$0x80];
	_ =	sdelay $0x2  }
0x34: {  	s31 =	sshll.u32 s30, $0x1  }
0x35: {  	v2 =	vmov s31  }
0x36: {  	v1 =	vshll.u32 v2, $0x8;
	v3 =	vshll.u32 v0, $0x3  }
0x37: {  	v1 =	vand.u32 $0xF800, v1;
	v3 =	vand.u32 $0xFFFFFC00, v3  }
0x38: {  	v2 =	vshll.u32 v2, $0x7;
	v4 =	vand.u32 $0x7F, v0;
	v3 =	vadd.s32 v1, v3  }
0x39: {  	v0 =	vand.u32 $0x300, v2;
	v2 =	vor.u32 v4, v3  }
0x3a: {  	v2 =	vor.u32 v0, v2;
	_ =	sdelay $0x4  }
0x3b: {  	v2 =	vld.idx.msk [tilespmem:v2+s3+$0x0], $0xffff  }
0x3c: {  	v3 =	vld [tilespmem:s25+$0xFFFFFF00];
	_ =	sdelay $0x1  }
0x3d: {  	v4 =	vld [tilespmem:s25+$0xFFFFFF80];
	_ =	sdelay $0x1  }
0x3e: {  	s0 =	simm.s32 $0xE900;
	v5 =	vld [tilespmem:s25+$0x0];
	v6 =	vshll.u32 v2, $0x10  }
0x3f: {  	s1 =	simm.s32 $0xF900;
	v7 =	vshll.u32 v3, $0x3;
	v2 =	vand.u32 $0xFFFF0000, v2;
	[tilespmem:s0+$0x80] =	vst v6  }
0x40: {  	v6 =	vand.u32 $0xFFFFFC00, v7;
	[tilespmem:s1+$0x80] =	vst v2  }
0x41: {  	v3 =	vand.u32 $0x7F, v3;
	v2 =	vshll.u32 v4, $0x3;
	v6 =	vadd.s32 v1, v6;
	v7 =	vld [tilespmem:s25+$0x90]  }
0x42: {  	v4 =	vand.u32 $0x7F, v4;
	v2 =	vand.u32 $0xFFFFFC00, v2;
	v3 =	vor.u32 v3, v6  }
0x43: {  	v6 =	vshll.u32 v5, $0x3;
	v2 =	vadd.s32 v1, v2;
	v3 =	vor.u32 v0, v3  }
0x44: {  	v6 =	vand.u32 $0xFFFFFC00, v6;
	v2 =	vor.u32 v4, v2  }
0x45: {  	v5 =	vand.u32 $0x7F, v5;
	v4 =	vadd.s32 v1, v6;
	v2 =	vor.u32 v0, v2  }
0x46: {  	v4 =	vor.u32 v5, v4;
	v5 =	vshll.u32 v7, $0x3  }
0x47: {  	v4 =	vor.u32 v0, v4;
	v5 =	vand.u32 $0xFFFFFC00, v5  }
0x48: {  	v6 =	vand.u32 $0x7F, v7;
	v3 =	vld.idx.msk [tilespmem:v3+s3+$0x0], $0xffff;
	v5 =	vadd.s32 v1, v5  }
0x49: {  	v5 =	vor.u32 v6, v5  }
0x4a: {  	v2 =	vld.idx.msk [tilespmem:v2+s3+$0x0], $0xffff;
	v5 =	vor.u32 v0, v5;
	_ =	sdelay $0x1  }
0x4b: {  	v4 =	vld.idx.msk [tilespmem:v4+s3+$0x0], $0xffff  }
0x4c: {  	v6 =	vshll.u32 v3, $0x10  }
0x4d: {  	v3 =	vand.u32 $0xFFFF0000, v3;
	[tilespmem:s0+$0xFFFFFF00] =	vst v6  }
0x4e: {  	v6 =	vshll.u32 v2, $0x10;
	[tilespmem:s1+$0xFFFFFF00] =	vst v3;
	v3 =	vld.idx.msk [tilespmem:v5+s3+$0x0], $0xffff  }
0x4f: {  	v2 =	vand.u32 $0xFFFF0000, v2;
	v5 =	vld [tilespmem:s25+$0xFFFFFF10];
	[tilespmem:s0+$0xFFFFFF80] =	vst v6  }
0x50: {  	v6 =	vshll.u32 v4, $0x10;
	[tilespmem:s1+$0xFFFFFF80] =	vst v2  }
0x51: {  	v2 =	vand.u32 $0xFFFF0000, v4;
	[tilespmem:s0+$0x0] =	vst v6;
	v4 =	vld [tilespmem:s25+$0xFFFFFF90]  }
0x52: {  	[tilespmem:s1+$0x0] =	vst v2  }
0x53: {  	v2 =	vld [tilespmem:s25+$0x10];
	v6 =	vshll.u32 v3, $0x10  }
0x54: {  	v7 =	vshll.u32 v5, $0x3;
	v3 =	vand.u32 $0xFFFF0000, v3;
	[tilespmem:s0+$0x90] =	vst v6  }
0x55: {  	v6 =	vand.u32 $0xFFFFFC00, v7;
	[tilespmem:s1+$0x90] =	vst v3  }
0x56: {  	v3 =	vand.u32 $0x7F, v5;
	v5 =	vadd.s32 v1, v6;
	v6 =	vshll.u32 v4, $0x3;
	v7 =	vld [tilespmem:s25+$0xA0]  }
0x57: {  	v4 =	vand.u32 $0x7F, v4;
	v3 =	vor.u32 v3, v5;
	v5 =	vand.u32 $0xFFFFFC00, v6  }
0x58: {  	v6 =	vshll.u32 v2, $0x3;
	v5 =	vadd.s32 v1, v5;
	v3 =	vor.u32 v0, v3  }
0x59: {  	v4 =	vor.u32 v4, v5;
	v5 =	vand.u32 $0xFFFFFC00, v6  }
0x5a: {  	v2 =	vand.u32 $0x7F, v2;
	v4 =	vor.u32 v0, v4;
	v5 =	vadd.s32 v1, v5  }
0x5b: {  	v2 =	vor.u32 v2, v5;
	v5 =	vshll.u32 v7, $0x3  }
0x5c: {  	v2 =	vor.u32 v0, v2;
	v5 =	vand.u32 $0xFFFFFC00, v5  }
0x5d: {  	v6 =	vand.u32 $0x7F, v7;
	v3 =	vld.idx.msk [tilespmem:v3+s3+$0x0], $0xffff;
	v5 =	vadd.s32 v1, v5  }
0x5e: {  	v5 =	vor.u32 v6, v5  }
0x5f: {  	v4 =	vld.idx.msk [tilespmem:v4+s3+$0x0], $0xffff;
	v5 =	vor.u32 v0, v5;
	_ =	sdelay $0x1  }
0x60: {  	v2 =	vld.idx.msk [tilespmem:v2+s3+$0x0], $0xffff  }
0x61: {  	v6 =	vshll.u32 v3, $0x10  }
0x62: {  	v3 =	vand.u32 $0xFFFF0000, v3;
	[tilespmem:s0+$0xFFFFFF10] =	vst v6  }
0x63: {  	v6 =	vshll.u32 v4, $0x10;
	[tilespmem:s1+$0xFFFFFF10] =	vst v3;
	v3 =	vld.idx.msk [tilespmem:v5+s3+$0x0], $0xffff  }
0x64: {  	v4 =	vand.u32 $0xFFFF0000, v4;
	[tilespmem:s0+$0xFFFFFF90] =	vst v6  }
0x65: {  	v6 =	vld [tilespmem:s25+$0xFFFFFF20];
	v5 =	vshll.u32 v2, $0x10;
	[tilespmem:s1+$0xFFFFFF90] =	vst v4  }
0x66: {  	v2 =	vand.u32 $0xFFFF0000, v2;
	[tilespmem:s0+$0x10] =	vst v5  }
0x67: {  	v4 =	vld [tilespmem:s25+$0xFFFFFFA0];
	[tilespmem:s1+$0x10] =	vst v2  }
0x68: {  	v2 =	vld [tilespmem:s25+$0x20];
	v5 =	vshll.u32 v3, $0x10  }
0x69: {  	v3 =	vand.u32 $0xFFFF0000, v3;
	[tilespmem:s0+$0xA0] =	vst v5  }
0x6a: {  	v5 =	vshll.u32 v6, $0x3;
	[tilespmem:s1+$0xA0] =	vst v3  }
0x6b: {  	v3 =	vand.u32 $0x7F, v6;
	v5 =	vand.u32 $0xFFFFFC00, v5;
	v6 =	vld [tilespmem:s25+$0xB0]  }
0x6c: {  	v7 =	vand.u32 $0x7F, v4;
	v4 =	vshll.u32 v4, $0x3;
	v5 =	vadd.s32 v1, v5  }
0x6d: {  	v4 =	vand.u32 $0xFFFFFC00, v4;
	v3 =	vor.u32 v3, v5;
	v5 =	vshll.u32 v2, $0x3  }
0x6e: {  	v4 =	vadd.s32 v1, v4;
	v3 =	vor.u32 v0, v3;
	v5 =	vand.u32 $0xFFFFFC00, v5  }
0x6f: {  	v2 =	vand.u32 $0x7F, v2;
	v4 =	vor.u32 v7, v4;
	v5 =	vadd.s32 v1, v5  }
0x70: {  	v4 =	vor.u32 v0, v4;
	v2 =	vor.u32 v2, v5;
	v5 =	vshll.u32 v6, $0x3  }
0x71: {  	v5 =	vand.u32 $0xFFFFFC00, v5  }
0x72: {  	v2 =	vor.u32 v0, v2;
	v6 =	vand.u32 $0x7F, v6;
	v5 =	vadd.s32 v1, v5  }
0x73: {  	v3 =	vld.idx.msk [tilespmem:v3+s3+$0x0], $0xffff;
	v5 =	vor.u32 v6, v5  }
0x74: {  	v5 =	vor.u32 v0, v5  }
0x75: {  	s5 =	simm.s32 $0xCB00;
	v4 =	vld.idx.msk [tilespmem:v4+s3+$0x0], $0xffff  }
0x76: {  	v6 =	vld [tilespmem:s5+$0x80]  }
0x77: {  	v2 =	vld.idx.msk [tilespmem:v2+s3+$0x0], $0xffff  }
0x78: {  	v7 =	vshll.u32 v3, $0x10  }
0x79: {  	v3 =	vand.u32 $0xFFFF0000, v3;
	[tilespmem:s0+$0xFFFFFF20] =	vst v7;
	v5 =	vld.idx.msk [tilespmem:v5+s3+$0x0], $0xffff  }
0x7a: {  	[tilespmem:s1+$0xFFFFFF20] =	vst v3;
	v3 =	vshll.u32 v4, $0x10  }
0x7b: {  	v9 =	vld [tilespmem:s5+$0xFFFFFF00];
	v4 =	vand.u32 $0xFFFF0000, v4;
	[tilespmem:s0+$0xFFFFFFA0] =	vst v3  }
0x7c: {  	v7 =	vshll.u32 v6, $0x3;
	[tilespmem:s1+$0xFFFFFFA0] =	vst v4;
	v4 =	vshll.u32 v2, $0x10  }
0x7d: {  	v2 =	vand.u32 $0xFFFF0000, v2;
	[tilespmem:s0+$0x20] =	vst v4;
	v4 =	vand.u32 $0xFFFFFC00, v7  }
0x7e: {  	v6 =	vand.u32 $0x7F, v6;
	v3 =	vld [tilespmem:s25+$0xFFFFFF30];
	[tilespmem:s1+$0x20] =	vst v2;
	v4 =	vadd.s32 v1, v4;
	v2 =	vshll.u32 v5, $0x10  }
0x7f: {  	v4 =	vor.u32 v6, v4;
	[tilespmem:s0+$0xB0] =	vst v2;
	v2 =	vand.u32 $0xFFFF0000, v5  }
0x80: {  	v14 =	vshll.u32 v9, $0x3;
	v7 =	vld [tilespmem:s25+$0xFFFFFFB0];
	[tilespmem:s1+$0xB0] =	vst v2;
	v2 =	vor.u32 v0, v4  }
0x81: {  	v14 =	vand.u32 $0xFFFFFC00, v14;
	v6 =	vld [tilespmem:s25+$0xC0]  }
0x82: {  	v9 =	vand.u32 $0x7F, v9;
	v14 =	vadd.s32 v1, v14  }
0x83: {  	v9 =	vor.u32 v9, v14;
	v4 =	vshll.u32 v3, $0x3  }
0x84: {  	v9 =	vor.u32 v0, v9;
	v5 =	vld [tilespmem:s5+$0xFFFFFF80];
	v4 =	vand.u32 $0xFFFFFC00, v4  }
0x85: {  	v3 =	vand.u32 $0x7F, v3;
	v10 =	vshll.u32 v7, $0x3;
	v4 =	vadd.s32 v1, v4;
	v2 =	vld.idx.msk [tilespmem:v2+s3+$0x0], $0xffff  }
0x86: {  	v8 =	vld [tilespmem:s25+$0x30];
	v10 =	vand.u32 $0xFFFFFC00, v10;
	v3 =	vor.u32 v3, v4;
	v13 =	vshll.u32 v6, $0x3  }
0x87: {  	v4 =	vand.u32 $0x7F, v7;
	v7 =	vld [tilespmem:s5+$0x0];
	v3 =	vor.u32 v0, v3;
	v13 =	vand.u32 $0xFFFFFC00, v13  }
0x88: {  	v10 =	vadd.s32 v1, v10;
	v6 =	vand.u32 $0x7F, v6;
	v13 =	vadd.s32 v1, v13  }
0x89: {  	v12 =	vand.u32 $0x7F, v5;
	v5 =	vshll.u32 v5, $0x3;
	v6 =	vor.u32 v6, v13  }
0x8a: {  	s14 =	simm.s32 $0xEB00;
	v5 =	vand.u32 $0xFFFFFC00, v5;
	v6 =	vor.u32 v0, v6;
	v13 =	vshll.u32 v2, $0x10  }
0x8b: {  	s4 =	simm.s32 $0xFB00;
	v11 =	vand.u32 $0x7F, v8;
	v5 =	vadd.s32 v1, v5;
	v2 =	vand.u32 $0xFFFF0000, v2;
	[tilespmem:s14+$0x80] =	vst v13  }
0x8c: {  	v8 =	vshll.u32 v8, $0x3;
	v5 =	vor.u32 v12, v5;
	v15 =	vshll.u32 v7, $0x3;
	v3 =	vld.idx.msk [tilespmem:v3+s3+$0x0], $0xffff;
	[tilespmem:s4+$0x80] =	vst v2  }
0x8d: {  	v8 =	vand.u32 $0xFFFFFC00, v8;
	v5 =	vor.u32 v0, v5;
	v13 =	vand.u32 $0xFFFFFC00, v15;
	v12 =	vld [tilespmem:s5+$0x90]  }
0x8e: {  	v4 =	vor.u32 v4, v10;
	v7 =	vand.u32 $0x7F, v7;
	v2 =	vadd.s32 v1, v13  }
0x8f: {  	v4 =	vor.u32 v0, v4;
	v2 =	vor.u32 v7, v2;
	v7 =	vadd.s32 v1, v8;
	v6 =	vld.idx.msk [tilespmem:v6+s3+$0x0], $0xffff  }
0x90: {  	v2 =	vor.u32 v0, v2;
	v7 =	vor.u32 v11, v7  }
0x91: {  	v8 =	vld.idx.msk [tilespmem:v9+s3+$0x0], $0xffff;
	v7 =	vor.u32 v0, v7  }
0x92: {  	v5 =	vld.idx.msk [tilespmem:v5+s3+$0x0], $0xffff;
	v9 =	vshll.u32 v3, $0x10;
	v10 =	vshll.u32 v12, $0x3  }
0x93: {  	v3 =	vand.u32 $0xFFFF0000, v3;
	[tilespmem:s0+$0xFFFFFF30] =	vst v9;
	v9 =	vand.u32 $0xFFFFFC00, v10  }
0x94: {  	v4 =	vld.idx.msk [tilespmem:v4+s3+$0x0], $0xffff;
	[tilespmem:s1+$0xFFFFFF30] =	vst v3;
	v10 =	vand.u32 $0x7F, v12;
	v3 =	vshll.u32 v6, $0x10;
	v9 =	vadd.s32 v1, v9  }
0x95: {  	v2 =	vld.idx.msk [tilespmem:v2+s3+$0x0], $0xffff;
	[tilespmem:s0+$0xC0] =	vst v3;
	v3 =	vand.u32 $0xFFFF0000, v6;
	v6 =	vor.u32 v10, v9  }
0x96: {  	v7 =	vld.idx.msk [tilespmem:v7+s3+$0x0], $0xffff;
	v9 =	vshll.u32 v8, $0x10;
	[tilespmem:s1+$0xC0] =	vst v3;
	v3 =	vor.u32 v0, v6  }
0x97: {  	v10 =	vshll.u32 v5, $0x10;
	v6 =	vand.u32 $0xFFFF0000, v8;
	[tilespmem:s14+$0xFFFFFF00] =	vst v9;
	v8 =	vld [tilespmem:s25+$0xD0]  }
0x98: {  	v9 =	vld [tilespmem:s25+$0xFFFFFF40];
	[tilespmem:s14+$0xFFFFFF80] =	vst v10  }
0x99: {  	v5 =	vand.u32 $0xFFFF0000, v5;
	[tilespmem:s4+$0xFFFFFF00] =	vst v6  }
0x9a: {  	[tilespmem:s4+$0xFFFFFF80] =	vst v5;
	v6 =	vshll.u32 v2, $0x10;
	v10 =	vld [tilespmem:s5+$0xFFFFFF10]  }
0x9b: {  	v2 =	vand.u32 $0xFFFF0000, v2;
	[tilespmem:s14+$0x0] =	vst v6;
	v3 =	vld.idx.msk [tilespmem:v3+s3+$0x0], $0xffff  }
0x9c: {  	v5 =	vshll.u32 v4, $0x10;
	v4 =	vand.u32 $0xFFFF0000, v4;
	[tilespmem:s4+$0x0] =	vst v2;
	v2 =	vshll.u32 v8, $0x3  }
0x9d: {  	v11 =	vld [tilespmem:s5+$0xFFFFFF90];
	[tilespmem:s0+$0xFFFFFFB0] =	vst v5;
	v6 =	vshll.u32 v7, $0x10;
	v12 =	vand.u32 $0x7F, v9;
	v2 =	vand.u32 $0xFFFFFC00, v2  }
0x9e: {  	[tilespmem:s1+$0xFFFFFFB0] =	vst v4;
	v5 =	vshll.u32 v9, $0x3;
	v9 =	vld [tilespmem:s5+$0x10];
	v4 =	vand.u32 $0x7F, v8;
	v2 =	vadd.s32 v1, v2  }
0x9f: {  	v7 =	vand.u32 $0xFFFF0000, v7;
	[tilespmem:s0+$0x30] =	vst v6;
	v8 =	vshll.u32 v10, $0x3;
	v2 =	vor.u32 v4, v2  }
0xa0: {  	[tilespmem:s1+$0x30] =	vst v7;
	v4 =	vand.u32 $0xFFFFFC00, v8;
	v2 =	vor.u32 v0, v2;
	v6 =	vshll.u32 v3, $0x10  }
0xa1: {  	v7 =	vand.u32 $0x7F, v10;
	v4 =	vadd.s32 v1, v4;
	v3 =	vand.u32 $0xFFFF0000, v3;
	[tilespmem:s14+$0x90] =	vst v6  }
0xa2: {  	v5 =	vand.u32 $0xFFFFFC00, v5;
	v8 =	vld [tilespmem:s25+$0xFFFFFFC0];
	v6 =	vshll.u32 v11, $0x3;
	v4 =	vor.u32 v7, v4;
	[tilespmem:s4+$0x90] =	vst v3  }
0xa3: {  	v3 =	vand.u32 $0xFFFFFC00, v6;
	v6 =	vshll.u32 v9, $0x3;
	v4 =	vor.u32 v0, v4;
	v10 =	vld [tilespmem:s5+$0xA0]  }
0xa4: {  	v7 =	vld [tilespmem:s25+$0x40];
	v11 =	vand.u32 $0x7F, v11;
	v3 =	vadd.s32 v1, v3;
	v6 =	vand.u32 $0xFFFFFC00, v6  }
0xa5: {  	v9 =	vand.u32 $0x7F, v9;
	v3 =	vor.u32 v11, v3;
	v6 =	vadd.s32 v1, v6;
	v2 =	vld.idx.msk [tilespmem:v2+s3+$0x0], $0xffff  }
0xa6: {  	v5 =	vadd.s32 v1, v5;
	v3 =	vor.u32 v0, v3;
	v6 =	vor.u32 v9, v6  }
0xa7: {  	v5 =	vor.u32 v12, v5;
	v6 =	vor.u32 v0, v6  }
0xa8: {  	v5 =	vor.u32 v0, v5;
	v9 =	vshll.u32 v8, $0x3;
	v4 =	vld.idx.msk [tilespmem:v4+s3+$0x0], $0xffff;
	v12 =	vshll.u32 v10, $0x3  }
0xa9: {  	v8 =	vand.u32 $0x7F, v8;
	v11 =	vshll.u32 v7, $0x3;
	v12 =	vand.u32 $0xFFFFFC00, v12  }
0xaa: {  	v10 =	vand.u32 $0x7F, v10;
	v13 =	vshll.u32 v2, $0x10;
	v12 =	vadd.s32 v1, v12  }
0xab: {  	v9 =	vand.u32 $0xFFFFFC00, v9;
	v3 =	vld.idx.msk [tilespmem:v3+s3+$0x0], $0xffff;
	v2 =	vand.u32 $0xFFFF0000, v2;
	[tilespmem:s0+$0xD0] =	vst v13;
	v10 =	vor.u32 v10, v12  }
0xac: {  	v7 =	vand.u32 $0x7F, v7;
	v9 =	vadd.s32 v1, v9;
	v6 =	vld.idx.msk [tilespmem:v6+s3+$0x0], $0xffff;
	[tilespmem:s1+$0xD0] =	vst v2;
	v2 =	vor.u32 v0, v10  }
0xad: {  	v11 =	vand.u32 $0xFFFFFC00, v11;
	v8 =	vor.u32 v8, v9;
	v10 =	vshll.u32 v4, $0x10;
	v9 =	vld [tilespmem:s25+$0xE0]  }
0xae: {  	v11 =	vadd.s32 v1, v11;
	v8 =	vor.u32 v0, v8;
	v4 =	vand.u32 $0xFFFF0000, v4;
	[tilespmem:s14+$0xFFFFFF10] =	vst v10  }
0xaf: {  	v5 =	vld.idx.msk [tilespmem:v5+s3+$0x0], $0xffff;
	v7 =	vor.u32 v7, v11;
	[tilespmem:s4+$0xFFFFFF10] =	vst v4  }
0xb0: {  	v4 =	vor.u32 v0, v7;
	v7 =	vshll.u32 v3, $0x10;
	v10 =	vld [tilespmem:s5+$0xFFFFFF20]  }
0xb1: {  	v3 =	vand.u32 $0xFFFF0000, v3;
	[tilespmem:s14+$0xFFFFFF90] =	vst v7;
	v2 =	vld.idx.msk [tilespmem:v2+s3+$0x0], $0xffff  }
0xb2: {  	v7 =	vshll.u32 v6, $0x10;
	[tilespmem:s4+$0xFFFFFF90] =	vst v3;
	v3 =	vshll.u32 v9, $0x3  }
0xb3: {  	v8 =	vld.idx.msk [tilespmem:v8+s3+$0x0], $0xffff;
	v6 =	vand.u32 $0xFFFF0000, v6;
	[tilespmem:s14+$0x10] =	vst v7;
	v3 =	vand.u32 $0xFFFFFC00, v3  }
0xb4: {  	v7 =	vld [tilespmem:s5+$0xFFFFFFA0];
	[tilespmem:s4+$0x10] =	vst v6;
	v6 =	vshll.u32 v5, $0x10;
	v9 =	vand.u32 $0x7F, v9;
	v3 =	vadd.s32 v1, v3  }
0xb5: {  	v5 =	vand.u32 $0xFFFF0000, v5;
	v4 =	vld.idx.msk [tilespmem:v4+s3+$0x0], $0xffff;
	[tilespmem:s0+$0xFFFFFF40] =	vst v6;
	v6 =	vshll.u32 v10, $0x3;
	v3 =	vor.u32 v9, v3  }
0xb6: {  	[tilespmem:s1+$0xFFFFFF40] =	vst v5;
	v9 =	vld [tilespmem:s5+$0x20];
	v5 =	vand.u32 $0xFFFFFC00, v6;
	v3 =	vor.u32 v0, v3;
	v6 =	vshll.u32 v2, $0x10  }
0xb7: {  	v10 =	vand.u32 $0x7F, v10;
	v5 =	vadd.s32 v1, v5;
	v2 =	vand.u32 $0xFFFF0000, v2;
	[tilespmem:s14+$0xA0] =	vst v6  }
0xb8: {  	v11 =	vld [tilespmem:s25+$0xFFFFFF50];
	v6 =	vshll.u32 v8, $0x10;
	v5 =	vor.u32 v10, v5;
	[tilespmem:s4+$0xA0] =	vst v2  }
0xb9: {  	v2 =	vand.u32 $0xFFFF0000, v8;
	v8 =	vshll.u32 v7, $0x3;
	v5 =	vor.u32 v0, v5;
	v10 =	vld [tilespmem:s5+$0xB0]  }
0xba: {  	v12 =	vshll.u32 v4, $0x10;
	v8 =	vand.u32 $0xFFFFFC00, v8  }
0xbb: {  	s6 =	simm.s32 $0xCD00;
	v7 =	vand.u32 $0x7F, v7;
	[tilespmem:s0+$0xFFFFFFC0] =	vst v6;
	v6 =	vadd.s32 v1, v8;
	v8 =	vshll.u32 v9, $0x3;
	v3 =	vld.idx.msk [tilespmem:v3+s3+$0x0], $0xffff  }
0xbc: {  	v16 =	vld [tilespmem:s6+$0xFFFFFF00];
	v4 =	vand.u32 $0xFFFF0000, v4;
	[tilespmem:s1+$0xFFFFFFC0] =	vst v2;
	v6 =	vor.u32 v7, v6;
	v7 =	vand.u32 $0xFFFFFC00, v8  }
0xbd: {  	[tilespmem:s0+$0x40] =	vst v12;
	v2 =	vand.u32 $0x7F, v9;
	v9 =	vshll.u32 v11, $0x3;
	v8 =	vld [tilespmem:s25+$0xFFFFFFD0];
	v7 =	vadd.s32 v1, v7  }
0xbe: {  	[tilespmem:s1+$0x40] =	vst v4;
	v6 =	vor.u32 v0, v6;
	v2 =	vor.u32 v2, v7;
	v5 =	vld.idx.msk [tilespmem:v5+s3+$0x0], $0xffff;
	v7 =	vshll.u32 v10, $0x3  }
0xbf: {  	v4 =	vand.u32 $0xFFFFFC00, v9;
	v9 =	vld [tilespmem:s25+$0x50];
	v2 =	vor.u32 v0, v2;
	v7 =	vand.u32 $0xFFFFFC00, v7  }
0xc0: {  	v10 =	vand.u32 $0x7F, v10;
	v12 =	vshll.u32 v3, $0x10;
	v7 =	vadd.s32 v1, v7  }
0xc1: {  	v3 =	vand.u32 $0xFFFF0000, v3;
	[tilespmem:s0+$0xE0] =	vst v12;
	v7 =	vor.u32 v10, v7  }
0xc2: {  	v11 =	vand.u32 $0x7F, v11;
	v4 =	vadd.s32 v1, v4;
	[tilespmem:s1+$0xE0] =	vst v3;
	v3 =	vor.u32 v0, v7  }
0xc3: {  	v19 =	vshll.u32 v16, $0x3;
	v4 =	vor.u32 v11, v4;
	v6 =	vld.idx.msk [tilespmem:v6+s3+$0x0], $0xffff;
	v10 =	vshll.u32 v5, $0x10  }
0xc4: {  	v11 =	vshll.u32 v8, $0x3;
	v12 =	vshll.u32 v9, $0x3;
	v5 =	vand.u32 $0xFFFF0000, v5;
	v7 =	vld [tilespmem:s25+$0xF0];
	[tilespmem:s14+$0xFFFFFF20] =	vst v10  }
0xc5: {  	v16 =	vand.u32 $0x7F, v16;
	v2 =	vld.idx.msk [tilespmem:v2+s3+$0x0], $0xffff;
	v10 =	vand.u32 $0xFFFFFC00, v11;
	v11 =	vand.u32 $0xFFFFFC00, v12;
	[tilespmem:s4+$0xFFFFFF20] =	vst v5  }
0xc6: {  	v19 =	vand.u32 $0xFFFFFC00, v19;
	v5 =	vadd.s32 v1, v10;
	v10 =	vadd.s32 v1, v11;
	v11 =	vld [tilespmem:s5+$0xFFFFFF30]  }
0xc7: {  	v4 =	vor.u32 v0, v4;
	v8 =	vand.u32 $0x7F, v8;
	v9 =	vand.u32 $0x7F, v9;
	v3 =	vld.idx.msk [tilespmem:v3+s3+$0x0], $0xffff  }
0xc8: {  	v5 =	vor.u32 v8, v5;
	v8 =	vor.u32 v9, v10;
	v9 =	vshll.u32 v6, $0x10  }
0xc9: {  	v19 =	vadd.s32 v1, v19;
	v6 =	vand.u32 $0xFFFF0000, v6;
	[tilespmem:s14+$0xFFFFFFA0] =	vst v9;
	v9 =	vshll.u32 v7, $0x3  }
0xca: {  	v10 =	vld [tilespmem:s6+$0x80];
	[tilespmem:s4+$0xFFFFFFA0] =	vst v6;
	v7 =	vand.u32 $0x7F, v7;
	v6 =	vand.u32 $0xFFFFFC00, v9;
	v9 =	vshll.u32 v2, $0x10  }
0xcb: {  	v2 =	vand.u32 $0xFFFF0000, v2;
	v6 =	vadd.s32 v1, v6;
	[tilespmem:s14+$0x20] =	vst v9;
	v9 =	vshll.u32 v11, $0x3  }
0xcc: {  	v4 =	vld.idx.msk [tilespmem:v4+s3+$0x0], $0xffff;
	v6 =	vor.u32 v7, v6;
	v7 =	vand.u32 $0x7F, v11;
	[tilespmem:s4+$0x20] =	vst v2;
	v11 =	vshll.u32 v3, $0x10  }
0xcd: {  	v16 =	vor.u32 v16, v19;
	v12 =	vld [tilespmem:s5+$0xFFFFFFB0];
	v3 =	vand.u32 $0xFFFF0000, v3;
	[tilespmem:s14+$0xB0] =	vst v11  }
0xce: {  	v16 =	vor.u32 v0, v16;
	v2 =	vor.u32 v0, v6;
	v6 =	vand.u32 $0xFFFFFC00, v9;
	[tilespmem:s4+$0xB0] =	vst v3  }
0xcf: {  	v5 =	vor.u32 v0, v5;
	v6 =	vadd.s32 v1, v6;
	v11 =	vshll.u32 v10, $0x3;
	v15 =	vld [tilespmem:s5+$0xC0]  }
0xd0: {  	v8 =	vor.u32 v0, v8;
	v9 =	vld [tilespmem:s5+$0x30];
	v6 =	vor.u32 v7, v6;
	v11 =	vand.u32 $0xFFFFFC00, v11  }
0xd1: {  	v14 =	vld [tilespmem:s6+$0xFFFFFF80];
	v10 =	vand.u32 $0x7F, v10;
	v6 =	vor.u32 v0, v6;
	v11 =	vadd.s32 v1, v11  }
0xd2: {  	v13 =	vshll.u32 v4, $0x10;
	v7 =	vld [tilespmem:s6+$0x0];
	v3 =	vshll.u32 v12, $0x3;
	v10 =	vor.u32 v10, v11  }
0xd3: {  	v4 =	vand.u32 $0xFFFF0000, v4;
	v3 =	vand.u32 $0xFFFFFC00, v3;
	v10 =	vor.u32 v0, v10  }
0xd4: {  	v12 =	vand.u32 $0x7F, v12;
	v3 =	vadd.s32 v1, v3;
	v18 =	vshll.u32 v15, $0x3  }
0xd5: {  	v8 =	vld.idx.msk [tilespmem:v8+s3+$0x0], $0xffff;
	v11 =	vand.u32 $0x7F, v9;
	v3 =	vor.u32 v12, v3;
	v18 =	vand.u32 $0xFFFFFC00, v18  }
0xd6: {  	v12 =	vand.u32 $0x7F, v14;
	v6 =	vld.idx.msk [tilespmem:v6+s3+$0x0], $0xffff;
	v15 =	vand.u32 $0x7F, v15;
	v18 =	vadd.s32 v1, v18  }
0xd7: {  	v14 =	vshll.u32 v14, $0x3;
	v17 =	vshll.u32 v7, $0x3;
	v15 =	vor.u32 v15, v18  }
0xd8: {  	[tilespmem:s0+$0xFFFFFF50] =	vst v13;
	v14 =	vand.u32 $0xFFFFFC00, v14;
	v17 =	vand.u32 $0xFFFFFC00, v17;
	v10 =	vld.idx.msk [tilespmem:v10+s3+$0x0], $0xffff;
	v15 =	vor.u32 v0, v15  }
0xd9: {  	[tilespmem:s1+$0xFFFFFF50] =	vst v4;
	v13 =	vadd.s32 v1, v14;
	v4 =	vand.u32 $0x7F, v7;
	v14 =	vadd.s32 v1, v17  }
0xda: {  	v9 =	vshll.u32 v9, $0x3;
	v4 =	vor.u32 v4, v14;
	v14 =	vshll.u32 v8, $0x10  }
0xdb: {  	s24 =	simm.s32 $0xCF00;
	v5 =	vld.idx.msk [tilespmem:v5+s3+$0x0], $0xffff;
	v9 =	vand.u32 $0xFFFFFC00, v9;
	v7 =	vor.u32 v12, v13;
	[tilespmem:s0+$0x50] =	vst v14;
	v12 =	vshll.u32 v6, $0x10  }
0xdc: {  	v34 =	vld [tilespmem:s24+$0xFFFFFF80];
	v9 =	vadd.s32 v1, v9;
	v7 =	vor.u32 v0, v7;
	v6 =	vand.u32 $0xFFFF0000, v6;
	[tilespmem:s14+$0xFFFFFF30] =	vst v12  }
0xdd: {  	s12 =	simm.s32 $0xED00;
	v13 =	vor.u32 v0, v3;
	v3 =	vor.u32 v11, v9;
	[tilespmem:s4+$0xFFFFFF30] =	vst v6;
	v6 =	vshll.u32 v10, $0x10;
	v9 =	vld.idx.msk [tilespmem:v15+s3+$0x0], $0xffff  }
0xde: {  	s13 =	simm.s32 $0xFD00;
	v11 =	vld.idx.msk [tilespmem:v16+s3+$0x0], $0xffff;
	v4 =	vor.u32 v0, v4;
	[tilespmem:s12+$0x80] =	vst v6;
	v6 =	vand.u32 $0xFFFF0000, v10  }
0xdf: {  	v8 =	vand.u32 $0xFFFF0000, v8;
	v12 =	vld [tilespmem:s25+$0xFFFFFF60];
	[tilespmem:s13+$0x80] =	vst v6  }
0xe0: {  	[tilespmem:s1+$0x50] =	vst v8;
	v10 =	vor.u32 v0, v3;
	v3 =	vshll.u32 v5, $0x10;
	v6 =	vld [tilespmem:s6+$0x90]  }
0xe1: {  	v7 =	vld.idx.msk [tilespmem:v7+s3+$0x0], $0xffff;
	v5 =	vand.u32 $0xFFFF0000, v5;
	[tilespmem:s0+$0xFFFFFFD0] =	vst v3  }
0xe2: {  	v35 =	vld [tilespmem:s24+$0x0];
	[tilespmem:s1+$0xFFFFFFD0] =	vst v5;
	v8 =	vshll.u32 v9, $0x10  }
0xe3: {  	v4 =	vld.idx.msk [tilespmem:v4+s3+$0x0], $0xffff;
	[tilespmem:s14+$0xC0] =	vst v8;
	v8 =	vand.u32 $0xFFFF0000, v9  }
0xe4: {  	v13 =	vld.idx.msk [tilespmem:v13+s3+$0x0], $0xffff;
	v5 =	vshll.u32 v12, $0x3;
	v12 =	vand.u32 $0x7F, v12;
	v9 =	vshll.u32 v11, $0x10;
	[tilespmem:s4+$0xC0] =	vst v8  }
0xe5: {  	v36 =	vld [tilespmem:s24+$0xFFFFFF00];
	v5 =	vand.u32 $0xFFFFFC00, v5;
	v14 =	vshll.u32 v6, $0x3;
	v8 =	vand.u32 $0xFFFF0000, v11;
	[tilespmem:s12+$0xFFFFFF00] =	vst v9  }
0xe6: {  	v5 =	vadd.s32 v1, v5;
	v10 =	vld.idx.msk [tilespmem:v10+s3+$0x0], $0xffff;
	v9 =	vand.u32 $0xFFFFFC00, v14;
	v14 =	vshll.u32 v7, $0x10;
	[tilespmem:s13+$0xFFFFFF00] =	vst v8  }
0xe7: {  	v5 =	vor.u32 v12, v5;
	v12 =	vld [tilespmem:s5+$0xFFFFFF40];
	v7 =	vand.u32 $0xFFFF0000, v7;
	[tilespmem:s12+$0xFFFFFF80] =	vst v14  }
0xe8: {  	v11 =	vld [tilespmem:s5+$0xD0];
	v8 =	vadd.s32 v1, v9;
	v9 =	vshll.u32 v4, $0x10;
	[tilespmem:s13+$0xFFFFFF80] =	vst v7  }
0xe9: {  	v44 =	vld [tilespmem:s25+$0x60];
	v6 =	vand.u32 $0x7F, v6;
	v14 =	vshll.u32 v13, $0x10;
	[tilespmem:s12+$0x0] =	vst v9  }
0xea: {  	v38 =	vand.u32 $0x7F, v34;
	v4 =	vand.u32 $0xFFFF0000, v4;
	v6 =	vor.u32 v6, v8;
	v8 =	vld [tilespmem:s6+$0xFFFFFF10];
	[tilespmem:s14+$0xFFFFFFB0] =	vst v14  }
0xeb: {  	v39 =	vshll.u32 v35, $0x3;
	v26 =	vshll.u32 v36, $0x3;
	v7 =	vand.u32 $0xFFFF0000, v13;
	v45 =	vld [tilespmem:s6+$0xFFFFFF90];
	[tilespmem:s13+$0x0] =	vst v4  }
0xec: {  	v5 =	vor.u32 v0, v5;
	v13 =	vshll.u32 v10, $0x10;
	v6 =	vor.u32 v0, v6;
	[tilespmem:s4+$0xFFFFFFB0] =	vst v7;
	v47 =	vld [tilespmem:s6+$0x10]  }
0xed: {  	v46 =	vand.u32 $0x7F, v12;
	v9 =	vshll.u32 v12, $0x3;
	[tilespmem:s14+$0x30] =	vst v13;
	v13 =	vld [tilespmem:s5+$0xFFFFFFC0];
	v12 =	vshll.u32 v11, $0x3  }
0xee: {  	v10 =	vand.u32 $0xFFFF0000, v10;
	v14 =	vshll.u32 v44, $0x3;
	v12 =	vand.u32 $0xFFFFFC00, v12  }
0xef: {  	v11 =	vand.u32 $0x7F, v11;
	v20 =	vshll.u32 v8, $0x3;
	v12 =	vadd.s32 v1, v12  }
0xf0: {  	v8 =	vand.u32 $0x7F, v8;
	v7 =	vor.u32 v11, v12;
	v11 =	vand.u32 $0xFFFFFC00, v20  }
0xf1: {  	v6 =	vld.idx.msk [tilespmem:v6+s3+$0x0], $0xffff;
	v12 =	vshll.u32 v45, $0x3;
	v48 =	vand.u32 $0x7F, v47;
	v19 =	vshll.u32 v47, $0x3  }
0xf2: {  	v50 =	vshll.u32 v13, $0x3;
	v13 =	vand.u32 $0x7F, v13;
	v7 =	vor.u32 v0, v7  }
0xf3: {  	v15 =	vld [tilespmem:s25+$0xFFFFFFE0];
	[tilespmem:s4+$0x30] =	vst v10;
	v11 =	vadd.s32 v1, v11;
	v10 =	vand.u32 $0xFFFFFC00, v12;
	v17 =	vand.u32 $0xFFFFFC00, v50  }
0xf4: {  	v12 =	vld [tilespmem:s5+$0x40];
	v8 =	vor.u32 v8, v11;
	v11 =	vand.u32 $0x7F, v45;
	v10 =	vadd.s32 v1, v10  }
0xf5: {  	v17 =	vadd.s32 v1, v17;
	v8 =	vor.u32 v0, v8;
	v10 =	vor.u32 v11, v10  }
0xf6: {  	v11 =	vand.u32 $0xFFFFFC00, v19;
	v13 =	vor.u32 v13, v17;
	v49 =	vshll.u32 v6, $0x10  }
0xf7: {  	v11 =	vadd.s32 v1, v11;
	v6 =	vand.u32 $0xFFFF0000, v6;
	v13 =	vor.u32 v0, v13;
	[tilespmem:s12+$0x90] =	vst v49;
	v7 =	vld.idx.msk [tilespmem:v7+s3+$0x0], $0xffff  }
0xf8: {  	v4 =	vand.u32 $0xFFFFFC00, v9;
	v9 =	vshll.u32 v15, $0x3;
	v11 =	vor.u32 v48, v11;
	[tilespmem:s13+$0x90] =	vst v6  }
0xf9: {  	v10 =	vor.u32 v0, v10;
	v6 =	vor.u32 v0, v11;
	v11 =	vshll.u32 v12, $0x3;
	v51 =	vld [tilespmem:s6+$0xA0]  }
0xfa: {  	v4 =	vadd.s32 v1, v4;
	v9 =	vand.u32 $0xFFFFFC00, v9;
	v11 =	vand.u32 $0xFFFFFC00, v11;
	v8 =	vld.idx.msk [tilespmem:v8+s3+$0x0], $0xffff  }
0xfb: {  	v4 =	vor.u32 v46, v4;
	v12 =	vand.u32 $0x7F, v12;
	v11 =	vadd.s32 v1, v11  }
0xfc: {  	v9 =	vadd.s32 v1, v9;
	v11 =	vor.u32 v12, v11;
	v13 =	vld.idx.msk [tilespmem:v13+s3+$0x0], $0xffff;
	v12 =	vshll.u32 v7, $0x10  }
0xfd: {  	v5 =	vld.idx.msk [tilespmem:v5+s3+$0x0], $0xffff;
	v4 =	vor.u32 v0, v4;
	v11 =	vor.u32 v0, v11;
	v7 =	vand.u32 $0xFFFF0000, v7;
	[tilespmem:s14+$0xD0] =	vst v12  }
0xfe: {  	v10 =	vld.idx.msk [tilespmem:v10+s3+$0x0], $0xffff;
	v12 =	vshll.u32 v51, $0x3;
	v18 =	vand.u32 $0x7F, v51;
	[tilespmem:s4+$0xD0] =	vst v7;
	v7 =	vand.u32 $0xFFFFFC00, v14  }
0xff: {  	v6 =	vld.idx.msk [tilespmem:v6+s3+$0x0], $0xffff;
	v14 =	vand.u32 $0x7F, v15;
	v12 =	vand.u32 $0xFFFFFC00, v12;
	v52 =	vshll.u32 v8, $0x10  }
0x100: {  	v8 =	vand.u32 $0xFFFF0000, v8;
	v15 =	vld [tilespmem:s5+$0xE0];
	v12 =	vadd.s32 v1, v12;
	v7 =	vadd.s32 v1, v7;
	[tilespmem:s12+$0xFFFFFF10] =	vst v52  }
0x101: {  	v9 =	vor.u32 v14, v9;
	v55 =	vshll.u32 v13, $0x10;
	v12 =	vor.u32 v18, v12;
	[tilespmem:s13+$0xFFFFFF10] =	vst v8  }
0x102: {  	v4 =	vld.idx.msk [tilespmem:v4+s3+$0x0], $0xffff;
	v14 =	vand.u32 $0x7F, v44;
	v13 =	vand.u32 $0xFFFF0000, v13;
	[tilespmem:s14+$0xFFFFFFC0] =	vst v55;
	v8 =	vor.u32 v0, v12  }
0x103: {  	v26 =	vand.u32 $0xFFFFFC00, v26;
	v7 =	vor.u32 v14, v7;
	v12 =	vshll.u32 v10, $0x10;
	v14 =	vld [tilespmem:s6+$0xFFFFFF20];
	[tilespmem:s4+$0xFFFFFFC0] =	vst v13  }
0x104: {  	v40 =	vadd.s32 v1, v26;
	v54 =	vshll.u32 v5, $0x10;
	v11 =	vld.idx.msk [tilespmem:v11+s3+$0x0], $0xffff;
	v10 =	vand.u32 $0xFFFF0000, v10;
	[tilespmem:s12+$0xFFFFFF90] =	vst v12  }
0x105: {  	v5 =	vand.u32 $0xFFFF0000, v5;
	v53 =	vshll.u32 v6, $0x10;
	v13 =	vld [tilespmem:s5+$0xFFFFFFD0];
	[tilespmem:s13+$0xFFFFFF90] =	vst v10;
	v12 =	vshll.u32 v15, $0x3  }
0x106: {  	v9 =	vor.u32 v0, v9;
	v6 =	vand.u32 $0xFFFF0000, v6;
	[tilespmem:s12+$0x10] =	vst v53;
	v10 =	vand.u32 $0xFFFFFC00, v12;
	v12 =	vld [tilespmem:s6+$0xFFFFFFA0]  }
0x107: {  	[tilespmem:s13+$0x10] =	vst v6;
	v6 =	vshll.u32 v4, $0x10;
	v15 =	vand.u32 $0x7F, v15;
	v10 =	vadd.s32 v1, v10;
	v8 =	vld.idx.msk [tilespmem:v8+s3+$0x0], $0xffff  }
0x108: {  	v4 =	vand.u32 $0xFFFF0000, v4;
	[tilespmem:s14+$0xFFFFFF40] =	vst v6;
	v6 =	vshll.u32 v14, $0x3;
	v10 =	vor.u32 v15, v10;
	v15 =	vld [tilespmem:s6+$0x20]  }
0x109: {  	v7 =	vor.u32 v0, v7;
	[tilespmem:s4+$0xFFFFFF40] =	vst v4;
	v56 =	vshll.u32 v11, $0x10;
	v4 =	vand.u32 $0xFFFFFC00, v6  }
0x10a: {  	v14 =	vand.u32 $0x7F, v14;
	v10 =	vor.u32 v0, v10;
	v4 =	vadd.s32 v1, v4  }
0x10b: {  	v11 =	vand.u32 $0xFFFF0000, v11;
	v6 =	vld [tilespmem:s5+$0xFFFFFF50];
	v58 =	vshll.u32 v13, $0x3;
	v4 =	vor.u32 v14, v4  }
0x10c: {  	[tilespmem:s14+$0x40] =	vst v56;
	v57 =	vand.u32 $0x7F, v12;
	v12 =	vshll.u32 v12, $0x3;
	v4 =	vor.u32 v0, v4  }
0x10d: {  	[tilespmem:s4+$0x40] =	vst v11;
	v12 =	vand.u32 $0xFFFFFC00, v12;
	v14 =	vshll.u32 v8, $0x10;
	v11 =	vshll.u32 v15, $0x3  }
0x10e: {  	v8 =	vand.u32 $0xFFFF0000, v8;
	v12 =	vadd.s32 v1, v12;
	[tilespmem:s12+$0xA0] =	vst v14;
	v14 =	vld [tilespmem:s5+$0x50];
	v11 =	vand.u32 $0xFFFFFC00, v11  }
0x10f: {  	v15 =	vand.u32 $0x7F, v15;
	v10 =	vld.idx.msk [tilespmem:v10+s3+$0x0], $0xffff;
	v12 =	vor.u32 v57, v12;
	[tilespmem:s13+$0xA0] =	vst v8;
	v11 =	vadd.s32 v1, v11  }
0x110: {  	v8 =	vshll.u32 v6, $0x3;
	v12 =	vor.u32 v0, v12;
	v11 =	vor.u32 v15, v11;
	v15 =	vld [tilespmem:s6+$0xB0]  }
0x111: {  	v2 =	vld.idx.msk [tilespmem:v2+s3+$0x0], $0xffff;
	v13 =	vand.u32 $0x7F, v13;
	v16 =	vand.u32 $0xFFFFFC00, v58;
	v8 =	vand.u32 $0xFFFFFC00, v8  }
0x112: {  	v16 =	vadd.s32 v1, v16;
	v6 =	vand.u32 $0x7F, v6;
	v8 =	vadd.s32 v1, v8;
	v4 =	vld.idx.msk [tilespmem:v4+s3+$0x0], $0xffff  }
0x113: {  	[tilespmem:s0+$0xFFFFFF60] =	vst v54;
	v13 =	vor.u32 v13, v16;
	v11 =	vor.u32 v0, v11;
	v6 =	vor.u32 v6, v8  }
0x114: {  	[tilespmem:s1+$0xFFFFFF60] =	vst v5;
	v9 =	vld.idx.msk [tilespmem:v9+s3+$0x0], $0xffff;
	v59 =	vand.u32 $0x7F, v14;
	v14 =	vshll.u32 v14, $0x3;
	v60 =	vshll.u32 v10, $0x10  }
0x115: {  	v8 =	vand.u32 $0xFFFF0000, v10;
	[tilespmem:s14+$0xE0] =	vst v60;
	v10 =	vld.idx.msk [tilespmem:v12+s3+$0x0], $0xffff;
	v12 =	vand.u32 $0xFFFFFC00, v14;
	v14 =	vshll.u32 v15, $0x3  }
0x116: {  	v7 =	vld.idx.msk [tilespmem:v7+s3+$0x0], $0xffff;
	v13 =	vor.u32 v0, v13;
	[tilespmem:s4+$0xE0] =	vst v8;
	v5 =	vadd.s32 v1, v12;
	v8 =	vand.u32 $0xFFFFFC00, v14  }
0x117: {  	v61 =	vshll.u32 v4, $0x10;
	v15 =	vand.u32 $0x7F, v15;
	v12 =	vld [tilespmem:s5+$0xF0];
	v8 =	vadd.s32 v1, v8  }
0x118: {  	v3 =	vshll.u32 v2, $0x10;
	v4 =	vand.u32 $0xFFFF0000, v4;
	v14 =	vld [tilespmem:s25+$0xFFFFFF70];
	[tilespmem:s12+$0xFFFFFF20] =	vst v61;
	v8 =	vor.u32 v15, v8  }
0x119: {  	v5 =	vor.u32 v59, v5;
	v11 =	vld.idx.msk [tilespmem:v11+s3+$0x0], $0xffff;
	[tilespmem:s13+$0xFFFFFF20] =	vst v4;
	v15 =	vshll.u32 v9, $0x10;
	v4 =	vor.u32 v0, v8  }
0x11a: {  	v8 =	vor.u32 v0, v5;
	v5 =	vand.u32 $0xFFFF0000, v9;
	v9 =	vld [tilespmem:s6+$0xFFFFFF30];
	v62 =	vshll.u32 v10, $0x10  }
0x11b: {  	v2 =	vand.u32 $0xFFFF0000, v2;
	v63 =	vshll.u32 v7, $0x10;
	v10 =	vand.u32 $0xFFFF0000, v10;
	[tilespmem:s12+$0xFFFFFFA0] =	vst v62  }
0x11c: {  	v32 =	vand.u32 $0xFFFF0000, v7;
	v13 =	vld.idx.msk [tilespmem:v13+s3+$0x0], $0xffff;
	v6 =	vor.u32 v0, v6;
	v30 =	vshll.u32 v12, $0x3;
	[tilespmem:s13+$0xFFFFFFA0] =	vst v10  }
0x11d: {  	[tilespmem:s0+$0xFFFFFFE0] =	vst v15;
	v31 =	vshll.u32 v14, $0x3;
	v10 =	vand.u32 $0x7F, v14;
	v7 =	vand.u32 $0xFFFFFC00, v30;
	v14 =	vld [tilespmem:s6+$0xFFFFFFB0]  }
0x11e: {  	[tilespmem:s1+$0xFFFFFFE0] =	vst v5;
	v12 =	vand.u32 $0x7F, v12;
	v15 =	vshll.u32 v11, $0x10;
	v7 =	vadd.s32 v1, v7;
	v4 =	vld.idx.msk [tilespmem:v4+s3+$0x0], $0xffff  }
0x11f: {  	v11 =	vand.u32 $0xFFFF0000, v11;
	[tilespmem:s12+$0x20] =	vst v15;
	v7 =	vor.u32 v12, v7;
	v12 =	vld [tilespmem:s25+$0xFFFFFFF0];
	v15 =	vshll.u32 v9, $0x3  }
0x120: {  	v5 =	vand.u32 $0xFFFFFC00, v31;
	[tilespmem:s13+$0x20] =	vst v11;
	v7 =	vor.u32 v0, v7;
	v11 =	vand.u32 $0xFFFFFC00, v15;
	v15 =	vld [tilespmem:s24+$0x80]  }
0x121: {  	v49 =	vshll.u32 v13, $0x10;
	v13 =	vand.u32 $0xFFFF0000, v13;
	v5 =	vadd.s32 v1, v5  }
0x122: {  	v9 =	vand.u32 $0x7F, v9;
	v10 =	vor.u32 v10, v5;
	v5 =	vadd.s32 v1, v11  }
0x123: {  	[tilespmem:s0+$0x60] =	vst v63;
	v5 =	vor.u32 v9, v5;
	v9 =	vand.u32 $0x7F, v14;
	v22 =	vshll.u32 v4, $0x10  }
0x124: {  	v6 =	vld.idx.msk [tilespmem:v6+s3+$0x0], $0xffff;
	v14 =	vshll.u32 v14, $0x3;
	v21 =	vor.u32 v0, v5;
	v4 =	vand.u32 $0xFFFF0000, v4;
	[tilespmem:s12+$0xB0] =	vst v22  }
0x125: {  	v14 =	vand.u32 $0xFFFFFC00, v14;
	v23 =	vshll.u32 v12, $0x3;
	v5 =	vld.idx.msk [tilespmem:v7+s3+$0x0], $0xffff;
	v37 =	vshll.u32 v15, $0x3;
	[tilespmem:s13+$0xB0] =	vst v4  }
0x126: {  	[tilespmem:s1+$0x60] =	vst v32;
	v7 =	vadd.s32 v1, v14;
	v14 =	vand.u32 $0xFFFFFC00, v23;
	v23 =	vand.u32 $0xFFFFFC00, v37;
	v24 =	vld [tilespmem:s6+$0xC0]  }
0x127: {  	[tilespmem:s14+$0xFFFFFFD0] =	vst v49;
	v9 =	vor.u32 v9, v7;
	v7 =	vand.u32 $0x7F, v15;
	v15 =	vadd.s32 v1, v23  }
0x128: {  	v20 =	vand.u32 $0x7F, v35;
	v18 =	vand.u32 $0xFFFFFC00, v39;
	v47 =	vld [tilespmem:s25+$0x70];
	[tilespmem:s4+$0xFFFFFFD0] =	vst v13;
	v7 =	vor.u32 v7, v15  }
0x129: {  	v18 =	vadd.s32 v1, v18;
	v59 =	vld [tilespmem:s5+$0xFFFFFFE0];
	v15 =	vshll.u32 v34, $0x3;
	v25 =	vor.u32 v0, v7  }
0x12a: {  	v18 =	vor.u32 v20, v18;
	v33 =	vld [tilespmem:s6+$0x30];
	v11 =	vshll.u32 v6, $0x10;
	v15 =	vand.u32 $0xFFFFFC00, v15  }
0x12b: {  	v18 =	vor.u32 v0, v18;
	[tilespmem:s14+$0xFFFFFF50] =	vst v11;
	v11 =	vld.idx.msk [tilespmem:v21+s3+$0x0], $0xffff;
	v15 =	vadd.s32 v1, v15;
	v27 =	vshll.u32 v24, $0x3  }
0x12c: {  	v6 =	vand.u32 $0xFFFF0000, v6;
	v15 =	vor.u32 v38, v15;
	v41 =	vand.u32 $0xFFFFFC00, v27  }
0x12d: {  	v8 =	vld.idx.msk [tilespmem:v8+s3+$0x0], $0xffff;
	v42 =	vand.u32 $0x7F, v24;
	v15 =	vor.u32 v0, v15;
	v43 =	vadd.s32 v1, v41  }
0x12e: {  	v55 =	vshll.u32 v47, $0x3;
	[tilespmem:s4+$0xFFFFFF50] =	vst v6;
	v6 =	vand.u32 $0x7F, v36;
	v44 =	vld.idx.msk [tilespmem:v25+s3+$0x0], $0xffff;
	v21 =	vor.u32 v42, v43  }
0x12f: {  	v30 =	vshll.u32 v59, $0x3;
	v45 =	vld [tilespmem:s5+$0xFFFFFF60];
	v6 =	vor.u32 v6, v40;
	v46 =	vor.u32 v0, v21  }
0x130: {  	v16 =	vshll.u32 v33, $0x3;
	v6 =	vor.u32 v0, v6;
	v48 =	vshll.u32 v11, $0x10  }
0x131: {  	v10 =	vor.u32 v0, v10;
	v16 =	vand.u32 $0xFFFFFC00, v16;
	v11 =	vand.u32 $0xFFFF0000, v11;
	[tilespmem:s12+$0xFFFFFF30] =	vst v48  }
0x132: {  	v52 =	vshll.u32 v8, $0x10;
	v4 =	vand.u32 $0x7F, v33;
	v16 =	vadd.s32 v1, v16;
	[tilespmem:s13+$0xFFFFFF30] =	vst v11;
	v11 =	vld.idx.msk [tilespmem:v15+s3+$0x0], $0xffff  }
0x133: {  	s25 =	simm.s32 $0xEF00;
	v9 =	vor.u32 v0, v9;
	v4 =	vor.u32 v4, v16;
	v50 =	vshll.u32 v44, $0x10  }
0x134: {  	s26 =	simm.s32 $0xFF00;
	v4 =	vor.u32 v0, v4;
	v51 =	vshll.u32 v45, $0x3;
	v22 =	vand.u32 $0xFFFF0000, v44;
	[tilespmem:s25+$0x80] =	vst v50;
	v17 =	vld.idx.msk [tilespmem:v46+s3+$0x0], $0xffff  }
0x135: {  	v8 =	vand.u32 $0xFFFF0000, v8;
	v14 =	vadd.s32 v1, v14;
	v53 =	vld.idx.msk [tilespmem:v6+s3+$0x0], $0xffff;
	v24 =	vand.u32 $0xFFFFFC00, v51;
	[tilespmem:s26+$0x80] =	vst v22  }
0x136: {  	v7 =	vshll.u32 v5, $0x10;
	v6 =	vand.u32 $0x7F, v45;
	v54 =	vadd.s32 v1, v24;
	v22 =	vld [tilespmem:s24+$0x90]  }
0x137: {  	v10 =	vld.idx.msk [tilespmem:v10+s3+$0x0], $0xffff;
	v5 =	vand.u32 $0xFFFF0000, v5;
	v6 =	vor.u32 v6, v54;
	v60 =	vshll.u32 v11, $0x10  }
0x138: {  	v9 =	vld.idx.msk [tilespmem:v9+s3+$0x0], $0xffff;
	v56 =	vor.u32 v0, v6;
	v6 =	vand.u32 $0x7F, v12;
	v11 =	vand.u32 $0xFFFF0000, v11;
	[tilespmem:s25+$0xFFFFFF80] =	vst v60  }
0x139: {  	v57 =	vld.idx.msk [tilespmem:v4+s3+$0x0], $0xffff;
	v6 =	vor.u32 v6, v14;
	v15 =	vand.u32 $0xFFFFFC00, v55;
	[tilespmem:s26+$0xFFFFFF80] =	vst v11;
	v13 =	vshll.u32 v17, $0x10  }
0x13a: {  	v14 =	vand.u32 $0x7F, v47;
	v12 =	vadd.s32 v1, v15;
	v15 =	vld.idx.msk [tilespmem:v18+s3+$0x0], $0xffff;
	v4 =	vand.u32 $0xFFFF0000, v17;
	[tilespmem:s12+$0xC0] =	vst v13  }
0x13b: {  	v12 =	vor.u32 v14, v12;
	v14 =	vld [tilespmem:s6+$0xFFFFFF40];
	v13 =	vshll.u32 v53, $0x10;
	v58 =	vshll.u32 v22, $0x3;
	[tilespmem:s13+$0xC0] =	vst v4  }
0x13c: {  	v17 =	vld [tilespmem:s24+$0xFFFFFF90];
	v4 =	vor.u32 v0, v12;
	v12 =	vand.u32 $0xFFFF0000, v53;
	[tilespmem:s25+$0xFFFFFF00] =	vst v13;
	v13 =	vand.u32 $0xFFFFFC00, v58  }
0x13d: {  	v49 =	vshll.u32 v10, $0x10;
	v61 =	vld [tilespmem:s6+$0xD0];
	[tilespmem:s26+$0xFFFFFF00] =	vst v12;
	v12 =	vand.u32 $0x7F, v22;
	v13 =	vadd.s32 v1, v13  }
0x13e: {  	v41 =	vand.u32 $0xFFFFFC00, v30;
	v43 =	vand.u32 $0x7F, v59;
	v12 =	vor.u32 v12, v13  }
0x13f: {  	v18 =	vand.u32 $0xFFFF0000, v57;
	v62 =	vshll.u32 v15, $0x10;
	v63 =	vld [tilespmem:s24+$0xFFFFFF10];
	v11 =	vor.u32 v0, v12  }
0x140: {  	[tilespmem:s25+$0x0] =	vst v62;
	v28 =	vshll.u32 v14, $0x3;
	v14 =	vand.u32 $0x7F, v14;
	v13 =	vand.u32 $0xFFFF0000, v15  }
0x141: {  	v15 =	vshll.u32 v9, $0x10;
	v9 =	vand.u32 $0xFFFF0000, v9;
	v12 =	vshll.u32 v57, $0x10;
	[tilespmem:s26+$0x0] =	vst v13  }
0x142: {  	v13 =	vand.u32 $0xFFFFFC00, v28;
	[tilespmem:s12+$0xFFFFFFB0] =	vst v15;
	v33 =	vshll.u32 v17, $0x3;
	v31 =	vld [tilespmem:s24+$0x10];
	v29 =	vshll.u32 v61, $0x3  }
0x143: {  	v17 =	vand.u32 $0x7F, v17;
	v13 =	vadd.s32 v1, v13;
	[tilespmem:s13+$0xFFFFFFB0] =	vst v9;
	v15 =	vand.u32 $0xFFFFFC00, v29  }
0x144: {  	[tilespmem:s12+$0x30] =	vst v12;
	v20 =	vand.u32 $0x7F, v61;
	v32 =	vshll.u32 v63, $0x3;
	v9 =	vadd.s32 v1, v15;
	v11 =	vld.idx.msk [tilespmem:v11+s3+$0x0], $0xffff  }
0x145: {  	[tilespmem:s13+$0x30] =	vst v18;
	v13 =	vor.u32 v14, v13;
	v21 =	vand.u32 $0xFFFFFC00, v32;
	v9 =	vor.u32 v20, v9  }
0x146: {  	v18 =	vld [tilespmem:s6+$0x40];
	v15 =	vand.u32 $0x7F, v63;
	v12 =	vadd.s32 v1, v21;
	v9 =	vor.u32 v0, v9  }
0x147: {  	[tilespmem:s14+$0x50] =	vst v52;
	v34 =	vld [tilespmem:s6+$0xFFFFFFC0];
	v35 =	vshll.u32 v31, $0x3;
	v12 =	vor.u32 v15, v12;
	v15 =	vand.u32 $0xFFFFFC00, v33  }
0x148: {  	[tilespmem:s4+$0x50] =	vst v8;
	v8 =	vand.u32 $0x7F, v31;
	v15 =	vadd.s32 v1, v15;
	v12 =	vor.u32 v0, v12  }
0x149: {  	v36 =	vand.u32 $0xFFFFFC00, v35;
	v15 =	vor.u32 v17, v15;
	v14 =	vshll.u32 v11, $0x10  }
0x14a: {  	v37 =	vld [tilespmem:s5+$0x60];
	v17 =	vadd.s32 v1, v36;
	v15 =	vor.u32 v0, v15;
	v11 =	vand.u32 $0xFFFF0000, v11;
	[tilespmem:s25+$0x90] =	vst v14  }
0x14b: {  	v13 =	vor.u32 v0, v13;
	v39 =	vshll.u32 v18, $0x3;
	v8 =	vor.u32 v8, v17;
	v9 =	vld.idx.msk [tilespmem:v9+s3+$0x0], $0xffff;
	[tilespmem:s26+$0x90] =	vst v11  }
0x14c: {  	v38 =	vshll.u32 v34, $0x3;
	v17 =	vand.u32 $0xFFFFFC00, v39;
	v8 =	vor.u32 v0, v8;
	v40 =	vld [tilespmem:s24+$0xA0]  }
0x14d: {  	v18 =	vand.u32 $0x7F, v18;
	v14 =	vand.u32 $0xFFFFFC00, v38;
	v17 =	vadd.s32 v1, v17;
	v12 =	vld.idx.msk [tilespmem:v12+s3+$0x0], $0xffff  }
0x14e: {  	[tilespmem:s0+$0xF0] =	vst v3;
	v11 =	vand.u32 $0x7F, v34;
	v14 =	vadd.s32 v1, v14;
	v17 =	vor.u32 v18, v17  }
0x14f: {  	[tilespmem:s1+$0xF0] =	vst v2;
	v11 =	vor.u32 v11, v14;
	v14 =	vshll.u32 v37, $0x3;
	v17 =	vor.u32 v0, v17;
	v3 =	vld.idx.msk [tilespmem:v15+s3+$0x0], $0xffff  }
0x150: {  	[tilespmem:s14+$0xF0] =	vst v7;
	v16 =	vld.idx.msk [tilespmem:v56+s3+$0x0], $0xffff;
	v11 =	vor.u32 v0, v11;
	v14 =	vand.u32 $0xFFFFFC00, v14;
	v42 =	vshll.u32 v9, $0x10  }
0x151: {  	v15 =	vadd.s32 v1, v41;
	v8 =	vld.idx.msk [tilespmem:v8+s3+$0x0], $0xffff;
	v9 =	vand.u32 $0xFFFF0000, v9;
	[tilespmem:s12+$0xD0] =	vst v42;
	v44 =	vshll.u32 v40, $0x3  }
0x152: {  	v13 =	vld.idx.msk [tilespmem:v13+s3+$0x0], $0xffff;
	v14 =	vadd.s32 v1, v14;
	v46 =	vshll.u32 v12, $0x10;
	[tilespmem:s13+$0xD0] =	vst v9;
	v45 =	vand.u32 $0xFFFFFC00, v44  }
0x153: {  	v47 =	vand.u32 $0x7F, v40;
	v12 =	vand.u32 $0xFFFF0000, v12;
	[tilespmem:s25+$0xFFFFFF10] =	vst v46;
	v2 =	vld [tilespmem:s6+$0xE0];
	v18 =	vadd.s32 v1, v45  }
0x154: {  	v17 =	vld.idx.msk [tilespmem:v17+s3+$0x0], $0xffff;
	v9 =	vor.u32 v43, v15;
	[tilespmem:s26+$0xFFFFFF10] =	vst v12;
	v7 =	vshll.u32 v3, $0x10;
	v18 =	vor.u32 v47, v18  }
0x155: {  	v15 =	vand.u32 $0x7F, v37;
	v3 =	vand.u32 $0xFFFF0000, v3;
	v48 =	vld [tilespmem:s24+$0xFFFFFF20];
	[tilespmem:s25+$0xFFFFFF90] =	vst v7;
	v12 =	vor.u32 v0, v18  }
0x156: {  	v10 =	vand.u32 $0xFFFF0000, v10;
	v11 =	vld.idx.msk [tilespmem:v11+s3+$0x0], $0xffff;
	v14 =	vor.u32 v15, v14;
	v15 =	vshll.u32 v8, $0x10;
	[tilespmem:s26+$0xFFFFFF90] =	vst v3  }
0x157: {  	v6 =	vor.u32 v0, v6;
	v9 =	vor.u32 v0, v9;
	v7 =	vand.u32 $0xFFFF0000, v8;
	[tilespmem:s25+$0x10] =	vst v15;
	v50 =	vld [tilespmem:s24+$0xFFFFFFA0]  }
0x158: {  	v8 =	vshll.u32 v16, $0x10;
	v15 =	vshll.u32 v13, $0x10;
	[tilespmem:s26+$0x10] =	vst v7;
	v3 =	vshll.u32 v2, $0x3  }
0x159: {  	v14 =	vor.u32 v0, v14;
	[tilespmem:s12+$0xFFFFFF40] =	vst v15;
	v15 =	vld [tilespmem:s24+$0x20];
	v2 =	vand.u32 $0x7F, v2;
	v3 =	vand.u32 $0xFFFFFC00, v3  }
0x15a: {  	v18 =	vand.u32 $0x7F, v48;
	v3 =	vadd.s32 v1, v3;
	v7 =	vld.idx.msk [tilespmem:v12+s3+$0x0], $0xffff;
	v12 =	vand.u32 $0xFFFF0000, v13  }
0x15b: {  	v13 =	vshll.u32 v11, $0x10;
	v11 =	vand.u32 $0xFFFF0000, v11;
	v2 =	vor.u32 v2, v3;
	[tilespmem:s13+$0xFFFFFF40] =	vst v12  }
0x15c: {  	v3 =	vshll.u32 v48, $0x3;
	[tilespmem:s12+$0xFFFFFFC0] =	vst v13;
	v12 =	vshll.u32 v17, $0x10;
	v51 =	vand.u32 $0x7F, v50  }
0x15d: {  	v9 =	vld.idx.msk [tilespmem:v9+s3+$0x0], $0xffff;
	v20 =	vshll.u32 v50, $0x3;
	v2 =	vor.u32 v0, v2;
	v3 =	vand.u32 $0xFFFFFC00, v3;
	[tilespmem:s13+$0xFFFFFFC0] =	vst v11  }
0x15e: {  	v13 =	vld [tilespmem:s6+$0xFFFFFF50];
	v11 =	vand.u32 $0xFFFFFC00, v20;
	[tilespmem:s12+$0x40] =	vst v12;
	v12 =	vand.u32 $0xFFFF0000, v17;
	v3 =	vadd.s32 v1, v3  }
0x15f: {  	v11 =	vadd.s32 v1, v11;
	[tilespmem:s13+$0x40] =	vst v12;
	v12 =	vshll.u32 v15, $0x3;
	v3 =	vor.u32 v18, v3  }
0x160: {  	v52 =	vld [tilespmem:s6+$0xFFFFFFD0];
	v15 =	vand.u32 $0x7F, v15;
	v12 =	vand.u32 $0xFFFFFC00, v12;
	v3 =	vor.u32 v0, v3  }
0x161: {  	[tilespmem:s4+$0xF0] =	vst v5;
	v55 =	vld [tilespmem:s6+$0x50];
	v11 =	vor.u32 v51, v11;
	v53 =	vshll.u32 v7, $0x10;
	v12 =	vadd.s32 v1, v12  }
0x162: {  	v7 =	vand.u32 $0xFFFF0000, v7;
	v5 =	vor.u32 v0, v11;
	[tilespmem:s25+$0xA0] =	vst v53;
	v11 =	vor.u32 v15, v12;
	v15 =	vld.idx.msk [tilespmem:v6+s3+$0x0], $0xffff  }
0x163: {  	v16 =	vand.u32 $0xFFFF0000, v16;
	v54 =	vshll.u32 v9, $0x10;
	v2 =	vld.idx.msk [tilespmem:v2+s3+$0x0], $0xffff;
	[tilespmem:s26+$0xA0] =	vst v7;
	v7 =	vshll.u32 v13, $0x3  }
0x164: {  	[tilespmem:s0+$0xFFFFFF70] =	vst v49;
	v11 =	vor.u32 v0, v11;
	v13 =	vand.u32 $0x7F, v13;
	v12 =	vld [tilespmem:s24+$0xB0];
	v7 =	vand.u32 $0xFFFFFC00, v7  }
0x165: {  	[tilespmem:s14+$0xFFFFFF60] =	vst v8;
	v8 =	vshll.u32 v52, $0x3;
	v6 =	vand.u32 $0x7F, v52;
	v7 =	vadd.s32 v1, v7;
	v3 =	vld.idx.msk [tilespmem:v3+s3+$0x0], $0xffff  }
0x166: {  	[tilespmem:s1+$0xFFFFFF70] =	vst v10;
	v8 =	vand.u32 $0xFFFFFC00, v8;
	v56 =	vand.u32 $0x7F, v55;
	v17 =	vshll.u32 v55, $0x3  }
0x167: {  	[tilespmem:s4+$0xFFFFFF60] =	vst v16;
	v8 =	vadd.s32 v1, v8;
	v7 =	vor.u32 v13, v7;
	v17 =	vand.u32 $0xFFFFFC00, v17  }
0x168: {  	v14 =	vld.idx.msk [tilespmem:v14+s3+$0x0], $0xffff;
	[tilespmem:s14+$0xFFFFFFE0] =	vst v54;
	v6 =	vor.u32 v6, v8;
	v8 =	vadd.s32 v1, v17;
	v57 =	vshll.u32 v2, $0x10  }
0x169: {  	v5 =	vld.idx.msk [tilespmem:v5+s3+$0x0], $0xffff;
	v10 =	vor.u32 v0, v7;
	v2 =	vand.u32 $0xFFFF0000, v2;
	[tilespmem:s12+$0xE0] =	vst v57;
	v58 =	vshll.u32 v12, $0x3  }
0x16a: {  	v13 =	vld [tilespmem:s5+$0xFFFFFF70];
	v7 =	vor.u32 v56, v8;
	[tilespmem:s13+$0xE0] =	vst v2;
	v2 =	vand.u32 $0xFFFFFC00, v58;
	v8 =	vshll.u32 v3, $0x10  }
0x16b: {  	v12 =	vand.u32 $0x7F, v12;
	v59 =	vld [tilespmem:s6+$0xF0];
	v2 =	vadd.s32 v1, v2;
	v3 =	vand.u32 $0xFFFF0000, v3;
	[tilespmem:s25+$0xFFFFFF20] =	vst v8  }
0x16c: {  	v11 =	vld.idx.msk [tilespmem:v11+s3+$0x0], $0xffff;
	v8 =	vshll.u32 v15, $0x10;
	v2 =	vor.u32 v12, v2;
	[tilespmem:s26+$0xFFFFFF20] =	vst v3  }
0x16d: {  	[tilespmem:s0+$0xFFFFFFF0] =	vst v8;
	v12 =	vor.u32 v0, v2;
	v3 =	vand.u32 $0xFFFF0000, v9;
	v2 =	vld.idx.msk [tilespmem:v4+s3+$0x0], $0xffff  }
0x16e: {  	v61 =	vshll.u32 v14, $0x10;
	v4 =	vshll.u32 v5, $0x10;
	v60 =	vld [tilespmem:s24+$0xFFFFFF30];
	[tilespmem:s4+$0xFFFFFFE0] =	vst v3  }
0x16f: {  	v62 =	vand.u32 $0xFFFF0000, v14;
	v6 =	vor.u32 v0, v6;
	v5 =	vand.u32 $0xFFFF0000, v5;
	[tilespmem:s25+$0xFFFFFFA0] =	vst v4  }
0x170: {  	v7 =	vor.u32 v0, v7;
	v63 =	vand.u32 $0x7F, v13;
	v8 =	vld.idx.msk [tilespmem:v10+s3+$0x0], $0xffff;
	[tilespmem:s26+$0xFFFFFFA0] =	vst v5;
	v3 =	vshll.u32 v59, $0x3  }
0x171: {  	v10 =	vshll.u32 v11, $0x10;
	v4 =	vshll.u32 v13, $0x3;
	v9 =	vld [tilespmem:s24+$0xFFFFFFB0];
	v5 =	vand.u32 $0xFFFFFC00, v3  }
0x172: {  	[tilespmem:s25+$0x20] =	vst v10;
	v10 =	vand.u32 $0xFFFF0000, v11;
	v13 =	vand.u32 $0x7F, v59;
	v3 =	vld [tilespmem:s5+$0xFFFFFFF0];
	v5 =	vadd.s32 v1, v5  }
0x173: {  	[tilespmem:s14+$0x60] =	vst v61;
	v4 =	vand.u32 $0xFFFFFC00, v4;
	v11 =	vld.idx.msk [tilespmem:v12+s3+$0x0], $0xffff;
	v5 =	vor.u32 v13, v5;
	v12 =	vshll.u32 v60, $0x3  }
0x174: {  	s19 =	simm.s32 $0xD100;
	v6 =	vld.idx.msk [tilespmem:v6+s3+$0x0], $0xffff;
	[tilespmem:s26+$0x20] =	vst v10;
	v4 =	vadd.s32 v1, v4;
	v14 =	vand.u32 $0xFFFFFC00, v12;
	v12 =	vor.u32 v0, v5  }
0x175: {  	s15 =	simm.s32 $0x60;
	s29 =	simm.s32 $0xEF00;
	s28 =	simm.s32 $0xFF00;
	[tilespmem:s4+$0x60] =	vst v62;
	v10 =	vld [tilespmem:s24+$0x30];
	v4 =	vor.u32 v63, v4;
	v13 =	vand.u32 $0x7F, v60;
	v5 =	vand.u32 $0xFFFF0000, v15  }
.LBB2_3:
0x176: {  	v15 =	vld [tilespmem:s19+$0x80];
	v14 =	vadd.s32 v1, v14;
	v16 =	vshll.u32 v8, $0x10;
	v8 =	vand.u32 $0xFFFF0000, v8;
	[tilespmem:s1+$0xFFFFFFF0] =	vst v5  }
0x177: {  	v5 =	vld [tilespmem:s19+$0xFFFFFF80];
	v13 =	vor.u32 v13, v14;
	v14 =	vand.u32 $0x7F, v9;
	v9 =	vshll.u32 v9, $0x3;
	[tilespmem:s12+$0xFFFFFF50] =	vst v16  }
0x178: {  	v16 =	vld [tilespmem:s19+$0x0];
	v13 =	vor.u32 v0, v13;
	v9 =	vand.u32 $0xFFFFFC00, v9;
	[tilespmem:s13+$0xFFFFFF50] =	vst v8;
	v8 =	vshll.u32 v3, $0x3  }
0x179: {  	v17 =	vshll.u32 v11, $0x10;
	v9 =	vadd.s32 v1, v9;
	v12 =	vld.idx.msk [tilespmem:v12+s3+$0x0], $0xffff;
	v8 =	vand.u32 $0xFFFFFC00, v8  }
0x17a: {  	v11 =	vand.u32 $0xFFFF0000, v11;
	v18 =	vld [tilespmem:s19+$0xFFFFFF00];
	v19 =	vand.u32 $0x7F, v10;
	v10 =	vshll.u32 v10, $0x3;
	[tilespmem:s25+$0xB0] =	vst v17  }
0x17b: {  	v9 =	vor.u32 v14, v9;
	v17 =	vshll.u32 v15, $0x3;
	v10 =	vand.u32 $0xFFFFFC00, v10;
	[tilespmem:s26+$0xB0] =	vst v11;
	v7 =	vld.idx.msk [tilespmem:v7+s3+$0x0], $0xffff  }
0x17c: {  	v11 =	vand.u32 $0x7F, v5;
	v5 =	vshll.u32 v5, $0x3;
	v14 =	vand.u32 $0xFFFFFC00, v17;
	v17 =	vld [tilespmem:s24+$0xC0]  }
0x17d: {  	v15 =	vand.u32 $0x7F, v15;
	v20 =	vshll.u32 v16, $0x3;
	v14 =	vadd.s32 v1, v14;
	v13 =	vld.idx.msk [tilespmem:v13+s3+$0x0], $0xffff  }
0x17e: {  	s15 =	sadd.s32 $0x20, s15;
	v5 =	vand.u32 $0xFFFFFC00, v5;
	v20 =	vand.u32 $0xFFFFFC00, v20;
	v14 =	vor.u32 v15, v14;
	v15 =	vld [tilespmem:s6+$0xFFFFFF60]  }
0x17f: {  	p1 =	slt.u32 s15, $0xE0;
	v22 =	vshll.u32 v12, $0x10;
	v21 =	vshll.u32 v18, $0x3;
	v14 =	vor.u32 v0, v14;
	v23 =	vld [tilespmem:s5+$0x70];
	s5 =	smov.u32 s6;
	s6 =	smov.u32 s24  }
0x180: {  	v5 =	vadd.s32 v1, v5;
	v12 =	vand.u32 $0xFFFF0000, v12;
	s24 =	smov.u32 s19;
	v21 =	vand.u32 $0xFFFFFC00, v21;
	[tilespmem:s12+$0xF0] =	vst v22  }
0x181: {  	v20 =	vadd.s32 v1, v20;
	v21 =	vadd.s32 v1, v21;
	v22 =	vshll.u32 v17, $0x3;
	[tilespmem:s13+$0xF0] =	vst v12  }
0x182: {  	v16 =	vand.u32 $0x7F, v16;
	v12 =	vand.u32 $0x7F, v18;
	v18 =	vand.u32 $0xFFFFFC00, v22  }
0x183: {  	v17 =	vand.u32 $0x7F, v17;
	v12 =	vor.u32 v12, v21;
	v18 =	vadd.s32 v1, v18  }
0x184: {  	v5 =	vor.u32 v11, v5;
	v11 =	vor.u32 v16, v20;
	v14 =	vld.idx.msk [tilespmem:v14+s3+$0x0], $0xffff;
	v16 =	vor.u32 v17, v18  }
0x185: {  	v5 =	vor.u32 v0, v5;
	v12 =	vor.u32 v0, v12;
	v16 =	vor.u32 v0, v16  }
0x186: {  	v9 =	vor.u32 v0, v9;
	v10 =	vadd.s32 v1, v10;
	v11 =	vor.u32 v0, v11  }
0x187: {  	v10 =	vor.u32 v19, v10;
	v17 =	vshll.u32 v13, $0x10;
	v13 =	vand.u32 $0xFFFF0000, v13  }
0x188: {  	v10 =	vor.u32 v0, v10;
	[tilespmem:s25+$0xFFFFFF30] =	vst v17;
	v17 =	vshll.u32 v6, $0x10;
	v6 =	vand.u32 $0xFFFF0000, v6  }
0x189: {  	v18 =	vshll.u32 v7, $0x10;
	v7 =	vand.u32 $0xFFFF0000, v7;
	[tilespmem:s26+$0xFFFFFF30] =	vst v13;
	v13 =	vshll.u32 v15, $0x3  }
0x18a: {  	s25 =	sadd.s32 $0x200, s25;
	v19 =	vshll.u32 v14, $0x10;
	v15 =	vand.u32 $0x7F, v15;
	v16 =	vld.idx.msk [tilespmem:v16+s3+$0x0], $0xffff;
	v13 =	vand.u32 $0xFFFFFC00, v13;
	[tilespmem:s12+$0xFFFFFFD0] =	vst v17  }
0x18b: {  	v14 =	vand.u32 $0xFFFF0000, v14;
	s26 =	sadd.s32 $0x200, s26;
	v17 =	vshll.u32 v23, $0x3;
	v12 =	vld.idx.msk [tilespmem:v12+s3+$0x0], $0xffff;
	[tilespmem:s25+$0x80] =	vst v19;
	v13 =	vadd.s32 v1, v13  }
0x18c: {  	v8 =	vadd.s32 v1, v8;
	v5 =	vld.idx.msk [tilespmem:v5+s3+$0x0], $0xffff;
	[tilespmem:s26+$0x80] =	vst v14;
	v13 =	vor.u32 v15, v13;
	v14 =	vand.u32 $0xFFFFFC00, v17  }
0x18d: {  	v3 =	vand.u32 $0x7F, v3;
	v15 =	vld [tilespmem:s19+$0x90];
	v13 =	vor.u32 v0, v13;
	[tilespmem:s13+$0xFFFFFFD0] =	vst v6;
	v6 =	vadd.s32 v1, v14  }
0x18e: {  	v4 =	vor.u32 v0, v4;
	v3 =	vor.u32 v3, v8;
	v8 =	vand.u32 $0x7F, v23;
	v11 =	vld.idx.msk [tilespmem:v11+s3+$0x0], $0xffff;
	[tilespmem:s12+$0x50] =	vst v18  }
0x18f: {  	v9 =	vld.idx.msk [tilespmem:v9+s3+$0x0], $0xffff;
	[tilespmem:s13+$0x50] =	vst v7;
	v7 =	vor.u32 v0, v3;
	v3 =	vor.u32 v8, v6;
	v6 =	vshll.u32 v2, $0x10  }
0x190: {  	v2 =	vand.u32 $0xFFFF0000, v2;
	v8 =	vld.idx.msk [tilespmem:v10+s3+$0x0], $0xffff;
	v10 =	vshll.u32 v16, $0x10;
	v14 =	vor.u32 v0, v3;
	[tilespmem:s0+$0x70] =	vst v6;
	s0 =	smov.u32 s14;
	s14 =	smov.u32 s12;
	s12 =	smov.u32 s29  }
0x191: {  	v3 =	vshll.u32 v12, $0x10;
	v6 =	vand.u32 $0xFFFF0000, v12;
	s29 =	smov.u32 s25;
	v12 =	vld [tilespmem:s6+$0xFFFFFF40];
	[tilespmem:s12+$0xC0] =	vst v10;
	v10 =	vand.u32 $0xFFFF0000, v16  }
0x192: {  	v16 =	vshll.u32 v5, $0x10;
	v5 =	vand.u32 $0xFFFF0000, v5;
	v17 =	vshll.u32 v15, $0x3;
	[tilespmem:s28+$0xC0] =	vst v10;
	v10 =	vld [tilespmem:s5+$0xFFFFFFE0]  }
0x193: {  	[tilespmem:s25+$0xFFFFFF00] =	vst v3;
	v3 =	vand.u32 $0xFFFFFC00, v17;
	v17 =	vld [tilespmem:s6+$0xD0]  }
0x194: {  	v15 =	vand.u32 $0x7F, v15;
	[tilespmem:s26+$0xFFFFFF00] =	vst v6;
	v6 =	vshll.u32 v11, $0x10;
	v3 =	vadd.s32 v1, v3;
	v18 =	vld [tilespmem:s5+$0x60]  }
0x195: {  	v11 =	vand.u32 $0xFFFF0000, v11;
	v19 =	vld [tilespmem:s19+$0xFFFFFF10];
	[tilespmem:s25+$0xFFFFFF80] =	vst v16;
	v3 =	vor.u32 v15, v3;
	v15 =	vshll.u32 v9, $0x10  }
0x196: {  	[tilespmem:s26+$0xFFFFFF80] =	vst v5;
	v16 =	vor.u32 v0, v3;
	v5 =	vand.u32 $0xFFFF0000, v9;
	v9 =	vshll.u32 v8, $0x10;
	v3 =	vld.idx.msk [tilespmem:v13+s3+$0x0], $0xffff  }
0x197: {  	v8 =	vand.u32 $0xFFFF0000, v8;
	v13 =	vld [tilespmem:s19+$0xFFFFFF90];
	[tilespmem:s25+$0x0] =	vst v6;
	v6 =	vand.u32 $0x7F, v12;
	v12 =	vshll.u32 v12, $0x3  }
0x198: {  	v20 =	vshll.u32 v10, $0x3;
	[tilespmem:s26+$0x0] =	vst v11;
	v11 =	vand.u32 $0xFFFFFC00, v12;
	v12 =	vshll.u32 v17, $0x3;
	v4 =	vld.idx.msk [tilespmem:v4+s3+$0x0], $0xffff  }
0x199: {  	v21 =	vld [tilespmem:s19+$0x10];
	v11 =	vadd.s32 v1, v11;
	[tilespmem:s12+$0xFFFFFFB0] =	vst v15;
	v12 =	vand.u32 $0xFFFFFC00, v12;
	v15 =	vshll.u32 v18, $0x3  }
0x19a: {  	v17 =	vand.u32 $0x7F, v17;
	v22 =	vshll.u32 v19, $0x3;
	[tilespmem:s28+$0xFFFFFFB0] =	vst v5;
	v12 =	vadd.s32 v1, v12;
	v5 =	vld.idx.msk [tilespmem:v7+s3+$0x0], $0xffff  }
0x19b: {  	v7 =	vand.u32 $0x7F, v19;
	v19 =	vand.u32 $0xFFFFFC00, v22;
	v16 =	vld.idx.msk [tilespmem:v16+s3+$0x0], $0xffff;
	[tilespmem:s12+$0x30] =	vst v9;
	v9 =	vor.u32 v17, v12  }
0x19c: {  	v12 =	vadd.s32 v1, v19;
	v17 =	vshll.u32 v13, $0x3;
	v19 =	vld [tilespmem:s6+$0xFFFFFFC0];
	[tilespmem:s28+$0x30] =	vst v8;
	v8 =	vor.u32 v0, v9  }
0x19d: {  	v9 =	vand.u32 $0x7F, v13;
	v7 =	vor.u32 v7, v12;
	v12 =	vand.u32 $0xFFFFFC00, v17;
	v13 =	vld [tilespmem:s6+$0x40];
	[tilespmem:s1+$0x70] =	vst v2;
	s1 =	smov.u32 s4;
	s4 =	smov.u32 s13;
	s13 =	smov.u32 s28  }
0x19e: {  	s28 =	smov.u32 s26;
	v12 =	vadd.s32 v1, v12;
	v17 =	vand.u32 $0x7F, v21;
	v21 =	vshll.u32 v21, $0x3;
	v2 =	vld.idx.msk [tilespmem:v14+s3+$0x0], $0xffff  }
0x19f: {  	v7 =	vor.u32 v0, v7;
	v9 =	vor.u32 v9, v12;
	v12 =	vand.u32 $0xFFFFFC00, v21  }
0x1a0: {  	v6 =	vor.u32 v6, v11;
	v9 =	vor.u32 v0, v9;
	v12 =	vadd.s32 v1, v12  }
0x1a1: {  	v11 =	vor.u32 v17, v12;
	v12 =	vshll.u32 v16, $0x10;
	v14 =	vshll.u32 v19, $0x3;
	v8 =	vld.idx.msk [tilespmem:v8+s3+$0x0], $0xffff  }
0x1a2: {  	v11 =	vor.u32 v0, v11;
	[tilespmem:s25+$0x90] =	vst v12;
	v12 =	vand.u32 $0xFFFF0000, v16;
	v16 =	vshll.u32 v13, $0x3  }
0x1a3: {  	v14 =	vand.u32 $0xFFFFFC00, v14;
	[tilespmem:s26+$0x90] =	vst v12;
	v12 =	vand.u32 $0x7F, v19;
	v16 =	vand.u32 $0xFFFFFC00, v16  }
0x1a4: {  	v13 =	vand.u32 $0x7F, v13;
	v14 =	vadd.s32 v1, v14;
	v17 =	vld [tilespmem:s19+$0xA0];
	v16 =	vadd.s32 v1, v16  }
0x1a5: {  	v6 =	vor.u32 v0, v6;
	v12 =	vor.u32 v12, v14;
	v7 =	vld.idx.msk [tilespmem:v7+s3+$0x0], $0xffff;
	v13 =	vor.u32 v13, v16  }
0x1a6: {  	v14 =	vand.u32 $0xFFFFFC00, v20;
	v12 =	vor.u32 v0, v12;
	v9 =	vld.idx.msk [tilespmem:v9+s3+$0x0], $0xffff;
	v13 =	vor.u32 v0, v13  }
0x1a7: {  	v15 =	vand.u32 $0xFFFFFC00, v15;
	v14 =	vadd.s32 v1, v14;
	v16 =	vshll.u32 v8, $0x10;
	v11 =	vld.idx.msk [tilespmem:v11+s3+$0x0], $0xffff  }
0x1a8: {  	v10 =	vand.u32 $0x7F, v10;
	v15 =	vadd.s32 v1, v15;
	v8 =	vand.u32 $0xFFFF0000, v8;
	[tilespmem:s12+$0xD0] =	vst v16  }
0x1a9: {  	v16 =	vshll.u32 v17, $0x3;
	[tilespmem:s13+$0xD0] =	vst v8;
	v8 =	vor.u32 v10, v14;
	v10 =	vand.u32 $0x7F, v18  }
0x1aa: {  	v14 =	vand.u32 $0xFFFFFC00, v16;
	v16 =	vld [tilespmem:s6+$0xE0];
	v8 =	vor.u32 v0, v8;
	v10 =	vor.u32 v10, v15  }
0x1ab: {  	v17 =	vand.u32 $0x7F, v17;
	v15 =	vshll.u32 v7, $0x10;
	v14 =	vadd.s32 v1, v14;
	v6 =	vld.idx.msk [tilespmem:v6+s3+$0x0], $0xffff  }
0x1ac: {  	v7 =	vand.u32 $0xFFFF0000, v7;
	[tilespmem:s25+$0xFFFFFF10] =	vst v15;
	v15 =	vshll.u32 v9, $0x10;
	v14 =	vor.u32 v17, v14;
	v12 =	vld.idx.msk [tilespmem:v12+s3+$0x0], $0xffff  }
0x1ad: {  	[tilespmem:s26+$0xFFFFFF10] =	vst v7;
	v7 =	vand.u32 $0xFFFF0000, v9;
	v9 =	vshll.u32 v11, $0x10;
	v14 =	vor.u32 v0, v14;
	v13 =	vld.idx.msk [tilespmem:v13+s3+$0x0], $0xffff  }
0x1ae: {  	v10 =	vor.u32 v0, v10;
	v11 =	vand.u32 $0xFFFF0000, v11;
	v17 =	vld [tilespmem:s19+$0xFFFFFF20];
	[tilespmem:s25+$0xFFFFFF90] =	vst v15;
	v15 =	vshll.u32 v3, $0x10  }
0x1af: {  	v18 =	vshll.u32 v4, $0x10;
	v3 =	vand.u32 $0xFFFF0000, v3;
	[tilespmem:s26+$0xFFFFFF90] =	vst v7;
	v7 =	vshll.u32 v16, $0x3;
	v8 =	vld.idx.msk [tilespmem:v8+s3+$0x0], $0xffff  }
0x1b0: {  	v4 =	vand.u32 $0xFFFF0000, v4;
	v19 =	vld [tilespmem:s19+$0xFFFFFFA0];
	[tilespmem:s25+$0x10] =	vst v9;
	v7 =	vand.u32 $0xFFFFFC00, v7;
	v9 =	vshll.u32 v5, $0x10  }
0x1b1: {  	v16 =	vand.u32 $0x7F, v16;
	[tilespmem:s26+$0x10] =	vst v11;
	v11 =	vshll.u32 v6, $0x10;
	v7 =	vadd.s32 v1, v7  }
0x1b2: {  	v6 =	vand.u32 $0xFFFF0000, v6;
	v14 =	vld.idx.msk [tilespmem:v14+s3+$0x0], $0xffff;
	[tilespmem:s12+$0xFFFFFF40] =	vst v11;
	v11 =	vshll.u32 v12, $0x10;
	v7 =	vor.u32 v16, v7  }
0x1b3: {  	v16 =	vand.u32 $0x7F, v17;
	v17 =	vshll.u32 v17, $0x3;
	v20 =	vld [tilespmem:s19+$0x20];
	[tilespmem:s13+$0xFFFFFF40] =	vst v6;
	v6 =	vor.u32 v0, v7  }
0x1b4: {  	v7 =	vand.u32 $0xFFFFFC00, v17;
	v17 =	vld [tilespmem:s6+$0xFFFFFF50];
	[tilespmem:s12+$0xFFFFFFC0] =	vst v11;
	v11 =	vand.u32 $0xFFFF0000, v12;
	v12 =	vshll.u32 v13, $0x10  }
0x1b5: {  	v7 =	vadd.s32 v1, v7;
	v21 =	vand.u32 $0x7F, v19;
	v19 =	vshll.u32 v19, $0x3;
	[tilespmem:s13+$0xFFFFFFC0] =	vst v11;
	v10 =	vld.idx.msk [tilespmem:v10+s3+$0x0], $0xffff  }
0x1b6: {  	v7 =	vor.u32 v16, v7;
	v11 =	vand.u32 $0xFFFFFC00, v19;
	v16 =	vld [tilespmem:s6+$0xFFFFFFD0];
	[tilespmem:s12+$0x40] =	vst v12;
	v12 =	vand.u32 $0xFFFF0000, v13  }
0x1b7: {  	v7 =	vor.u32 v0, v7;
	v11 =	vadd.s32 v1, v11;
	[tilespmem:s13+$0x40] =	vst v12;
	v12 =	vshll.u32 v8, $0x10  }
0x1b8: {  	v13 =	vand.u32 $0x7F, v20;
	v19 =	vshll.u32 v20, $0x3;
	v20 =	vshll.u32 v14, $0x10;
	v6 =	vld.idx.msk [tilespmem:v6+s3+$0x0], $0xffff;
	[tilespmem:s14+$0xFFFFFF60] =	vst v15  }
0x1b9: {  	v11 =	vor.u32 v21, v11;
	v14 =	vand.u32 $0xFFFF0000, v14;
	v15 =	vand.u32 $0xFFFFFC00, v19;
	[tilespmem:s25+$0xA0] =	vst v20;
	v19 =	vld [tilespmem:s6+$0x50]  }
0x1ba: {  	v11 =	vor.u32 v0, v11;
	v15 =	vadd.s32 v1, v15;
	[tilespmem:s26+$0xA0] =	vst v14;
	v14 =	vshll.u32 v17, $0x3  }
0x1bb: {  	v13 =	vor.u32 v13, v15;
	v15 =	vld [tilespmem:s19+$0xB0];
	v14 =	vand.u32 $0xFFFFFC00, v14;
	v20 =	vshll.u32 v16, $0x3;
	[tilespmem:s4+$0xFFFFFF60] =	vst v3  }
0x1bc: {  	v3 =	vld.idx.msk [tilespmem:v7+s3+$0x0], $0xffff;
	v7 =	vor.u32 v0, v13;
	v13 =	vadd.s32 v1, v14;
	v14 =	vand.u32 $0xFFFFFC00, v20;
	[tilespmem:s14+$0xFFFFFFE0] =	vst v12  }
0x1bd: {  	v16 =	vand.u32 $0x7F, v16;
	v12 =	vand.u32 $0x7F, v17;
	v14 =	vadd.s32 v1, v14;
	v17 =	vld [tilespmem:s5+$0xFFFFFF70];
	[tilespmem:s0+$0xFFFFFF70] =	vst v18  }
0x1be: {  	v20 =	vshll.u32 v6, $0x10;
	v18 =	vand.u32 $0x7F, v19;
	v19 =	vshll.u32 v19, $0x3;
	[tilespmem:s1+$0xFFFFFF70] =	vst v4  }
0x1bf: {  	v6 =	vand.u32 $0xFFFF0000, v6;
	v4 =	vld.idx.msk [tilespmem:v11+s3+$0x0], $0xffff;
	v11 =	vor.u32 v12, v13;
	v12 =	vand.u32 $0xFFFFFC00, v19;
	[tilespmem:s12+$0xE0] =	vst v20  }
0x1c0: {  	v14 =	vor.u32 v16, v14;
	v13 =	vshll.u32 v15, $0x3;
	v12 =	vadd.s32 v1, v12;
	[tilespmem:s13+$0xE0] =	vst v6  }
0x1c1: {  	v11 =	vor.u32 v0, v11;
	v6 =	vand.u32 $0xFFFFFC00, v13;
	v12 =	vor.u32 v18, v12;
	v13 =	vld [tilespmem:s6+$0xF0];
	[tilespmem:s0+$0xFFFFFFF0] =	vst v9  }
0x1c2: {  	v9 =	vshll.u32 v3, $0x10;
	v16 =	vld.idx.msk [tilespmem:v7+s3+$0x0], $0xffff;
	v7 =	vand.u32 $0x7F, v15;
	v6 =	vadd.s32 v1, v6  }
0x1c3: {  	v14 =	vor.u32 v0, v14;
	v3 =	vand.u32 $0xFFFF0000, v3;
	[tilespmem:s25+$0xFFFFFF20] =	vst v9;
	v6 =	vor.u32 v7, v6  }
0x1c4: {  	v7 =	vor.u32 v0, v12;
	[tilespmem:s26+$0xFFFFFF20] =	vst v3;
	v6 =	vor.u32 v0, v6;
	v3 =	vand.u32 $0xFFFF0000, v8  }
0x1c5: {  	v15 =	vshll.u32 v10, $0x10;
	v8 =	vshll.u32 v4, $0x10;
	v4 =	vand.u32 $0xFFFF0000, v4;
	v12 =	vld [tilespmem:s19+$0xFFFFFF30];
	[tilespmem:s4+$0xFFFFFFE0] =	vst v3  }
0x1c6: {  	v18 =	vand.u32 $0xFFFF0000, v10;
	v9 =	vshll.u32 v17, $0x3;
	[tilespmem:s25+$0xFFFFFFA0] =	vst v8;
	v8 =	vld.idx.msk [tilespmem:v11+s3+$0x0], $0xffff;
	v3 =	vshll.u32 v13, $0x3  }
.Ltmp2:
0x1c7: {  	v17 =	vand.u32 $0x7F, v17;
	v10 =	vand.u32 $0xFFFFFC00, v9;
	[tilespmem:s26+$0xFFFFFFA0] =	vst v4;
	v4 =	vand.u32 $0xFFFFFC00, v3;
	v3 =	vld [tilespmem:s5+$0xFFFFFFF0];
	(pc) =	sbr.rel @p1 .LBB2_3-.Ltmp2, $4  }
0x1c8: {  	v13 =	vand.u32 $0x7F, v13;
	v11 =	vshll.u32 v16, $0x10;
	v9 =	vld [tilespmem:s19+$0xFFFFFFB0];
	v4 =	vadd.s32 v1, v4;
	[tilespmem:s14+$0x60] =	vst v15  }
0x1c9: {  	v15 =	vand.u32 $0xFFFF0000, v16;
	v16 =	vadd.s32 v1, v10;
	[tilespmem:s25+$0x20] =	vst v11;
	v11 =	vld.idx.msk [tilespmem:v6+s3+$0x0], $0xffff;
	v4 =	vor.u32 v13, v4  }
0x1ca: {  	v13 =	vand.u32 $0x7F, v12;
	v10 =	vshll.u32 v12, $0x3;
	[tilespmem:s26+$0x20] =	vst v15;
	v6 =	vld.idx.msk [tilespmem:v14+s3+$0x0], $0xffff;
	v12 =	vor.u32 v0, v4  }
0x1cb: {  	v5 =	vand.u32 $0xFFFF0000, v5;
	s19 =	sadd.s32 $0x200, s19;
	v4 =	vor.u32 v17, v16;
	v14 =	vand.u32 $0xFFFFFC00, v10;
	v10 =	vld [tilespmem:s24+$0x30];
	[tilespmem:s4+$0x60] =	vst v18  }
0x1cc: {  	_ =	sdelay $0x1  }
0x1cd: {  	v15 =	vshll.u32 v11, $0x10  }
0x1ce: {  	v11 =	vand.u32 $0xFFFF0000, v11;
	[tilespmem:s25+$0xB0] =	vst v15  }
0x1cf: {  	[tilespmem:s26+$0xB0] =	vst v11  }
0x1d0: {  	v11 =	vadd.s32 v1, v14;
	v14 =	vld [tilespmem:s24+$0xC0]  }
0x1d1: {  	v11 =	vor.u32 v13, v11  }
0x1d2: {  	v11 =	vor.u32 v0, v11;
	_ =	sdelay $0x2  }
0x1d3: {  	v12 =	vld.idx.msk [tilespmem:v12+s3+$0x0], $0xffff;
	v13 =	vshll.u32 v14, $0x3  }
0x1d4: {  	v13 =	vand.u32 $0xFFFFFC00, v13  }
0x1d5: {  	[tilespmem:s1+$0xFFFFFFF0] =	vst v5;
	v5 =	vshll.u32 v9, $0x3;
	v14 =	vand.u32 $0x7F, v14;
	v11 =	vld.idx.msk [tilespmem:v11+s3+$0x0], $0xffff;
	v13 =	vadd.s32 v1, v13  }
0x1d6: {  	v9 =	vand.u32 $0x7F, v9;
	v15 =	vshll.u32 v8, $0x10;
	v13 =	vor.u32 v14, v13  }
0x1d7: {  	v5 =	vand.u32 $0xFFFFFC00, v5;
	v8 =	vand.u32 $0xFFFF0000, v8;
	[tilespmem:s12+$0xFFFFFF50] =	vst v15;
	v13 =	vor.u32 v0, v13  }
0x1d8: {  	v5 =	vadd.s32 v1, v5;
	[tilespmem:s13+$0xFFFFFF50] =	vst v8;
	v8 =	vshll.u32 v10, $0x3;
	v14 =	vshll.u32 v12, $0x10  }
0x1d9: {  	v7 =	vld.idx.msk [tilespmem:v7+s3+$0x0], $0xffff;
	v5 =	vor.u32 v9, v5;
	v8 =	vand.u32 $0xFFFFFC00, v8;
	v12 =	vand.u32 $0xFFFF0000, v12;
	[tilespmem:s12+$0xF0] =	vst v14  }
0x1da: {  	v10 =	vand.u32 $0x7F, v10;
	v8 =	vadd.s32 v1, v8;
	[tilespmem:s13+$0xF0] =	vst v12;
	v9 =	vshll.u32 v11, $0x10  }
0x1db: {  	v8 =	vor.u32 v10, v8;
	v12 =	vor.u32 v0, v5;
	v5 =	vand.u32 $0xFFFF0000, v11;
	[tilespmem:s25+$0xFFFFFF30] =	vst v9  }
0x1dc: {  	v8 =	vor.u32 v0, v8;
	v9 =	vshll.u32 v6, $0x10;
	[tilespmem:s26+$0xFFFFFF30] =	vst v5;
	v10 =	vld.idx.msk [tilespmem:v13+s3+$0x0], $0xffff  }
0x1dd: {  	v5 =	vand.u32 $0xFFFF0000, v6;
	[tilespmem:s12+$0xFFFFFFD0] =	vst v9  }
0x1de: {  	v6 =	vld [tilespmem:s6+$0xFFFFFF60];
	v9 =	vshll.u32 v7, $0x10;
	[tilespmem:s13+$0xFFFFFFD0] =	vst v5  }
0x1df: {  	v7 =	vand.u32 $0xFFFF0000, v7;
	v5 =	vld [tilespmem:s5+$0x70];
	[tilespmem:s12+$0x50] =	vst v9  }
0x1e0: {  	v9 =	vld.idx.msk [tilespmem:v12+s3+$0x0], $0xffff;
	[tilespmem:s13+$0x50] =	vst v7  }
0x1e1: {  	v7 =	vld.idx.msk [tilespmem:v8+s3+$0x0], $0xffff;
	v8 =	vshll.u32 v10, $0x10  }
0x1e2: {  	[tilespmem:s29+$0xC0] =	vst v8;
	v8 =	vand.u32 $0xFFFF0000, v10  }
0x1e3: {  	[tilespmem:s28+$0xC0] =	vst v8  }
0x1e4: {  	v8 =	vld [tilespmem:s24+$0xD0];
	_ =	sdelay $0x1  }
0x1e5: {  	v10 =	vld [tilespmem:s24+$0xFFFFFF40];
	v11 =	vshll.u32 v9, $0x10  }
0x1e6: {  	v9 =	vand.u32 $0xFFFF0000, v9;
	[tilespmem:s29+$0xFFFFFFB0] =	vst v11  }
0x1e7: {  	v11 =	vshll.u32 v7, $0x10;
	[tilespmem:s28+$0xFFFFFFB0] =	vst v9  }
0x1e8: {  	v7 =	vand.u32 $0xFFFF0000, v7;
	[tilespmem:s29+$0x30] =	vst v11;
	v11 =	vld [tilespmem:s24+$0xFFFFFFC0];
	v9 =	vshll.u32 v8, $0x3  }
0x1e9: {  	[tilespmem:s28+$0x30] =	vst v7;
	v9 =	vand.u32 $0xFFFFFC00, v9  }
0x1ea: {  	v12 =	vld [tilespmem:s24+$0x40];
	v7 =	vshll.u32 v10, $0x3;
	v8 =	vand.u32 $0x7F, v8;
	v9 =	vadd.s32 v1, v9  }
0x1eb: {  	v7 =	vand.u32 $0xFFFFFC00, v7;
	v8 =	vor.u32 v8, v9  }
0x1ec: {  	v7 =	vadd.s32 v1, v7;
	v9 =	vand.u32 $0x7F, v10;
	v8 =	vor.u32 v0, v8  }
0x1ed: {  	v7 =	vor.u32 v9, v7;
	v9 =	vshll.u32 v11, $0x3  }
0x1ee: {  	v9 =	vand.u32 $0xFFFFFC00, v9;
	v7 =	vor.u32 v0, v7  }
0x1ef: {  	v10 =	vshll.u32 v12, $0x3;
	v11 =	vand.u32 $0x7F, v11;
	v9 =	vadd.s32 v1, v9  }
0x1f0: {  	v10 =	vand.u32 $0xFFFFFC00, v10;
	v9 =	vor.u32 v11, v9  }
0x1f1: {  	v10 =	vadd.s32 v1, v10;
	v11 =	vand.u32 $0x7F, v12;
	v9 =	vor.u32 v0, v9;
	v8 =	vld.idx.msk [tilespmem:v8+s3+$0x0], $0xffff  }
0x1f2: {  	v10 =	vor.u32 v11, v10  }
0x1f3: {  	v10 =	vor.u32 v0, v10;
	v7 =	vld.idx.msk [tilespmem:v7+s3+$0x0], $0xffff;
	_ =	sdelay $0x2  }
0x1f4: {  	v9 =	vld.idx.msk [tilespmem:v9+s3+$0x0], $0xffff;
	v11 =	vshll.u32 v8, $0x10  }
0x1f5: {  	v8 =	vand.u32 $0xFFFF0000, v8;
	[tilespmem:s29+$0xD0] =	vst v11  }
0x1f6: {  	[tilespmem:s28+$0xD0] =	vst v8;
	v8 =	vld.idx.msk [tilespmem:v10+s3+$0x0], $0xffff;
	v10 =	vshll.u32 v7, $0x10  }
0x1f7: {  	v7 =	vand.u32 $0xFFFF0000, v7;
	[tilespmem:s29+$0xFFFFFF40] =	vst v10  }
0x1f8: {  	v10 =	vld [tilespmem:s24+$0xE0];
	[tilespmem:s28+$0xFFFFFF40] =	vst v7  }
0x1f9: {  	v7 =	vshll.u32 v9, $0x10;
	v11 =	vld [tilespmem:s24+$0xFFFFFF50]  }
0x1fa: {  	[tilespmem:s29+$0xFFFFFFC0] =	vst v7;
	v7 =	vand.u32 $0xFFFF0000, v9  }
0x1fb: {  	[tilespmem:s28+$0xFFFFFFC0] =	vst v7;
	v9 =	vshll.u32 v8, $0x10  }
0x1fc: {  	v7 =	vld [tilespmem:s24+$0xFFFFFFD0];
	v8 =	vand.u32 $0xFFFF0000, v8;
	[tilespmem:s29+$0x40] =	vst v9  }
0x1fd: {  	v9 =	vshll.u32 v10, $0x3;
	[tilespmem:s28+$0x40] =	vst v8  }
0x1fe: {  	v8 =	vand.u32 $0xFFFFFC00, v9;
	v9 =	vld [tilespmem:s24+$0x50];
	v12 =	vshll.u32 v11, $0x3  }
0x1ff: {  	v10 =	vand.u32 $0x7F, v10;
	v8 =	vadd.s32 v1, v8;
	v12 =	vand.u32 $0xFFFFFC00, v12  }
0x200: {  	v11 =	vand.u32 $0x7F, v11;
	v8 =	vor.u32 v10, v8;
	v10 =	vadd.s32 v1, v12  }
0x201: {  	v8 =	vor.u32 v0, v8;
	v12 =	vshll.u32 v7, $0x3;
	v10 =	vor.u32 v11, v10  }
0x202: {  	v11 =	vand.u32 $0xFFFFFC00, v12;
	v10 =	vor.u32 v0, v10  }
0x203: {  	v7 =	vand.u32 $0x7F, v7;
	v11 =	vadd.s32 v1, v11;
	v12 =	vshll.u32 v9, $0x3  }
0x204: {  	v7 =	vor.u32 v7, v11;
	v12 =	vand.u32 $0xFFFFFC00, v12  }
0x205: {  	v9 =	vand.u32 $0x7F, v9;
	v7 =	vor.u32 v0, v7;
	v11 =	vadd.s32 v1, v12  }
0x206: {  	v8 =	vld.idx.msk [tilespmem:v8+s3+$0x0], $0xffff;
	v9 =	vor.u32 v9, v11  }
0x207: {  	v11 =	vshll.u32 v6, $0x3;
	v9 =	vor.u32 v0, v9;
	v10 =	vld.idx.msk [tilespmem:v10+s3+$0x0], $0xffff  }
0x208: {  	v11 =	vand.u32 $0xFFFFFC00, v11  }
0x209: {  	v12 =	vld [tilespmem:s6+$0xFFFFFFE0];
	v6 =	vand.u32 $0x7F, v6;
	v11 =	vadd.s32 v1, v11  }
0x20a: {  	v7 =	vld.idx.msk [tilespmem:v7+s3+$0x0], $0xffff;
	v6 =	vor.u32 v6, v11  }
0x20b: {  	v11 =	vld [tilespmem:s6+$0x60];
	v13 =	vshll.u32 v8, $0x10;
	v6 =	vor.u32 v0, v6  }
0x20c: {  	v4 =	vor.u32 v0, v4;
	[tilespmem:s29+$0xE0] =	vst v13;
	v13 =	vshll.u32 v10, $0x10;
	v9 =	vld.idx.msk [tilespmem:v9+s3+$0x0], $0xffff  }
0x20d: {  	v14 =	vshll.u32 v3, $0x3;
	v3 =	vand.u32 $0x7F, v3;
	v10 =	vand.u32 $0xFFFF0000, v10;
	[tilespmem:s29+$0xFFFFFF50] =	vst v13  }
0x20e: {  	v14 =	vand.u32 $0xFFFFFC00, v14;
	v8 =	vand.u32 $0xFFFF0000, v8;
	[tilespmem:s28+$0xFFFFFF50] =	vst v10;
	v10 =	vshll.u32 v12, $0x3  }
0x20f: {  	[tilespmem:s28+$0xE0] =	vst v8;
	v13 =	vadd.s32 v1, v14;
	v14 =	vshll.u32 v7, $0x10;
	v8 =	vld [tilespmem:s24+$0xFFFFFF60];
	v10 =	vand.u32 $0xFFFFFC00, v10  }
0x210: {  	v7 =	vand.u32 $0xFFFF0000, v7;
	v12 =	vand.u32 $0x7F, v12;
	[tilespmem:s29+$0xFFFFFFD0] =	vst v14;
	v6 =	vld.idx.msk [tilespmem:v6+s3+$0x0], $0xffff;
	v10 =	vadd.s32 v1, v10  }
0x211: {  	v14 =	vshll.u32 v11, $0x3;
	[tilespmem:s28+$0xFFFFFFD0] =	vst v7;
	v15 =	vshll.u32 v9, $0x10;
	v10 =	vor.u32 v12, v10;
	v12 =	vld [tilespmem:s24+$0xF0]  }
0x212: {  	v3 =	vor.u32 v3, v13;
	v7 =	vand.u32 $0xFFFFFC00, v14;
	v9 =	vand.u32 $0xFFFF0000, v9;
	v14 =	vld [tilespmem:s24+$0xFFFFFFE0];
	[tilespmem:s29+$0x50] =	vst v15  }
0x213: {  	v7 =	vadd.s32 v1, v7;
	v10 =	vor.u32 v0, v10;
	[tilespmem:s28+$0x50] =	vst v9;
	v9 =	vand.u32 $0x7F, v11  }
0x214: {  	v3 =	vor.u32 v0, v3;
	v11 =	vshll.u32 v8, $0x3;
	v13 =	vld [tilespmem:s24+$0x60];
	v7 =	vor.u32 v9, v7  }
0x215: {  	v8 =	vand.u32 $0x7F, v8;
	v9 =	vand.u32 $0xFFFFFC00, v11;
	v11 =	vshll.u32 v6, $0x10  }
0x216: {  	v7 =	vor.u32 v0, v7;
	v9 =	vadd.s32 v1, v9;
	v15 =	vshll.u32 v12, $0x3  }
0x217: {  	v12 =	vand.u32 $0x7F, v12;
	v8 =	vor.u32 v8, v9;
	v9 =	vshll.u32 v14, $0x3  }
0x218: {  	v10 =	vld.idx.msk [tilespmem:v10+s3+$0x0], $0xffff;
	v14 =	vand.u32 $0x7F, v14;
	v8 =	vor.u32 v0, v8;
	v9 =	vand.u32 $0xFFFFFC00, v9  }
0x219: {  	v15 =	vand.u32 $0xFFFFFC00, v15;
	v16 =	vshll.u32 v13, $0x3;
	v9 =	vadd.s32 v1, v9  }
0x21a: {  	v15 =	vadd.s32 v1, v15;
	v16 =	vand.u32 $0xFFFFFC00, v16;
	v9 =	vor.u32 v14, v9  }
0x21b: {  	v13 =	vand.u32 $0x7F, v13;
	v7 =	vld.idx.msk [tilespmem:v7+s3+$0x0], $0xffff;
	v14 =	vadd.s32 v1, v16;
	v9 =	vor.u32 v0, v9  }
0x21c: {  	v4 =	vld.idx.msk [tilespmem:v4+s3+$0x0], $0xffff;
	v6 =	vand.u32 $0xFFFF0000, v6;
	[tilespmem:s12+$0xFFFFFF60] =	vst v11;
	v11 =	vor.u32 v12, v15;
	v13 =	vor.u32 v13, v14  }
0x21d: {  	[tilespmem:s13+$0xFFFFFF60] =	vst v6;
	v14 =	vshll.u32 v10, $0x10;
	v12 =	vor.u32 v0, v13;
	v13 =	vshll.u32 v5, $0x3;
	v8 =	vld.idx.msk [tilespmem:v8+s3+$0x0], $0xffff  }
0x21e: {  	v6 =	vor.u32 v0, v11;
	v10 =	vand.u32 $0xFFFF0000, v10;
	[tilespmem:s12+$0xFFFFFFE0] =	vst v14;
	v11 =	vand.u32 $0xFFFFFC00, v13;
	v13 =	vld [tilespmem:s6+$0xFFFFFF70]  }
0x21f: {  	v3 =	vld.idx.msk [tilespmem:v3+s3+$0x0], $0xffff;
	v14 =	vshll.u32 v2, $0x10;
	[tilespmem:s13+$0xFFFFFFE0] =	vst v10  }
0x220: {  	v5 =	vand.u32 $0x7F, v5;
	[tilespmem:s0+$0x70] =	vst v14;
	v11 =	vadd.s32 v1, v11;
	v10 =	vshll.u32 v7, $0x10;
	v9 =	vld.idx.msk [tilespmem:v9+s3+$0x0], $0xffff  }
0x221: {  	v2 =	vand.u32 $0xFFFF0000, v2;
	v7 =	vand.u32 $0xFFFF0000, v7;
	v5 =	vor.u32 v5, v11;
	v11 =	vld [tilespmem:s6+$0xFFFFFFF0];
	[tilespmem:s12+$0x60] =	vst v10  }
0x222: {  	v5 =	vor.u32 v0, v5;
	[tilespmem:s13+$0x60] =	vst v7;
	v10 =	vld.idx.msk [tilespmem:v12+s3+$0x0], $0xffff;
	v12 =	vshll.u32 v4, $0x10;
	v7 =	vshll.u32 v8, $0x10  }
0x223: {  	v4 =	vand.u32 $0xFFFF0000, v4;
	v38 =	vld [tilespmem:s6+$0x70];
	v8 =	vand.u32 $0xFFFF0000, v8;
	v15 =	vshll.u32 v13, $0x3;
	[tilespmem:s29+$0xFFFFFF60] =	vst v7  }
0x224: {  	v6 =	vld.idx.msk [tilespmem:v6+s3+$0x0], $0xffff;
	v7 =	vshll.u32 v3, $0x10;
	v3 =	vand.u32 $0xFFFF0000, v3;
	v15 =	vand.u32 $0xFFFFFC00, v15;
	[tilespmem:s28+$0xFFFFFF60] =	vst v8  }
0x225: {  	[tilespmem:s1+$0x70] =	vst v2;
	v8 =	vand.u32 $0x7F, v13;
	v17 =	vshll.u32 v9, $0x10;
	v13 =	vadd.s32 v1, v15;
	v15 =	vld [tilespmem:s24+$0xFFFFFF70]  }
0x226: {  	v9 =	vand.u32 $0xFFFF0000, v9;
	[tilespmem:s29+$0xFFFFFFE0] =	vst v17;
	v8 =	vor.u32 v8, v13;
	v13 =	vshll.u32 v11, $0x3  }
0x227: {  	v11 =	vand.u32 $0x7F, v11;
	[tilespmem:s28+$0xFFFFFFE0] =	vst v9;
	v9 =	vshll.u32 v10, $0x10;
	v13 =	vand.u32 $0xFFFFFC00, v13  }
0x228: {  	v10 =	vand.u32 $0xFFFF0000, v10;
	v39 =	vshll.u32 v38, $0x3;
	[tilespmem:s29+$0x60] =	vst v9;
	v13 =	vadd.s32 v1, v13;
	v18 =	vld [tilespmem:s24+$0xFFFFFFF0]  }
0x229: {  	v2 =	vld.idx.msk [tilespmem:v5+s3+$0x0], $0xffff;
	v8 =	vor.u32 v0, v8;
	v9 =	vshll.u32 v6, $0x10;
	[tilespmem:s28+$0x60] =	vst v10;
	v11 =	vor.u32 v11, v13  }
0x22a: {  	v10 =	vand.u32 $0xFFFFFC00, v39;
	v40 =	vld [tilespmem:s24+$0x70];
	v5 =	vor.u32 v0, v11;
	v11 =	vshll.u32 v15, $0x3  }
0x22b: {  	[tilespmem:s14+$0xFFFFFF70] =	vst v12;
	v13 =	vand.u32 $0x7F, v38;
	v10 =	vadd.s32 v1, v10;
	v11 =	vand.u32 $0xFFFFFC00, v11  }
0x22c: {  	[tilespmem:s4+$0xFFFFFF70] =	vst v4;
	v4 =	vand.u32 $0x7F, v15;
	v10 =	vor.u32 v13, v10;
	v11 =	vadd.s32 v1, v11  }
0x22d: {  	v10 =	vor.u32 v0, v10;
	v12 =	vshll.u32 v18, $0x3;
	v4 =	vor.u32 v4, v11  }
0x22e: {  	[tilespmem:s14+$0xFFFFFFF0] =	vst v7;
	v6 =	vand.u32 $0xFFFF0000, v6;
	v7 =	vld.idx.msk [tilespmem:v8+s3+$0x0], $0xffff;
	v8 =	vand.u32 $0xFFFFFC00, v12;
	v4 =	vor.u32 v0, v4  }
0x22f: {  	[tilespmem:s4+$0xFFFFFFF0] =	vst v3;
	v11 =	vshll.u32 v40, $0x3;
	v3 =	vadd.s32 v1, v8;
	v8 =	vand.u32 $0x7F, v18  }
0x230: {  	[tilespmem:s29+$0xF0] =	vst v9;
	v9 =	vshll.u32 v2, $0x10;
	v5 =	vld.idx.msk [tilespmem:v5+s3+$0x0], $0xffff;
	v11 =	vand.u32 $0xFFFFFC00, v11;
	v3 =	vor.u32 v8, v3  }
0x231: {  	[tilespmem:s28+$0xF0] =	vst v6;
	v6 =	vand.u32 $0x7F, v40;
	v1 =	vadd.s32 v1, v11;
	v3 =	vor.u32 v0, v3  }
0x232: {  	v2 =	vand.u32 $0xFFFF0000, v2;
	[tilespmem:s14+$0x70] =	vst v9;
	v8 =	vld.idx.msk [tilespmem:v10+s3+$0x0], $0xffff;
	v1 =	vor.u32 v6, v1  }
0x233: {  	[tilespmem:s4+$0x70] =	vst v2;
	v2 =	vshll.u32 v7, $0x10;
	v0 =	vor.u32 v0, v1  }
0x234: {  	[tilespmem:s12+$0xFFFFFF70] =	vst v2;
	v1 =	vand.u32 $0xFFFF0000, v7;
	v2 =	vld.idx.msk [tilespmem:v4+s3+$0x0], $0xffff  }
0x235: {  	v4 =	vshll.u32 v5, $0x10;
	[tilespmem:s13+$0xFFFFFF70] =	vst v1  }
0x236: {  	v1 =	vand.u32 $0xFFFF0000, v5;
	[tilespmem:s12+$0xFFFFFFF0] =	vst v4;
	v3 =	vld.idx.msk [tilespmem:v3+s3+$0x0], $0xffff  }
0x237: {  	[tilespmem:s13+$0xFFFFFFF0] =	vst v1;
	v1 =	vshll.u32 v8, $0x10  }
0x238: {  	[tilespmem:s12+$0x70] =	vst v1;
	v1 =	vand.u32 $0xFFFF0000, v8;
	v0 =	vld.idx.msk [tilespmem:v0+s3+$0x0], $0xffff  }
0x239: {  	[tilespmem:s13+$0x70] =	vst v1;
	v1 =	vshll.u32 v2, $0x10  }
0x23a: {  	v2 =	vand.u32 $0xFFFF0000, v2;
	[tilespmem:s29+$0xFFFFFF70] =	vst v1  }
0x23b: {  	s19 =	sshll.u32 s30, $0x13;
	[tilespmem:s28+$0xFFFFFF70] =	vst v2;
	v1 =	vshll.u32 v3, $0x10  }
0x23c: {  	s0 =	sor.u32 s8, s19;
	[tilespmem:s29+$0xFFFFFFF0] =	vst v1;
	v1 =	vand.u32 $0xFFFF0000, v3  }
0x23d: {  	s24 =	sor.u32 s7, s0;
	[tilespmem:s28+$0xFFFFFFF0] =	vst v1;
	v1 =	vshll.u32 v0, $0x10  }
0x23e: {  	s0 =	sor.u32 s9, s0;
	s1 =	sshrl.u32 s24, $0x3;
	v0 =	vand.u32 $0xFFFF0000, v0;
	[tilespmem:s29+$0x70] =	vst v1  }
0x23f: {  	s25 =	simm.s32 $0xE800;
	s0 =	sshrl.u32 s0, $0x3;
	s1 =	sadd.s32 s2, s1;
	[tilespmem:s28+$0x70] =	vst v0  }
0x240: {  	[hbm4b:s1+s17] =	stream.strided.scatter [tilespmem:s25], [sflag:$0x3], $0x1000, s18, s17, $0x38;
	[tilespmem:$0x12800] =	vst v63  }
0x241: {  	p1 =	seq.s32 s30, $0x63;
	s0 =	sadd.s32 s2, s0  }
0x242: {  	[hbm4b:s0+s17] =	stream.strided.scatter [tilespmem:s20], [sflag:$0x4], $0x1000, s18, s17, $0x38;
	[tilespmem:$0x12800] =	vst v63  }
0x243: {  	s0 =	sshll.u32 @!p1 s30, $0xA  }
0x244: {  	s4 =	simm.s32 @!p1 $0xC800;
	s1 =	simm.s32 @!p1 $0x0;
	s0 =	sadd.s32 @!p1 s0, s10  }
0x245: {  	[tilespmem:s4], [sflag:$0x1] =	stream.linear.gather @!p1 [hbm4b:s0+s1], $0x1000, $0x38;
	[tilespmem:$0x12800] =	vst v63  }
0x246: {  	_ =	swait.ge [sflag:s21], $0x1000  }
0x247: {  	[sflag:s21] =	ssyncset.done $0x0  }
0x248: {  	s0 =	simm.s32 @!p0 $0x5;
	[sflag:s21] =	ssyncadd.s32 $0xFFFFF000  }
0x249: {  	_ =	swait.ge @!p0 [sflag:s0], $0x1000  }
0x24a: {  	[sflag:s0] =	ssyncset.done @!p0 $0x0  }
0x24b: {  	[sflag:s0] =	ssyncadd.s32 @!p0 $0xFFFFF000;
	s0 =	simm.s32 @!p0 $0x6  }
0x24c: {  	_ =	swait.ge @!p0 [sflag:s0], $0x1000  }
0x24d: {  	[sflag:s0] =	ssyncset.done @!p0 $0x0  }
0x24e: {  	s26 =	simm.s32 $0xD900;
	[sflag:s0] =	ssyncadd.s32 @!p0 $0xFFFFF000  }
0x24f: {  	v0 =	vld [tilespmem:s26+$0x80];
	_ =	sdelay $0x2  }
0x250: {  	s31 =	sor.u32 $0x1, s31  }
0x251: {  	v2 =	vmov s31  }
0x252: {  	v1 =	vshll.u32 v2, $0x8;
	v3 =	vshll.u32 v0, $0x3  }
0x253: {  	v1 =	vand.u32 $0xF800, v1;
	v3 =	vand.u32 $0xFFFFFC00, v3  }
0x254: {  	v2 =	vshll.u32 v2, $0x7;
	v4 =	vand.u32 $0x7F, v0;
	v3 =	vadd.s32 v1, v3  }
0x255: {  	v0 =	vand.u32 $0x380, v2;
	v2 =	vor.u32 v4, v3  }
0x256: {  	v2 =	vor.u32 v0, v2;
	_ =	sdelay $0x4  }
0x257: {  	v2 =	vld.idx.msk [tilespmem:v2+s3+$0x0], $0xffff  }
0x258: {  	v3 =	vld [tilespmem:s26+$0xFFFFFF00];
	_ =	sdelay $0x1  }
0x259: {  	v4 =	vld [tilespmem:s26+$0xFFFFFF80];
	_ =	sdelay $0x1  }
0x25a: {  	s0 =	simm.s32 $0x10900;
	v5 =	vld [tilespmem:s26+$0x0];
	v6 =	vshll.u32 v2, $0x10  }
0x25b: {  	s1 =	simm.s32 $0x11900;
	v7 =	vshll.u32 v3, $0x3;
	v2 =	vand.u32 $0xFFFF0000, v2;
	[tilespmem:s0+$0x80] =	vst v6  }
0x25c: {  	v6 =	vand.u32 $0xFFFFFC00, v7;
	[tilespmem:s1+$0x80] =	vst v2  }
0x25d: {  	v3 =	vand.u32 $0x7F, v3;
	v2 =	vshll.u32 v4, $0x3;
	v6 =	vadd.s32 v1, v6;
	v7 =	vld [tilespmem:s26+$0x90]  }
0x25e: {  	v4 =	vand.u32 $0x7F, v4;
	v2 =	vand.u32 $0xFFFFFC00, v2;
	v3 =	vor.u32 v3, v6  }
0x25f: {  	v6 =	vshll.u32 v5, $0x3;
	v2 =	vadd.s32 v1, v2;
	v3 =	vor.u32 v0, v3  }
0x260: {  	v6 =	vand.u32 $0xFFFFFC00, v6;
	v2 =	vor.u32 v4, v2  }
0x261: {  	v5 =	vand.u32 $0x7F, v5;
	v4 =	vadd.s32 v1, v6;
	v2 =	vor.u32 v0, v2  }
0x262: {  	v4 =	vor.u32 v5, v4;
	v5 =	vshll.u32 v7, $0x3  }
0x263: {  	v4 =	vor.u32 v0, v4;
	v5 =	vand.u32 $0xFFFFFC00, v5  }
0x264: {  	v6 =	vand.u32 $0x7F, v7;
	v3 =	vld.idx.msk [tilespmem:v3+s3+$0x0], $0xffff;
	v5 =	vadd.s32 v1, v5  }
0x265: {  	v5 =	vor.u32 v6, v5  }
0x266: {  	v2 =	vld.idx.msk [tilespmem:v2+s3+$0x0], $0xffff;
	v5 =	vor.u32 v0, v5;
	_ =	sdelay $0x1  }
0x267: {  	v4 =	vld.idx.msk [tilespmem:v4+s3+$0x0], $0xffff  }
0x268: {  	v6 =	vshll.u32 v3, $0x10  }
0x269: {  	v3 =	vand.u32 $0xFFFF0000, v3;
	[tilespmem:s0+$0xFFFFFF00] =	vst v6  }
0x26a: {  	v6 =	vshll.u32 v2, $0x10;
	[tilespmem:s1+$0xFFFFFF00] =	vst v3;
	v3 =	vld.idx.msk [tilespmem:v5+s3+$0x0], $0xffff  }
0x26b: {  	v2 =	vand.u32 $0xFFFF0000, v2;
	v5 =	vld [tilespmem:s26+$0xFFFFFF10];
	[tilespmem:s0+$0xFFFFFF80] =	vst v6  }
0x26c: {  	v6 =	vshll.u32 v4, $0x10;
	[tilespmem:s1+$0xFFFFFF80] =	vst v2  }
0x26d: {  	v2 =	vand.u32 $0xFFFF0000, v4;
	[tilespmem:s0+$0x0] =	vst v6;
	v4 =	vld [tilespmem:s26+$0xFFFFFF90]  }
0x26e: {  	[tilespmem:s1+$0x0] =	vst v2  }
0x26f: {  	v2 =	vld [tilespmem:s26+$0x10];
	v6 =	vshll.u32 v3, $0x10  }
0x270: {  	v7 =	vshll.u32 v5, $0x3;
	v3 =	vand.u32 $0xFFFF0000, v3;
	[tilespmem:s0+$0x90] =	vst v6  }
0x271: {  	v6 =	vand.u32 $0xFFFFFC00, v7;
	[tilespmem:s1+$0x90] =	vst v3  }
0x272: {  	v3 =	vand.u32 $0x7F, v5;
	v5 =	vadd.s32 v1, v6;
	v6 =	vshll.u32 v4, $0x3;
	v7 =	vld [tilespmem:s26+$0xA0]  }
0x273: {  	v4 =	vand.u32 $0x7F, v4;
	v3 =	vor.u32 v3, v5;
	v5 =	vand.u32 $0xFFFFFC00, v6  }
0x274: {  	v6 =	vshll.u32 v2, $0x3;
	v5 =	vadd.s32 v1, v5;
	v3 =	vor.u32 v0, v3  }
0x275: {  	v4 =	vor.u32 v4, v5;
	v5 =	vand.u32 $0xFFFFFC00, v6  }
0x276: {  	v2 =	vand.u32 $0x7F, v2;
	v4 =	vor.u32 v0, v4;
	v5 =	vadd.s32 v1, v5  }
0x277: {  	v2 =	vor.u32 v2, v5;
	v5 =	vshll.u32 v7, $0x3  }
0x278: {  	v2 =	vor.u32 v0, v2;
	v5 =	vand.u32 $0xFFFFFC00, v5  }
0x279: {  	v6 =	vand.u32 $0x7F, v7;
	v3 =	vld.idx.msk [tilespmem:v3+s3+$0x0], $0xffff;
	v5 =	vadd.s32 v1, v5  }
0x27a: {  	v5 =	vor.u32 v6, v5  }
0x27b: {  	v4 =	vld.idx.msk [tilespmem:v4+s3+$0x0], $0xffff;
	v5 =	vor.u32 v0, v5;
	_ =	sdelay $0x1  }
0x27c: {  	v2 =	vld.idx.msk [tilespmem:v2+s3+$0x0], $0xffff  }
0x27d: {  	v6 =	vshll.u32 v3, $0x10  }
0x27e: {  	v3 =	vand.u32 $0xFFFF0000, v3;
	[tilespmem:s0+$0xFFFFFF10] =	vst v6  }
0x27f: {  	v6 =	vshll.u32 v4, $0x10;
	[tilespmem:s1+$0xFFFFFF10] =	vst v3;
	v3 =	vld.idx.msk [tilespmem:v5+s3+$0x0], $0xffff  }
0x280: {  	v4 =	vand.u32 $0xFFFF0000, v4;
	[tilespmem:s0+$0xFFFFFF90] =	vst v6  }
0x281: {  	v6 =	vld [tilespmem:s26+$0xFFFFFF20];
	v5 =	vshll.u32 v2, $0x10;
	[tilespmem:s1+$0xFFFFFF90] =	vst v4  }
0x282: {  	v2 =	vand.u32 $0xFFFF0000, v2;
	[tilespmem:s0+$0x10] =	vst v5  }
0x283: {  	v4 =	vld [tilespmem:s26+$0xFFFFFFA0];
	[tilespmem:s1+$0x10] =	vst v2  }
0x284: {  	v2 =	vld [tilespmem:s26+$0x20];
	v5 =	vshll.u32 v3, $0x10  }
0x285: {  	v3 =	vand.u32 $0xFFFF0000, v3;
	[tilespmem:s0+$0xA0] =	vst v5  }
0x286: {  	v5 =	vshll.u32 v6, $0x3;
	[tilespmem:s1+$0xA0] =	vst v3  }
0x287: {  	v3 =	vand.u32 $0x7F, v6;
	v5 =	vand.u32 $0xFFFFFC00, v5;
	v6 =	vld [tilespmem:s26+$0xB0]  }
0x288: {  	v7 =	vand.u32 $0x7F, v4;
	v4 =	vshll.u32 v4, $0x3;
	v5 =	vadd.s32 v1, v5  }
0x289: {  	v4 =	vand.u32 $0xFFFFFC00, v4;
	v3 =	vor.u32 v3, v5;
	v5 =	vshll.u32 v2, $0x3  }
0x28a: {  	v4 =	vadd.s32 v1, v4;
	v3 =	vor.u32 v0, v3;
	v5 =	vand.u32 $0xFFFFFC00, v5  }
0x28b: {  	v2 =	vand.u32 $0x7F, v2;
	v4 =	vor.u32 v7, v4;
	v5 =	vadd.s32 v1, v5  }
0x28c: {  	v4 =	vor.u32 v0, v4;
	v2 =	vor.u32 v2, v5;
	v5 =	vshll.u32 v6, $0x3  }
0x28d: {  	v5 =	vand.u32 $0xFFFFFC00, v5  }
0x28e: {  	v2 =	vor.u32 v0, v2;
	v6 =	vand.u32 $0x7F, v6;
	v5 =	vadd.s32 v1, v5  }
0x28f: {  	v3 =	vld.idx.msk [tilespmem:v3+s3+$0x0], $0xffff;
	v5 =	vor.u32 v6, v5  }
0x290: {  	v5 =	vor.u32 v0, v5  }
0x291: {  	s5 =	simm.s32 $0xDB00;
	v4 =	vld.idx.msk [tilespmem:v4+s3+$0x0], $0xffff  }
0x292: {  	v6 =	vld [tilespmem:s5+$0x80]  }
0x293: {  	v2 =	vld.idx.msk [tilespmem:v2+s3+$0x0], $0xffff  }
0x294: {  	v7 =	vshll.u32 v3, $0x10  }
0x295: {  	v3 =	vand.u32 $0xFFFF0000, v3;
	[tilespmem:s0+$0xFFFFFF20] =	vst v7;
	v5 =	vld.idx.msk [tilespmem:v5+s3+$0x0], $0xffff  }
0x296: {  	[tilespmem:s1+$0xFFFFFF20] =	vst v3;
	v3 =	vshll.u32 v4, $0x10  }
0x297: {  	v9 =	vld [tilespmem:s5+$0xFFFFFF00];
	v4 =	vand.u32 $0xFFFF0000, v4;
	[tilespmem:s0+$0xFFFFFFA0] =	vst v3  }
0x298: {  	v7 =	vshll.u32 v6, $0x3;
	[tilespmem:s1+$0xFFFFFFA0] =	vst v4;
	v4 =	vshll.u32 v2, $0x10  }
0x299: {  	v2 =	vand.u32 $0xFFFF0000, v2;
	[tilespmem:s0+$0x20] =	vst v4;
	v4 =	vand.u32 $0xFFFFFC00, v7  }
0x29a: {  	v6 =	vand.u32 $0x7F, v6;
	v3 =	vld [tilespmem:s26+$0xFFFFFF30];
	[tilespmem:s1+$0x20] =	vst v2;
	v4 =	vadd.s32 v1, v4;
	v2 =	vshll.u32 v5, $0x10  }
0x29b: {  	v4 =	vor.u32 v6, v4;
	[tilespmem:s0+$0xB0] =	vst v2;
	v2 =	vand.u32 $0xFFFF0000, v5  }
0x29c: {  	v14 =	vshll.u32 v9, $0x3;
	v7 =	vld [tilespmem:s26+$0xFFFFFFB0];
	[tilespmem:s1+$0xB0] =	vst v2;
	v2 =	vor.u32 v0, v4  }
0x29d: {  	v14 =	vand.u32 $0xFFFFFC00, v14;
	v6 =	vld [tilespmem:s26+$0xC0]  }
0x29e: {  	v9 =	vand.u32 $0x7F, v9;
	v14 =	vadd.s32 v1, v14  }
0x29f: {  	v9 =	vor.u32 v9, v14;
	v4 =	vshll.u32 v3, $0x3  }
0x2a0: {  	v9 =	vor.u32 v0, v9;
	v5 =	vld [tilespmem:s5+$0xFFFFFF80];
	v4 =	vand.u32 $0xFFFFFC00, v4  }
0x2a1: {  	v3 =	vand.u32 $0x7F, v3;
	v10 =	vshll.u32 v7, $0x3;
	v4 =	vadd.s32 v1, v4;
	v2 =	vld.idx.msk [tilespmem:v2+s3+$0x0], $0xffff  }
0x2a2: {  	v8 =	vld [tilespmem:s26+$0x30];
	v10 =	vand.u32 $0xFFFFFC00, v10;
	v3 =	vor.u32 v3, v4;
	v13 =	vshll.u32 v6, $0x3  }
0x2a3: {  	v4 =	vand.u32 $0x7F, v7;
	v7 =	vld [tilespmem:s5+$0x0];
	v3 =	vor.u32 v0, v3;
	v13 =	vand.u32 $0xFFFFFC00, v13  }
0x2a4: {  	v10 =	vadd.s32 v1, v10;
	v6 =	vand.u32 $0x7F, v6;
	v13 =	vadd.s32 v1, v13  }
0x2a5: {  	v12 =	vand.u32 $0x7F, v5;
	v5 =	vshll.u32 v5, $0x3;
	v6 =	vor.u32 v6, v13  }
0x2a6: {  	s14 =	simm.s32 $0x10B00;
	v5 =	vand.u32 $0xFFFFFC00, v5;
	v6 =	vor.u32 v0, v6;
	v13 =	vshll.u32 v2, $0x10  }
0x2a7: {  	s4 =	simm.s32 $0x11B00;
	v11 =	vand.u32 $0x7F, v8;
	v5 =	vadd.s32 v1, v5;
	v2 =	vand.u32 $0xFFFF0000, v2;
	[tilespmem:s14+$0x80] =	vst v13  }
0x2a8: {  	v8 =	vshll.u32 v8, $0x3;
	v5 =	vor.u32 v12, v5;
	v15 =	vshll.u32 v7, $0x3;
	v3 =	vld.idx.msk [tilespmem:v3+s3+$0x0], $0xffff;
	[tilespmem:s4+$0x80] =	vst v2  }
0x2a9: {  	v8 =	vand.u32 $0xFFFFFC00, v8;
	v5 =	vor.u32 v0, v5;
	v13 =	vand.u32 $0xFFFFFC00, v15;
	v12 =	vld [tilespmem:s5+$0x90]  }
0x2aa: {  	v4 =	vor.u32 v4, v10;
	v7 =	vand.u32 $0x7F, v7;
	v2 =	vadd.s32 v1, v13  }
0x2ab: {  	v4 =	vor.u32 v0, v4;
	v2 =	vor.u32 v7, v2;
	v7 =	vadd.s32 v1, v8;
	v6 =	vld.idx.msk [tilespmem:v6+s3+$0x0], $0xffff  }
0x2ac: {  	v2 =	vor.u32 v0, v2;
	v7 =	vor.u32 v11, v7  }
0x2ad: {  	v8 =	vld.idx.msk [tilespmem:v9+s3+$0x0], $0xffff;
	v7 =	vor.u32 v0, v7  }
0x2ae: {  	v5 =	vld.idx.msk [tilespmem:v5+s3+$0x0], $0xffff;
	v9 =	vshll.u32 v3, $0x10;
	v10 =	vshll.u32 v12, $0x3  }
0x2af: {  	v3 =	vand.u32 $0xFFFF0000, v3;
	[tilespmem:s0+$0xFFFFFF30] =	vst v9;
	v9 =	vand.u32 $0xFFFFFC00, v10  }
0x2b0: {  	v4 =	vld.idx.msk [tilespmem:v4+s3+$0x0], $0xffff;
	[tilespmem:s1+$0xFFFFFF30] =	vst v3;
	v10 =	vand.u32 $0x7F, v12;
	v3 =	vshll.u32 v6, $0x10;
	v9 =	vadd.s32 v1, v9  }
0x2b1: {  	v2 =	vld.idx.msk [tilespmem:v2+s3+$0x0], $0xffff;
	[tilespmem:s0+$0xC0] =	vst v3;
	v3 =	vand.u32 $0xFFFF0000, v6;
	v6 =	vor.u32 v10, v9  }
0x2b2: {  	v7 =	vld.idx.msk [tilespmem:v7+s3+$0x0], $0xffff;
	v9 =	vshll.u32 v8, $0x10;
	[tilespmem:s1+$0xC0] =	vst v3;
	v3 =	vor.u32 v0, v6  }
0x2b3: {  	v10 =	vshll.u32 v5, $0x10;
	v6 =	vand.u32 $0xFFFF0000, v8;
	[tilespmem:s14+$0xFFFFFF00] =	vst v9;
	v8 =	vld [tilespmem:s26+$0xD0]  }
0x2b4: {  	v9 =	vld [tilespmem:s26+$0xFFFFFF40];
	[tilespmem:s14+$0xFFFFFF80] =	vst v10  }
0x2b5: {  	v5 =	vand.u32 $0xFFFF0000, v5;
	[tilespmem:s4+$0xFFFFFF00] =	vst v6  }
0x2b6: {  	[tilespmem:s4+$0xFFFFFF80] =	vst v5;
	v6 =	vshll.u32 v2, $0x10;
	v10 =	vld [tilespmem:s5+$0xFFFFFF10]  }
0x2b7: {  	v2 =	vand.u32 $0xFFFF0000, v2;
	[tilespmem:s14+$0x0] =	vst v6;
	v3 =	vld.idx.msk [tilespmem:v3+s3+$0x0], $0xffff  }
0x2b8: {  	v5 =	vshll.u32 v4, $0x10;
	v4 =	vand.u32 $0xFFFF0000, v4;
	[tilespmem:s4+$0x0] =	vst v2;
	v2 =	vshll.u32 v8, $0x3  }
0x2b9: {  	v11 =	vld [tilespmem:s5+$0xFFFFFF90];
	[tilespmem:s0+$0xFFFFFFB0] =	vst v5;
	v6 =	vshll.u32 v7, $0x10;
	v12 =	vand.u32 $0x7F, v9;
	v2 =	vand.u32 $0xFFFFFC00, v2  }
0x2ba: {  	[tilespmem:s1+$0xFFFFFFB0] =	vst v4;
	v5 =	vshll.u32 v9, $0x3;
	v9 =	vld [tilespmem:s5+$0x10];
	v4 =	vand.u32 $0x7F, v8;
	v2 =	vadd.s32 v1, v2  }
0x2bb: {  	v7 =	vand.u32 $0xFFFF0000, v7;
	[tilespmem:s0+$0x30] =	vst v6;
	v8 =	vshll.u32 v10, $0x3;
	v2 =	vor.u32 v4, v2  }
0x2bc: {  	[tilespmem:s1+$0x30] =	vst v7;
	v4 =	vand.u32 $0xFFFFFC00, v8;
	v2 =	vor.u32 v0, v2;
	v6 =	vshll.u32 v3, $0x10  }
0x2bd: {  	v7 =	vand.u32 $0x7F, v10;
	v4 =	vadd.s32 v1, v4;
	v3 =	vand.u32 $0xFFFF0000, v3;
	[tilespmem:s14+$0x90] =	vst v6  }
0x2be: {  	v5 =	vand.u32 $0xFFFFFC00, v5;
	v8 =	vld [tilespmem:s26+$0xFFFFFFC0];
	v6 =	vshll.u32 v11, $0x3;
	v4 =	vor.u32 v7, v4;
	[tilespmem:s4+$0x90] =	vst v3  }
0x2bf: {  	v3 =	vand.u32 $0xFFFFFC00, v6;
	v6 =	vshll.u32 v9, $0x3;
	v4 =	vor.u32 v0, v4;
	v10 =	vld [tilespmem:s5+$0xA0]  }
0x2c0: {  	v7 =	vld [tilespmem:s26+$0x40];
	v11 =	vand.u32 $0x7F, v11;
	v3 =	vadd.s32 v1, v3;
	v6 =	vand.u32 $0xFFFFFC00, v6  }
0x2c1: {  	v9 =	vand.u32 $0x7F, v9;
	v3 =	vor.u32 v11, v3;
	v6 =	vadd.s32 v1, v6;
	v2 =	vld.idx.msk [tilespmem:v2+s3+$0x0], $0xffff  }
0x2c2: {  	v5 =	vadd.s32 v1, v5;
	v3 =	vor.u32 v0, v3;
	v6 =	vor.u32 v9, v6  }
0x2c3: {  	v5 =	vor.u32 v12, v5;
	v6 =	vor.u32 v0, v6  }
0x2c4: {  	v5 =	vor.u32 v0, v5;
	v9 =	vshll.u32 v8, $0x3;
	v4 =	vld.idx.msk [tilespmem:v4+s3+$0x0], $0xffff;
	v12 =	vshll.u32 v10, $0x3  }
0x2c5: {  	v8 =	vand.u32 $0x7F, v8;
	v11 =	vshll.u32 v7, $0x3;
	v12 =	vand.u32 $0xFFFFFC00, v12  }
0x2c6: {  	v10 =	vand.u32 $0x7F, v10;
	v13 =	vshll.u32 v2, $0x10;
	v12 =	vadd.s32 v1, v12  }
0x2c7: {  	v9 =	vand.u32 $0xFFFFFC00, v9;
	v3 =	vld.idx.msk [tilespmem:v3+s3+$0x0], $0xffff;
	v2 =	vand.u32 $0xFFFF0000, v2;
	[tilespmem:s0+$0xD0] =	vst v13;
	v10 =	vor.u32 v10, v12  }
0x2c8: {  	v7 =	vand.u32 $0x7F, v7;
	v9 =	vadd.s32 v1, v9;
	v6 =	vld.idx.msk [tilespmem:v6+s3+$0x0], $0xffff;
	[tilespmem:s1+$0xD0] =	vst v2;
	v2 =	vor.u32 v0, v10  }
0x2c9: {  	v11 =	vand.u32 $0xFFFFFC00, v11;
	v8 =	vor.u32 v8, v9;
	v10 =	vshll.u32 v4, $0x10;
	v9 =	vld [tilespmem:s26+$0xE0]  }
0x2ca: {  	v11 =	vadd.s32 v1, v11;
	v8 =	vor.u32 v0, v8;
	v4 =	vand.u32 $0xFFFF0000, v4;
	[tilespmem:s14+$0xFFFFFF10] =	vst v10  }
0x2cb: {  	v5 =	vld.idx.msk [tilespmem:v5+s3+$0x0], $0xffff;
	v7 =	vor.u32 v7, v11;
	[tilespmem:s4+$0xFFFFFF10] =	vst v4  }
0x2cc: {  	v4 =	vor.u32 v0, v7;
	v7 =	vshll.u32 v3, $0x10;
	v10 =	vld [tilespmem:s5+$0xFFFFFF20]  }
0x2cd: {  	v3 =	vand.u32 $0xFFFF0000, v3;
	[tilespmem:s14+$0xFFFFFF90] =	vst v7;
	v2 =	vld.idx.msk [tilespmem:v2+s3+$0x0], $0xffff  }
0x2ce: {  	v7 =	vshll.u32 v6, $0x10;
	[tilespmem:s4+$0xFFFFFF90] =	vst v3;
	v3 =	vshll.u32 v9, $0x3  }
0x2cf: {  	v8 =	vld.idx.msk [tilespmem:v8+s3+$0x0], $0xffff;
	v6 =	vand.u32 $0xFFFF0000, v6;
	[tilespmem:s14+$0x10] =	vst v7;
	v3 =	vand.u32 $0xFFFFFC00, v3  }
0x2d0: {  	v7 =	vld [tilespmem:s5+$0xFFFFFFA0];
	[tilespmem:s4+$0x10] =	vst v6;
	v6 =	vshll.u32 v5, $0x10;
	v9 =	vand.u32 $0x7F, v9;
	v3 =	vadd.s32 v1, v3  }
0x2d1: {  	v5 =	vand.u32 $0xFFFF0000, v5;
	v4 =	vld.idx.msk [tilespmem:v4+s3+$0x0], $0xffff;
	[tilespmem:s0+$0xFFFFFF40] =	vst v6;
	v6 =	vshll.u32 v10, $0x3;
	v3 =	vor.u32 v9, v3  }
0x2d2: {  	[tilespmem:s1+$0xFFFFFF40] =	vst v5;
	v9 =	vld [tilespmem:s5+$0x20];
	v5 =	vand.u32 $0xFFFFFC00, v6;
	v3 =	vor.u32 v0, v3;
	v6 =	vshll.u32 v2, $0x10  }
0x2d3: {  	v10 =	vand.u32 $0x7F, v10;
	v5 =	vadd.s32 v1, v5;
	v2 =	vand.u32 $0xFFFF0000, v2;
	[tilespmem:s14+$0xA0] =	vst v6  }
0x2d4: {  	v11 =	vld [tilespmem:s26+$0xFFFFFF50];
	v6 =	vshll.u32 v8, $0x10;
	v5 =	vor.u32 v10, v5;
	[tilespmem:s4+$0xA0] =	vst v2  }
0x2d5: {  	v2 =	vand.u32 $0xFFFF0000, v8;
	v8 =	vshll.u32 v7, $0x3;
	v5 =	vor.u32 v0, v5;
	v10 =	vld [tilespmem:s5+$0xB0]  }
0x2d6: {  	v12 =	vshll.u32 v4, $0x10;
	v8 =	vand.u32 $0xFFFFFC00, v8  }
0x2d7: {  	s6 =	simm.s32 $0xDD00;
	v7 =	vand.u32 $0x7F, v7;
	[tilespmem:s0+$0xFFFFFFC0] =	vst v6;
	v6 =	vadd.s32 v1, v8;
	v8 =	vshll.u32 v9, $0x3;
	v3 =	vld.idx.msk [tilespmem:v3+s3+$0x0], $0xffff  }
0x2d8: {  	v41 =	vld [tilespmem:s6+$0xFFFFFF00];
	v4 =	vand.u32 $0xFFFF0000, v4;
	[tilespmem:s1+$0xFFFFFFC0] =	vst v2;
	v6 =	vor.u32 v7, v6;
	v7 =	vand.u32 $0xFFFFFC00, v8  }
0x2d9: {  	[tilespmem:s0+$0x40] =	vst v12;
	v2 =	vand.u32 $0x7F, v9;
	v9 =	vshll.u32 v11, $0x3;
	v8 =	vld [tilespmem:s26+$0xFFFFFFD0];
	v7 =	vadd.s32 v1, v7  }
0x2da: {  	[tilespmem:s1+$0x40] =	vst v4;
	v6 =	vor.u32 v0, v6;
	v2 =	vor.u32 v2, v7;
	v5 =	vld.idx.msk [tilespmem:v5+s3+$0x0], $0xffff;
	v7 =	vshll.u32 v10, $0x3  }
0x2db: {  	v4 =	vand.u32 $0xFFFFFC00, v9;
	v9 =	vld [tilespmem:s26+$0x50];
	v2 =	vor.u32 v0, v2;
	v7 =	vand.u32 $0xFFFFFC00, v7  }
0x2dc: {  	v10 =	vand.u32 $0x7F, v10;
	v12 =	vshll.u32 v3, $0x10;
	v7 =	vadd.s32 v1, v7  }
0x2dd: {  	v3 =	vand.u32 $0xFFFF0000, v3;
	[tilespmem:s0+$0xE0] =	vst v12;
	v7 =	vor.u32 v10, v7  }
0x2de: {  	v11 =	vand.u32 $0x7F, v11;
	v4 =	vadd.s32 v1, v4;
	[tilespmem:s1+$0xE0] =	vst v3;
	v3 =	vor.u32 v0, v7  }
0x2df: {  	v19 =	vshll.u32 v41, $0x3;
	v4 =	vor.u32 v11, v4;
	v6 =	vld.idx.msk [tilespmem:v6+s3+$0x0], $0xffff;
	v10 =	vshll.u32 v5, $0x10  }
0x2e0: {  	v11 =	vshll.u32 v8, $0x3;
	v12 =	vshll.u32 v9, $0x3;
	v5 =	vand.u32 $0xFFFF0000, v5;
	v7 =	vld [tilespmem:s26+$0xF0];
	[tilespmem:s14+$0xFFFFFF20] =	vst v10  }
0x2e1: {  	v16 =	vand.u32 $0x7F, v41;
	v2 =	vld.idx.msk [tilespmem:v2+s3+$0x0], $0xffff;
	v10 =	vand.u32 $0xFFFFFC00, v11;
	v11 =	vand.u32 $0xFFFFFC00, v12;
	[tilespmem:s4+$0xFFFFFF20] =	vst v5  }
0x2e2: {  	v19 =	vand.u32 $0xFFFFFC00, v19;
	v5 =	vadd.s32 v1, v10;
	v10 =	vadd.s32 v1, v11;
	v11 =	vld [tilespmem:s5+$0xFFFFFF30]  }
0x2e3: {  	v4 =	vor.u32 v0, v4;
	v8 =	vand.u32 $0x7F, v8;
	v9 =	vand.u32 $0x7F, v9;
	v3 =	vld.idx.msk [tilespmem:v3+s3+$0x0], $0xffff  }
0x2e4: {  	v5 =	vor.u32 v8, v5;
	v8 =	vor.u32 v9, v10;
	v9 =	vshll.u32 v6, $0x10  }
0x2e5: {  	v19 =	vadd.s32 v1, v19;
	v6 =	vand.u32 $0xFFFF0000, v6;
	[tilespmem:s14+$0xFFFFFFA0] =	vst v9;
	v9 =	vshll.u32 v7, $0x3  }
0x2e6: {  	v10 =	vld [tilespmem:s6+$0x80];
	[tilespmem:s4+$0xFFFFFFA0] =	vst v6;
	v7 =	vand.u32 $0x7F, v7;
	v6 =	vand.u32 $0xFFFFFC00, v9;
	v9 =	vshll.u32 v2, $0x10  }
0x2e7: {  	v2 =	vand.u32 $0xFFFF0000, v2;
	v6 =	vadd.s32 v1, v6;
	[tilespmem:s14+$0x20] =	vst v9;
	v9 =	vshll.u32 v11, $0x3  }
0x2e8: {  	v4 =	vld.idx.msk [tilespmem:v4+s3+$0x0], $0xffff;
	v6 =	vor.u32 v7, v6;
	v7 =	vand.u32 $0x7F, v11;
	[tilespmem:s4+$0x20] =	vst v2;
	v11 =	vshll.u32 v3, $0x10  }
0x2e9: {  	v16 =	vor.u32 v16, v19;
	v12 =	vld [tilespmem:s5+$0xFFFFFFB0];
	v3 =	vand.u32 $0xFFFF0000, v3;
	[tilespmem:s14+$0xB0] =	vst v11  }
0x2ea: {  	v16 =	vor.u32 v0, v16;
	v2 =	vor.u32 v0, v6;
	v6 =	vand.u32 $0xFFFFFC00, v9;
	[tilespmem:s4+$0xB0] =	vst v3  }
0x2eb: {  	v5 =	vor.u32 v0, v5;
	v6 =	vadd.s32 v1, v6;
	v11 =	vshll.u32 v10, $0x3;
	v15 =	vld [tilespmem:s5+$0xC0]  }
0x2ec: {  	v8 =	vor.u32 v0, v8;
	v9 =	vld [tilespmem:s5+$0x30];
	v6 =	vor.u32 v7, v6;
	v11 =	vand.u32 $0xFFFFFC00, v11  }
0x2ed: {  	v14 =	vld [tilespmem:s6+$0xFFFFFF80];
	v10 =	vand.u32 $0x7F, v10;
	v6 =	vor.u32 v0, v6;
	v11 =	vadd.s32 v1, v11  }
0x2ee: {  	v13 =	vshll.u32 v4, $0x10;
	v7 =	vld [tilespmem:s6+$0x0];
	v3 =	vshll.u32 v12, $0x3;
	v10 =	vor.u32 v10, v11  }
0x2ef: {  	v4 =	vand.u32 $0xFFFF0000, v4;
	v3 =	vand.u32 $0xFFFFFC00, v3;
	v10 =	vor.u32 v0, v10  }
0x2f0: {  	v12 =	vand.u32 $0x7F, v12;
	v3 =	vadd.s32 v1, v3;
	v43 =	vshll.u32 v15, $0x3  }
0x2f1: {  	v8 =	vld.idx.msk [tilespmem:v8+s3+$0x0], $0xffff;
	v11 =	vand.u32 $0x7F, v9;
	v3 =	vor.u32 v12, v3;
	v18 =	vand.u32 $0xFFFFFC00, v43  }
0x2f2: {  	v12 =	vand.u32 $0x7F, v14;
	v6 =	vld.idx.msk [tilespmem:v6+s3+$0x0], $0xffff;
	v15 =	vand.u32 $0x7F, v15;
	v18 =	vadd.s32 v1, v18  }
0x2f3: {  	v14 =	vshll.u32 v14, $0x3;
	v42 =	vshll.u32 v7, $0x3;
	v15 =	vor.u32 v15, v18  }
0x2f4: {  	[tilespmem:s0+$0xFFFFFF50] =	vst v13;
	v14 =	vand.u32 $0xFFFFFC00, v14;
	v17 =	vand.u32 $0xFFFFFC00, v42;
	v10 =	vld.idx.msk [tilespmem:v10+s3+$0x0], $0xffff;
	v15 =	vor.u32 v0, v15  }
0x2f5: {  	[tilespmem:s1+$0xFFFFFF50] =	vst v4;
	v13 =	vadd.s32 v1, v14;
	v4 =	vand.u32 $0x7F, v7;
	v14 =	vadd.s32 v1, v17  }
0x2f6: {  	v9 =	vshll.u32 v9, $0x3;
	v4 =	vor.u32 v4, v14;
	v14 =	vshll.u32 v8, $0x10  }
0x2f7: {  	s24 =	simm.s32 $0xDF00;
	v5 =	vld.idx.msk [tilespmem:v5+s3+$0x0], $0xffff;
	v9 =	vand.u32 $0xFFFFFC00, v9;
	v7 =	vor.u32 v12, v13;
	[tilespmem:s0+$0x50] =	vst v14;
	v12 =	vshll.u32 v6, $0x10  }
0x2f8: {  	v34 =	vld [tilespmem:s24+$0xFFFFFF80];
	v9 =	vadd.s32 v1, v9;
	v7 =	vor.u32 v0, v7;
	v6 =	vand.u32 $0xFFFF0000, v6;
	[tilespmem:s14+$0xFFFFFF30] =	vst v12  }
0x2f9: {  	s12 =	simm.s32 $0x10D00;
	v13 =	vor.u32 v0, v3;
	v3 =	vor.u32 v11, v9;
	[tilespmem:s4+$0xFFFFFF30] =	vst v6;
	v6 =	vshll.u32 v10, $0x10;
	v9 =	vld.idx.msk [tilespmem:v15+s3+$0x0], $0xffff  }
0x2fa: {  	s13 =	simm.s32 $0x11D00;
	v11 =	vld.idx.msk [tilespmem:v16+s3+$0x0], $0xffff;
	v4 =	vor.u32 v0, v4;
	[tilespmem:s12+$0x80] =	vst v6;
	v6 =	vand.u32 $0xFFFF0000, v10  }
0x2fb: {  	v8 =	vand.u32 $0xFFFF0000, v8;
	v12 =	vld [tilespmem:s26+$0xFFFFFF60];
	[tilespmem:s13+$0x80] =	vst v6  }
0x2fc: {  	[tilespmem:s1+$0x50] =	vst v8;
	v10 =	vor.u32 v0, v3;
	v3 =	vshll.u32 v5, $0x10;
	v6 =	vld [tilespmem:s6+$0x90]  }
0x2fd: {  	v7 =	vld.idx.msk [tilespmem:v7+s3+$0x0], $0xffff;
	v5 =	vand.u32 $0xFFFF0000, v5;
	[tilespmem:s0+$0xFFFFFFD0] =	vst v3  }
0x2fe: {  	v35 =	vld [tilespmem:s24+$0x0];
	[tilespmem:s1+$0xFFFFFFD0] =	vst v5;
	v8 =	vshll.u32 v9, $0x10  }
0x2ff: {  	v4 =	vld.idx.msk [tilespmem:v4+s3+$0x0], $0xffff;
	[tilespmem:s14+$0xC0] =	vst v8;
	v8 =	vand.u32 $0xFFFF0000, v9  }
0x300: {  	v13 =	vld.idx.msk [tilespmem:v13+s3+$0x0], $0xffff;
	v5 =	vshll.u32 v12, $0x3;
	v12 =	vand.u32 $0x7F, v12;
	v9 =	vshll.u32 v11, $0x10;
	[tilespmem:s4+$0xC0] =	vst v8  }
0x301: {  	v36 =	vld [tilespmem:s24+$0xFFFFFF00];
	v5 =	vand.u32 $0xFFFFFC00, v5;
	v14 =	vshll.u32 v6, $0x3;
	v8 =	vand.u32 $0xFFFF0000, v11;
	[tilespmem:s12+$0xFFFFFF00] =	vst v9  }
0x302: {  	v5 =	vadd.s32 v1, v5;
	v10 =	vld.idx.msk [tilespmem:v10+s3+$0x0], $0xffff;
	v9 =	vand.u32 $0xFFFFFC00, v14;
	v14 =	vshll.u32 v7, $0x10;
	[tilespmem:s13+$0xFFFFFF00] =	vst v8  }
0x303: {  	v5 =	vor.u32 v12, v5;
	v12 =	vld [tilespmem:s5+$0xFFFFFF40];
	v7 =	vand.u32 $0xFFFF0000, v7;
	[tilespmem:s12+$0xFFFFFF80] =	vst v14  }
0x304: {  	v11 =	vld [tilespmem:s5+$0xD0];
	v8 =	vadd.s32 v1, v9;
	v9 =	vshll.u32 v4, $0x10;
	[tilespmem:s13+$0xFFFFFF80] =	vst v7  }
0x305: {  	v44 =	vld [tilespmem:s26+$0x60];
	v6 =	vand.u32 $0x7F, v6;
	v14 =	vshll.u32 v13, $0x10;
	[tilespmem:s12+$0x0] =	vst v9  }
0x306: {  	v38 =	vand.u32 $0x7F, v34;
	v4 =	vand.u32 $0xFFFF0000, v4;
	v6 =	vor.u32 v6, v8;
	v8 =	vld [tilespmem:s6+$0xFFFFFF10];
	[tilespmem:s14+$0xFFFFFFB0] =	vst v14  }
0x307: {  	v39 =	vshll.u32 v35, $0x3;
	v26 =	vshll.u32 v36, $0x3;
	v7 =	vand.u32 $0xFFFF0000, v13;
	v45 =	vld [tilespmem:s6+$0xFFFFFF90];
	[tilespmem:s13+$0x0] =	vst v4  }
0x308: {  	v5 =	vor.u32 v0, v5;
	v13 =	vshll.u32 v10, $0x10;
	v6 =	vor.u32 v0, v6;
	[tilespmem:s4+$0xFFFFFFB0] =	vst v7;
	v47 =	vld [tilespmem:s6+$0x10]  }
0x309: {  	v46 =	vand.u32 $0x7F, v12;
	v9 =	vshll.u32 v12, $0x3;
	[tilespmem:s14+$0x30] =	vst v13;
	v13 =	vld [tilespmem:s5+$0xFFFFFFC0];
	v12 =	vshll.u32 v11, $0x3  }
0x30a: {  	v10 =	vand.u32 $0xFFFF0000, v10;
	v14 =	vshll.u32 v44, $0x3;
	v12 =	vand.u32 $0xFFFFFC00, v12  }
0x30b: {  	v11 =	vand.u32 $0x7F, v11;
	v20 =	vshll.u32 v8, $0x3;
	v12 =	vadd.s32 v1, v12  }
0x30c: {  	v8 =	vand.u32 $0x7F, v8;
	v7 =	vor.u32 v11, v12;
	v11 =	vand.u32 $0xFFFFFC00, v20  }
0x30d: {  	v6 =	vld.idx.msk [tilespmem:v6+s3+$0x0], $0xffff;
	v12 =	vshll.u32 v45, $0x3;
	v48 =	vand.u32 $0x7F, v47;
	v19 =	vshll.u32 v47, $0x3  }
0x30e: {  	v50 =	vshll.u32 v13, $0x3;
	v13 =	vand.u32 $0x7F, v13;
	v7 =	vor.u32 v0, v7  }
0x30f: {  	v15 =	vld [tilespmem:s26+$0xFFFFFFE0];
	[tilespmem:s4+$0x30] =	vst v10;
	v11 =	vadd.s32 v1, v11;
	v10 =	vand.u32 $0xFFFFFC00, v12;
	v17 =	vand.u32 $0xFFFFFC00, v50  }
0x310: {  	v12 =	vld [tilespmem:s5+$0x40];
	v8 =	vor.u32 v8, v11;
	v11 =	vand.u32 $0x7F, v45;
	v10 =	vadd.s32 v1, v10  }
0x311: {  	v17 =	vadd.s32 v1, v17;
	v8 =	vor.u32 v0, v8;
	v10 =	vor.u32 v11, v10  }
0x312: {  	v11 =	vand.u32 $0xFFFFFC00, v19;
	v13 =	vor.u32 v13, v17;
	v49 =	vshll.u32 v6, $0x10  }
0x313: {  	v11 =	vadd.s32 v1, v11;
	v6 =	vand.u32 $0xFFFF0000, v6;
	v13 =	vor.u32 v0, v13;
	[tilespmem:s12+$0x90] =	vst v49;
	v7 =	vld.idx.msk [tilespmem:v7+s3+$0x0], $0xffff  }
0x314: {  	v4 =	vand.u32 $0xFFFFFC00, v9;
	v9 =	vshll.u32 v15, $0x3;
	v11 =	vor.u32 v48, v11;
	[tilespmem:s13+$0x90] =	vst v6  }
0x315: {  	v10 =	vor.u32 v0, v10;
	v6 =	vor.u32 v0, v11;
	v11 =	vshll.u32 v12, $0x3;
	v51 =	vld [tilespmem:s6+$0xA0]  }
0x316: {  	v4 =	vadd.s32 v1, v4;
	v9 =	vand.u32 $0xFFFFFC00, v9;
	v11 =	vand.u32 $0xFFFFFC00, v11;
	v8 =	vld.idx.msk [tilespmem:v8+s3+$0x0], $0xffff  }
0x317: {  	v4 =	vor.u32 v46, v4;
	v12 =	vand.u32 $0x7F, v12;
	v11 =	vadd.s32 v1, v11  }
0x318: {  	v9 =	vadd.s32 v1, v9;
	v11 =	vor.u32 v12, v11;
	v13 =	vld.idx.msk [tilespmem:v13+s3+$0x0], $0xffff;
	v12 =	vshll.u32 v7, $0x10  }
0x319: {  	v5 =	vld.idx.msk [tilespmem:v5+s3+$0x0], $0xffff;
	v4 =	vor.u32 v0, v4;
	v11 =	vor.u32 v0, v11;
	v7 =	vand.u32 $0xFFFF0000, v7;
	[tilespmem:s14+$0xD0] =	vst v12  }
0x31a: {  	v10 =	vld.idx.msk [tilespmem:v10+s3+$0x0], $0xffff;
	v12 =	vshll.u32 v51, $0x3;
	v18 =	vand.u32 $0x7F, v51;
	[tilespmem:s4+$0xD0] =	vst v7;
	v7 =	vand.u32 $0xFFFFFC00, v14  }
0x31b: {  	v6 =	vld.idx.msk [tilespmem:v6+s3+$0x0], $0xffff;
	v14 =	vand.u32 $0x7F, v15;
	v12 =	vand.u32 $0xFFFFFC00, v12;
	v52 =	vshll.u32 v8, $0x10  }
0x31c: {  	v8 =	vand.u32 $0xFFFF0000, v8;
	v15 =	vld [tilespmem:s5+$0xE0];
	v12 =	vadd.s32 v1, v12;
	v7 =	vadd.s32 v1, v7;
	[tilespmem:s12+$0xFFFFFF10] =	vst v52  }
0x31d: {  	v9 =	vor.u32 v14, v9;
	v55 =	vshll.u32 v13, $0x10;
	v12 =	vor.u32 v18, v12;
	[tilespmem:s13+$0xFFFFFF10] =	vst v8  }
0x31e: {  	v4 =	vld.idx.msk [tilespmem:v4+s3+$0x0], $0xffff;
	v14 =	vand.u32 $0x7F, v44;
	v13 =	vand.u32 $0xFFFF0000, v13;
	[tilespmem:s14+$0xFFFFFFC0] =	vst v55;
	v8 =	vor.u32 v0, v12  }
0x31f: {  	v26 =	vand.u32 $0xFFFFFC00, v26;
	v7 =	vor.u32 v14, v7;
	v12 =	vshll.u32 v10, $0x10;
	v14 =	vld [tilespmem:s6+$0xFFFFFF20];
	[tilespmem:s4+$0xFFFFFFC0] =	vst v13  }
0x320: {  	v40 =	vadd.s32 v1, v26;
	v54 =	vshll.u32 v5, $0x10;
	v11 =	vld.idx.msk [tilespmem:v11+s3+$0x0], $0xffff;
	v10 =	vand.u32 $0xFFFF0000, v10;
	[tilespmem:s12+$0xFFFFFF90] =	vst v12  }
0x321: {  	v5 =	vand.u32 $0xFFFF0000, v5;
	v53 =	vshll.u32 v6, $0x10;
	v13 =	vld [tilespmem:s5+$0xFFFFFFD0];
	[tilespmem:s13+$0xFFFFFF90] =	vst v10;
	v12 =	vshll.u32 v15, $0x3  }
0x322: {  	v9 =	vor.u32 v0, v9;
	v6 =	vand.u32 $0xFFFF0000, v6;
	[tilespmem:s12+$0x10] =	vst v53;
	v10 =	vand.u32 $0xFFFFFC00, v12;
	v12 =	vld [tilespmem:s6+$0xFFFFFFA0]  }
0x323: {  	[tilespmem:s13+$0x10] =	vst v6;
	v6 =	vshll.u32 v4, $0x10;
	v15 =	vand.u32 $0x7F, v15;
	v10 =	vadd.s32 v1, v10;
	v8 =	vld.idx.msk [tilespmem:v8+s3+$0x0], $0xffff  }
0x324: {  	v4 =	vand.u32 $0xFFFF0000, v4;
	[tilespmem:s14+$0xFFFFFF40] =	vst v6;
	v6 =	vshll.u32 v14, $0x3;
	v10 =	vor.u32 v15, v10;
	v15 =	vld [tilespmem:s6+$0x20]  }
0x325: {  	v7 =	vor.u32 v0, v7;
	[tilespmem:s4+$0xFFFFFF40] =	vst v4;
	v56 =	vshll.u32 v11, $0x10;
	v4 =	vand.u32 $0xFFFFFC00, v6  }
0x326: {  	v14 =	vand.u32 $0x7F, v14;
	v10 =	vor.u32 v0, v10;
	v4 =	vadd.s32 v1, v4  }
0x327: {  	v11 =	vand.u32 $0xFFFF0000, v11;
	v6 =	vld [tilespmem:s5+$0xFFFFFF50];
	v58 =	vshll.u32 v13, $0x3;
	v4 =	vor.u32 v14, v4  }
0x328: {  	[tilespmem:s14+$0x40] =	vst v56;
	v57 =	vand.u32 $0x7F, v12;
	v12 =	vshll.u32 v12, $0x3;
	v4 =	vor.u32 v0, v4  }
0x329: {  	[tilespmem:s4+$0x40] =	vst v11;
	v12 =	vand.u32 $0xFFFFFC00, v12;
	v14 =	vshll.u32 v8, $0x10;
	v11 =	vshll.u32 v15, $0x3  }
0x32a: {  	v8 =	vand.u32 $0xFFFF0000, v8;
	v12 =	vadd.s32 v1, v12;
	[tilespmem:s12+$0xA0] =	vst v14;
	v14 =	vld [tilespmem:s5+$0x50];
	v11 =	vand.u32 $0xFFFFFC00, v11  }
0x32b: {  	v15 =	vand.u32 $0x7F, v15;
	v10 =	vld.idx.msk [tilespmem:v10+s3+$0x0], $0xffff;
	v12 =	vor.u32 v57, v12;
	[tilespmem:s13+$0xA0] =	vst v8;
	v11 =	vadd.s32 v1, v11  }
0x32c: {  	v8 =	vshll.u32 v6, $0x3;
	v12 =	vor.u32 v0, v12;
	v11 =	vor.u32 v15, v11;
	v15 =	vld [tilespmem:s6+$0xB0]  }
0x32d: {  	v2 =	vld.idx.msk [tilespmem:v2+s3+$0x0], $0xffff;
	v13 =	vand.u32 $0x7F, v13;
	v16 =	vand.u32 $0xFFFFFC00, v58;
	v8 =	vand.u32 $0xFFFFFC00, v8  }
0x32e: {  	v16 =	vadd.s32 v1, v16;
	v6 =	vand.u32 $0x7F, v6;
	v8 =	vadd.s32 v1, v8;
	v4 =	vld.idx.msk [tilespmem:v4+s3+$0x0], $0xffff  }
0x32f: {  	[tilespmem:s0+$0xFFFFFF60] =	vst v54;
	v13 =	vor.u32 v13, v16;
	v11 =	vor.u32 v0, v11;
	v6 =	vor.u32 v6, v8  }
0x330: {  	[tilespmem:s1+$0xFFFFFF60] =	vst v5;
	v9 =	vld.idx.msk [tilespmem:v9+s3+$0x0], $0xffff;
	v59 =	vand.u32 $0x7F, v14;
	v14 =	vshll.u32 v14, $0x3;
	v60 =	vshll.u32 v10, $0x10  }
0x331: {  	v8 =	vand.u32 $0xFFFF0000, v10;
	[tilespmem:s14+$0xE0] =	vst v60;
	v10 =	vld.idx.msk [tilespmem:v12+s3+$0x0], $0xffff;
	v12 =	vand.u32 $0xFFFFFC00, v14;
	v14 =	vshll.u32 v15, $0x3  }
0x332: {  	v7 =	vld.idx.msk [tilespmem:v7+s3+$0x0], $0xffff;
	v13 =	vor.u32 v0, v13;
	[tilespmem:s4+$0xE0] =	vst v8;
	v5 =	vadd.s32 v1, v12;
	v8 =	vand.u32 $0xFFFFFC00, v14  }
0x333: {  	v61 =	vshll.u32 v4, $0x10;
	v15 =	vand.u32 $0x7F, v15;
	v12 =	vld [tilespmem:s5+$0xF0];
	v8 =	vadd.s32 v1, v8  }
0x334: {  	v3 =	vshll.u32 v2, $0x10;
	v4 =	vand.u32 $0xFFFF0000, v4;
	v14 =	vld [tilespmem:s26+$0xFFFFFF70];
	[tilespmem:s12+$0xFFFFFF20] =	vst v61;
	v8 =	vor.u32 v15, v8  }
0x335: {  	v5 =	vor.u32 v59, v5;
	v11 =	vld.idx.msk [tilespmem:v11+s3+$0x0], $0xffff;
	[tilespmem:s13+$0xFFFFFF20] =	vst v4;
	v15 =	vshll.u32 v9, $0x10;
	v4 =	vor.u32 v0, v8  }
0x336: {  	v8 =	vor.u32 v0, v5;
	v5 =	vand.u32 $0xFFFF0000, v9;
	v9 =	vld [tilespmem:s6+$0xFFFFFF30];
	v62 =	vshll.u32 v10, $0x10  }
0x337: {  	v2 =	vand.u32 $0xFFFF0000, v2;
	v63 =	vshll.u32 v7, $0x10;
	v10 =	vand.u32 $0xFFFF0000, v10;
	[tilespmem:s12+$0xFFFFFFA0] =	vst v62  }
0x338: {  	v32 =	vand.u32 $0xFFFF0000, v7;
	v13 =	vld.idx.msk [tilespmem:v13+s3+$0x0], $0xffff;
	v6 =	vor.u32 v0, v6;
	v30 =	vshll.u32 v12, $0x3;
	[tilespmem:s13+$0xFFFFFFA0] =	vst v10  }
0x339: {  	[tilespmem:s0+$0xFFFFFFE0] =	vst v15;
	v31 =	vshll.u32 v14, $0x3;
	v10 =	vand.u32 $0x7F, v14;
	v7 =	vand.u32 $0xFFFFFC00, v30;
	v14 =	vld [tilespmem:s6+$0xFFFFFFB0]  }
0x33a: {  	[tilespmem:s1+$0xFFFFFFE0] =	vst v5;
	v12 =	vand.u32 $0x7F, v12;
	v15 =	vshll.u32 v11, $0x10;
	v7 =	vadd.s32 v1, v7;
	v4 =	vld.idx.msk [tilespmem:v4+s3+$0x0], $0xffff  }
0x33b: {  	v11 =	vand.u32 $0xFFFF0000, v11;
	[tilespmem:s12+$0x20] =	vst v15;
	v7 =	vor.u32 v12, v7;
	v12 =	vld [tilespmem:s26+$0xFFFFFFF0];
	v15 =	vshll.u32 v9, $0x3  }
0x33c: {  	v5 =	vand.u32 $0xFFFFFC00, v31;
	[tilespmem:s13+$0x20] =	vst v11;
	v7 =	vor.u32 v0, v7;
	v11 =	vand.u32 $0xFFFFFC00, v15;
	v15 =	vld [tilespmem:s24+$0x80]  }
0x33d: {  	v49 =	vshll.u32 v13, $0x10;
	v13 =	vand.u32 $0xFFFF0000, v13;
	v5 =	vadd.s32 v1, v5  }
0x33e: {  	v9 =	vand.u32 $0x7F, v9;
	v10 =	vor.u32 v10, v5;
	v5 =	vadd.s32 v1, v11  }
0x33f: {  	[tilespmem:s0+$0x60] =	vst v63;
	v5 =	vor.u32 v9, v5;
	v9 =	vand.u32 $0x7F, v14;
	v22 =	vshll.u32 v4, $0x10  }
0x340: {  	v6 =	vld.idx.msk [tilespmem:v6+s3+$0x0], $0xffff;
	v14 =	vshll.u32 v14, $0x3;
	v21 =	vor.u32 v0, v5;
	v4 =	vand.u32 $0xFFFF0000, v4;
	[tilespmem:s12+$0xB0] =	vst v22  }
0x341: {  	v14 =	vand.u32 $0xFFFFFC00, v14;
	v23 =	vshll.u32 v12, $0x3;
	v5 =	vld.idx.msk [tilespmem:v7+s3+$0x0], $0xffff;
	v37 =	vshll.u32 v15, $0x3;
	[tilespmem:s13+$0xB0] =	vst v4  }
0x342: {  	[tilespmem:s1+$0x60] =	vst v32;
	v7 =	vadd.s32 v1, v14;
	v14 =	vand.u32 $0xFFFFFC00, v23;
	v23 =	vand.u32 $0xFFFFFC00, v37;
	v24 =	vld [tilespmem:s6+$0xC0]  }
0x343: {  	[tilespmem:s14+$0xFFFFFFD0] =	vst v49;
	v9 =	vor.u32 v9, v7;
	v7 =	vand.u32 $0x7F, v15;
	v15 =	vadd.s32 v1, v23  }
0x344: {  	v20 =	vand.u32 $0x7F, v35;
	v18 =	vand.u32 $0xFFFFFC00, v39;
	v47 =	vld [tilespmem:s26+$0x70];
	[tilespmem:s4+$0xFFFFFFD0] =	vst v13;
	v7 =	vor.u32 v7, v15  }
0x345: {  	v18 =	vadd.s32 v1, v18;
	v59 =	vld [tilespmem:s5+$0xFFFFFFE0];
	v15 =	vshll.u32 v34, $0x3;
	v25 =	vor.u32 v0, v7  }
0x346: {  	v18 =	vor.u32 v20, v18;
	v33 =	vld [tilespmem:s6+$0x30];
	v11 =	vshll.u32 v6, $0x10;
	v15 =	vand.u32 $0xFFFFFC00, v15  }
0x347: {  	v18 =	vor.u32 v0, v18;
	[tilespmem:s14+$0xFFFFFF50] =	vst v11;
	v11 =	vld.idx.msk [tilespmem:v21+s3+$0x0], $0xffff;
	v15 =	vadd.s32 v1, v15;
	v27 =	vshll.u32 v24, $0x3  }
0x348: {  	v6 =	vand.u32 $0xFFFF0000, v6;
	v15 =	vor.u32 v38, v15;
	v41 =	vand.u32 $0xFFFFFC00, v27  }
0x349: {  	v8 =	vld.idx.msk [tilespmem:v8+s3+$0x0], $0xffff;
	v42 =	vand.u32 $0x7F, v24;
	v15 =	vor.u32 v0, v15;
	v43 =	vadd.s32 v1, v41  }
0x34a: {  	v55 =	vshll.u32 v47, $0x3;
	[tilespmem:s4+$0xFFFFFF50] =	vst v6;
	v6 =	vand.u32 $0x7F, v36;
	v44 =	vld.idx.msk [tilespmem:v25+s3+$0x0], $0xffff;
	v21 =	vor.u32 v42, v43  }
0x34b: {  	v30 =	vshll.u32 v59, $0x3;
	v45 =	vld [tilespmem:s5+$0xFFFFFF60];
	v6 =	vor.u32 v6, v40;
	v46 =	vor.u32 v0, v21  }
0x34c: {  	v16 =	vshll.u32 v33, $0x3;
	v6 =	vor.u32 v0, v6;
	v48 =	vshll.u32 v11, $0x10  }
0x34d: {  	v10 =	vor.u32 v0, v10;
	v16 =	vand.u32 $0xFFFFFC00, v16;
	v11 =	vand.u32 $0xFFFF0000, v11;
	[tilespmem:s12+$0xFFFFFF30] =	vst v48  }
0x34e: {  	v52 =	vshll.u32 v8, $0x10;
	v4 =	vand.u32 $0x7F, v33;
	v16 =	vadd.s32 v1, v16;
	[tilespmem:s13+$0xFFFFFF30] =	vst v11;
	v11 =	vld.idx.msk [tilespmem:v15+s3+$0x0], $0xffff  }
0x34f: {  	s25 =	simm.s32 $0x10F00;
	v9 =	vor.u32 v0, v9;
	v4 =	vor.u32 v4, v16;
	v50 =	vshll.u32 v44, $0x10  }
0x350: {  	s28 =	simm.s32 $0x11F00;
	v4 =	vor.u32 v0, v4;
	v51 =	vshll.u32 v45, $0x3;
	v22 =	vand.u32 $0xFFFF0000, v44;
	[tilespmem:s25+$0x80] =	vst v50;
	v17 =	vld.idx.msk [tilespmem:v46+s3+$0x0], $0xffff  }
0x351: {  	v8 =	vand.u32 $0xFFFF0000, v8;
	v14 =	vadd.s32 v1, v14;
	v53 =	vld.idx.msk [tilespmem:v6+s3+$0x0], $0xffff;
	v24 =	vand.u32 $0xFFFFFC00, v51;
	[tilespmem:s28+$0x80] =	vst v22  }
0x352: {  	v7 =	vshll.u32 v5, $0x10;
	v6 =	vand.u32 $0x7F, v45;
	v54 =	vadd.s32 v1, v24;
	v22 =	vld [tilespmem:s24+$0x90]  }
0x353: {  	v10 =	vld.idx.msk [tilespmem:v10+s3+$0x0], $0xffff;
	v5 =	vand.u32 $0xFFFF0000, v5;
	v6 =	vor.u32 v6, v54;
	v60 =	vshll.u32 v11, $0x10  }
0x354: {  	v9 =	vld.idx.msk [tilespmem:v9+s3+$0x0], $0xffff;
	v56 =	vor.u32 v0, v6;
	v6 =	vand.u32 $0x7F, v12;
	v11 =	vand.u32 $0xFFFF0000, v11;
	[tilespmem:s25+$0xFFFFFF80] =	vst v60  }
0x355: {  	v57 =	vld.idx.msk [tilespmem:v4+s3+$0x0], $0xffff;
	v6 =	vor.u32 v6, v14;
	v15 =	vand.u32 $0xFFFFFC00, v55;
	[tilespmem:s28+$0xFFFFFF80] =	vst v11;
	v13 =	vshll.u32 v17, $0x10  }
0x356: {  	v14 =	vand.u32 $0x7F, v47;
	v12 =	vadd.s32 v1, v15;
	v15 =	vld.idx.msk [tilespmem:v18+s3+$0x0], $0xffff;
	v4 =	vand.u32 $0xFFFF0000, v17;
	[tilespmem:s12+$0xC0] =	vst v13  }
0x357: {  	v12 =	vor.u32 v14, v12;
	v14 =	vld [tilespmem:s6+$0xFFFFFF40];
	v13 =	vshll.u32 v53, $0x10;
	v58 =	vshll.u32 v22, $0x3;
	[tilespmem:s13+$0xC0] =	vst v4  }
0x358: {  	v17 =	vld [tilespmem:s24+$0xFFFFFF90];
	v4 =	vor.u32 v0, v12;
	v12 =	vand.u32 $0xFFFF0000, v53;
	[tilespmem:s25+$0xFFFFFF00] =	vst v13;
	v13 =	vand.u32 $0xFFFFFC00, v58  }
0x359: {  	v49 =	vshll.u32 v10, $0x10;
	v61 =	vld [tilespmem:s6+$0xD0];
	[tilespmem:s28+$0xFFFFFF00] =	vst v12;
	v12 =	vand.u32 $0x7F, v22;
	v13 =	vadd.s32 v1, v13  }
0x35a: {  	v41 =	vand.u32 $0xFFFFFC00, v30;
	v43 =	vand.u32 $0x7F, v59;
	v12 =	vor.u32 v12, v13  }
0x35b: {  	v18 =	vand.u32 $0xFFFF0000, v57;
	v62 =	vshll.u32 v15, $0x10;
	v63 =	vld [tilespmem:s24+$0xFFFFFF10];
	v11 =	vor.u32 v0, v12  }
0x35c: {  	[tilespmem:s25+$0x0] =	vst v62;
	v28 =	vshll.u32 v14, $0x3;
	v14 =	vand.u32 $0x7F, v14;
	v13 =	vand.u32 $0xFFFF0000, v15  }
0x35d: {  	v15 =	vshll.u32 v9, $0x10;
	v9 =	vand.u32 $0xFFFF0000, v9;
	v12 =	vshll.u32 v57, $0x10;
	[tilespmem:s28+$0x0] =	vst v13  }
0x35e: {  	v13 =	vand.u32 $0xFFFFFC00, v28;
	[tilespmem:s12+$0xFFFFFFB0] =	vst v15;
	v33 =	vshll.u32 v17, $0x3;
	v31 =	vld [tilespmem:s24+$0x10];
	v29 =	vshll.u32 v61, $0x3  }
0x35f: {  	v17 =	vand.u32 $0x7F, v17;
	v13 =	vadd.s32 v1, v13;
	[tilespmem:s13+$0xFFFFFFB0] =	vst v9;
	v15 =	vand.u32 $0xFFFFFC00, v29  }
0x360: {  	[tilespmem:s12+$0x30] =	vst v12;
	v20 =	vand.u32 $0x7F, v61;
	v32 =	vshll.u32 v63, $0x3;
	v9 =	vadd.s32 v1, v15;
	v11 =	vld.idx.msk [tilespmem:v11+s3+$0x0], $0xffff  }
0x361: {  	[tilespmem:s13+$0x30] =	vst v18;
	v13 =	vor.u32 v14, v13;
	v21 =	vand.u32 $0xFFFFFC00, v32;
	v9 =	vor.u32 v20, v9  }
0x362: {  	v18 =	vld [tilespmem:s6+$0x40];
	v15 =	vand.u32 $0x7F, v63;
	v12 =	vadd.s32 v1, v21;
	v9 =	vor.u32 v0, v9  }
0x363: {  	[tilespmem:s14+$0x50] =	vst v52;
	v34 =	vld [tilespmem:s6+$0xFFFFFFC0];
	v35 =	vshll.u32 v31, $0x3;
	v12 =	vor.u32 v15, v12;
	v15 =	vand.u32 $0xFFFFFC00, v33  }
0x364: {  	[tilespmem:s4+$0x50] =	vst v8;
	v8 =	vand.u32 $0x7F, v31;
	v15 =	vadd.s32 v1, v15;
	v12 =	vor.u32 v0, v12  }
0x365: {  	v36 =	vand.u32 $0xFFFFFC00, v35;
	v15 =	vor.u32 v17, v15;
	v14 =	vshll.u32 v11, $0x10  }
0x366: {  	v37 =	vld [tilespmem:s5+$0x60];
	v17 =	vadd.s32 v1, v36;
	v15 =	vor.u32 v0, v15;
	v11 =	vand.u32 $0xFFFF0000, v11;
	[tilespmem:s25+$0x90] =	vst v14  }
0x367: {  	v13 =	vor.u32 v0, v13;
	v39 =	vshll.u32 v18, $0x3;
	v8 =	vor.u32 v8, v17;
	v9 =	vld.idx.msk [tilespmem:v9+s3+$0x0], $0xffff;
	[tilespmem:s28+$0x90] =	vst v11  }
0x368: {  	v38 =	vshll.u32 v34, $0x3;
	v17 =	vand.u32 $0xFFFFFC00, v39;
	v8 =	vor.u32 v0, v8;
	v40 =	vld [tilespmem:s24+$0xA0]  }
0x369: {  	v18 =	vand.u32 $0x7F, v18;
	v14 =	vand.u32 $0xFFFFFC00, v38;
	v17 =	vadd.s32 v1, v17;
	v12 =	vld.idx.msk [tilespmem:v12+s3+$0x0], $0xffff  }
0x36a: {  	[tilespmem:s0+$0xF0] =	vst v3;
	v11 =	vand.u32 $0x7F, v34;
	v14 =	vadd.s32 v1, v14;
	v17 =	vor.u32 v18, v17  }
0x36b: {  	[tilespmem:s1+$0xF0] =	vst v2;
	v11 =	vor.u32 v11, v14;
	v14 =	vshll.u32 v37, $0x3;
	v17 =	vor.u32 v0, v17;
	v3 =	vld.idx.msk [tilespmem:v15+s3+$0x0], $0xffff  }
0x36c: {  	[tilespmem:s14+$0xF0] =	vst v7;
	v11 =	vor.u32 v0, v11;
	v14 =	vand.u32 $0xFFFFFC00, v14;
	v42 =	vshll.u32 v9, $0x10  }
0x36d: {  	v15 =	vadd.s32 v1, v41;
	v8 =	vld.idx.msk [tilespmem:v8+s3+$0x0], $0xffff;
	v9 =	vand.u32 $0xFFFF0000, v9;
	[tilespmem:s12+$0xD0] =	vst v42;
	v44 =	vshll.u32 v40, $0x3  }
0x36e: {  	v16 =	vld.idx.msk [tilespmem:v56+s3+$0x0], $0xffff;
	v14 =	vadd.s32 v1, v14;
	v46 =	vshll.u32 v12, $0x10;
	[tilespmem:s13+$0xD0] =	vst v9;
	v45 =	vand.u32 $0xFFFFFC00, v44  }
0x36f: {  	v13 =	vld.idx.msk [tilespmem:v13+s3+$0x0], $0xffff;
	v47 =	vand.u32 $0x7F, v40;
	v12 =	vand.u32 $0xFFFF0000, v12;
	[tilespmem:s25+$0xFFFFFF10] =	vst v46;
	v18 =	vadd.s32 v1, v45  }
0x370: {  	v9 =	vor.u32 v43, v15;
	v2 =	vld [tilespmem:s6+$0xE0];
	[tilespmem:s28+$0xFFFFFF10] =	vst v12;
	v7 =	vshll.u32 v3, $0x10;
	v18 =	vor.u32 v47, v18  }
0x371: {  	v15 =	vand.u32 $0x7F, v37;
	v3 =	vand.u32 $0xFFFF0000, v3;
	v48 =	vld [tilespmem:s24+$0xFFFFFF20];
	[tilespmem:s25+$0xFFFFFF90] =	vst v7;
	v12 =	vor.u32 v0, v18  }
0x372: {  	v11 =	vld.idx.msk [tilespmem:v11+s3+$0x0], $0xffff;
	v9 =	vor.u32 v0, v9;
	v14 =	vor.u32 v15, v14;
	v15 =	vshll.u32 v8, $0x10;
	[tilespmem:s28+$0xFFFFFF90] =	vst v3  }
0x373: {  	v10 =	vand.u32 $0xFFFF0000, v10;
	v6 =	vor.u32 v0, v6;
	v17 =	vld.idx.msk [tilespmem:v17+s3+$0x0], $0xffff;
	v7 =	vand.u32 $0xFFFF0000, v8;
	[tilespmem:s25+$0x10] =	vst v15  }
0x374: {  	v8 =	vshll.u32 v16, $0x10;
	v14 =	vor.u32 v0, v14;
	v15 =	vshll.u32 v13, $0x10;
	v50 =	vld [tilespmem:s24+$0xFFFFFFA0];
	[tilespmem:s28+$0x10] =	vst v7  }
0x375: {  	v16 =	vand.u32 $0xFFFF0000, v16;
	[tilespmem:s12+$0xFFFFFF40] =	vst v15;
	v15 =	vld [tilespmem:s24+$0x20];
	v3 =	vshll.u32 v2, $0x3;
	v2 =	vand.u32 $0x7F, v2  }
0x376: {  	v3 =	vand.u32 $0xFFFFFC00, v3;
	v18 =	vand.u32 $0x7F, v48;
	v7 =	vld.idx.msk [tilespmem:v12+s3+$0x0], $0xffff;
	v12 =	vand.u32 $0xFFFF0000, v13  }
0x377: {  	v9 =	vld.idx.msk [tilespmem:v9+s3+$0x0], $0xffff;
	v3 =	vadd.s32 v1, v3;
	v13 =	vshll.u32 v11, $0x10;
	v11 =	vand.u32 $0xFFFF0000, v11;
	[tilespmem:s13+$0xFFFFFF40] =	vst v12  }
0x378: {  	v2 =	vor.u32 v2, v3;
	v3 =	vshll.u32 v48, $0x3;
	[tilespmem:s12+$0xFFFFFFC0] =	vst v13;
	v12 =	vshll.u32 v17, $0x10  }
0x379: {  	v51 =	vand.u32 $0x7F, v50;
	v20 =	vshll.u32 v50, $0x3;
	v2 =	vor.u32 v0, v2;
	[tilespmem:s13+$0xFFFFFFC0] =	vst v11  }
0x37a: {  	v14 =	vld.idx.msk [tilespmem:v14+s3+$0x0], $0xffff;
	v3 =	vand.u32 $0xFFFFFC00, v3;
	v11 =	vand.u32 $0xFFFFFC00, v20;
	[tilespmem:s12+$0x40] =	vst v12;
	v12 =	vand.u32 $0xFFFF0000, v17  }
0x37b: {  	v13 =	vld [tilespmem:s6+$0xFFFFFF50];
	v3 =	vadd.s32 v1, v3;
	v11 =	vadd.s32 v1, v11;
	[tilespmem:s13+$0x40] =	vst v12;
	v12 =	vshll.u32 v15, $0x3  }
0x37c: {  	v52 =	vld [tilespmem:s6+$0xFFFFFFD0];
	v54 =	vshll.u32 v9, $0x10;
	v15 =	vand.u32 $0x7F, v15;
	v3 =	vor.u32 v18, v3  }
0x37d: {  	[tilespmem:s4+$0xF0] =	vst v5;
	v12 =	vand.u32 $0xFFFFFC00, v12;
	v55 =	vld [tilespmem:s6+$0x50];
	v3 =	vor.u32 v0, v3;
	v53 =	vshll.u32 v7, $0x10  }
0x37e: {  	v11 =	vor.u32 v51, v11;
	v7 =	vand.u32 $0xFFFF0000, v7;
	v12 =	vadd.s32 v1, v12;
	[tilespmem:s25+$0xA0] =	vst v53;
	v2 =	vld.idx.msk [tilespmem:v2+s3+$0x0], $0xffff  }
0x37f: {  	v61 =	vshll.u32 v14, $0x10;
	v5 =	vor.u32 v0, v11;
	v11 =	vor.u32 v15, v12;
	[tilespmem:s28+$0xA0] =	vst v7  }
0x380: {  	[tilespmem:s0+$0xFFFFFF70] =	vst v49;
	v62 =	vand.u32 $0xFFFF0000, v14;
	v7 =	vshll.u32 v13, $0x3;
	v11 =	vor.u32 v0, v11;
	v12 =	vld [tilespmem:s24+$0xB0]  }
0x381: {  	[tilespmem:s14+$0xFFFFFF60] =	vst v8;
	v15 =	vld.idx.msk [tilespmem:v6+s3+$0x0], $0xffff;
	v13 =	vand.u32 $0x7F, v13;
	v7 =	vand.u32 $0xFFFFFC00, v7;
	v8 =	vshll.u32 v52, $0x3  }
0x382: {  	[tilespmem:s1+$0xFFFFFF70] =	vst v10;
	v6 =	vand.u32 $0x7F, v52;
	v7 =	vadd.s32 v1, v7;
	v8 =	vand.u32 $0xFFFFFC00, v8;
	v3 =	vld.idx.msk [tilespmem:v3+s3+$0x0], $0xffff  }
0x383: {  	[tilespmem:s4+$0xFFFFFF60] =	vst v16;
	v56 =	vand.u32 $0x7F, v55;
	v17 =	vshll.u32 v55, $0x3;
	v57 =	vshll.u32 v2, $0x10  }
0x384: {  	v8 =	vadd.s32 v1, v8;
	v7 =	vor.u32 v13, v7;
	v13 =	vld [tilespmem:s5+$0xFFFFFF70];
	v2 =	vand.u32 $0xFFFF0000, v2;
	[tilespmem:s12+$0xE0] =	vst v57  }
0x385: {  	v17 =	vand.u32 $0xFFFFFC00, v17;
	v5 =	vld.idx.msk [tilespmem:v5+s3+$0x0], $0xffff;
	v6 =	vor.u32 v6, v8;
	v58 =	vshll.u32 v12, $0x3;
	[tilespmem:s13+$0xE0] =	vst v2  }
0x386: {  	[tilespmem:s14+$0xFFFFFFE0] =	vst v54;
	v7 =	vor.u32 v0, v7;
	v6 =	vor.u32 v0, v6;
	v2 =	vand.u32 $0xFFFFFC00, v58;
	v59 =	vld [tilespmem:s6+$0xF0]  }
0x387: {  	[tilespmem:s14+$0x60] =	vst v61;
	v11 =	vld.idx.msk [tilespmem:v11+s3+$0x0], $0xffff;
	v12 =	vand.u32 $0x7F, v12;
	v10 =	vshll.u32 v3, $0x10;
	v2 =	vadd.s32 v1, v2  }
0x388: {  	v8 =	vadd.s32 v1, v17;
	v3 =	vand.u32 $0xFFFF0000, v3;
	[tilespmem:s25+$0xFFFFFF20] =	vst v10;
	v2 =	vor.u32 v12, v2  }
0x389: {  	v8 =	vor.u32 v56, v8;
	[tilespmem:s28+$0xFFFFFF20] =	vst v3;
	v12 =	vor.u32 v0, v2;
	v3 =	vand.u32 $0xFFFF0000, v9;
	v2 =	vld.idx.msk [tilespmem:v4+s3+$0x0], $0xffff  }
0x38a: {  	v8 =	vor.u32 v0, v8;
	v63 =	vand.u32 $0x7F, v13;
	v4 =	vshll.u32 v5, $0x10;
	v60 =	vld [tilespmem:s24+$0xFFFFFF30];
	[tilespmem:s4+$0xFFFFFFE0] =	vst v3  }
0x38b: {  	v10 =	vshll.u32 v15, $0x10;
	v5 =	vand.u32 $0xFFFF0000, v5;
	v9 =	vld.idx.msk [tilespmem:v7+s3+$0x0], $0xffff;
	[tilespmem:s25+$0xFFFFFFA0] =	vst v4;
	v3 =	vshll.u32 v59, $0x3  }
0x38c: {  	v7 =	vshll.u32 v11, $0x10;
	v6 =	vld.idx.msk [tilespmem:v6+s3+$0x0], $0xffff;
	v4 =	vshll.u32 v13, $0x3;
	[tilespmem:s28+$0xFFFFFFA0] =	vst v5;
	v5 =	vand.u32 $0xFFFFFC00, v3  }
0x38d: {  	[tilespmem:s0+$0xFFFFFFF0] =	vst v10;
	v4 =	vand.u32 $0xFFFFFC00, v4;
	v10 =	vld [tilespmem:s24+$0xFFFFFFB0];
	v13 =	vand.u32 $0x7F, v59;
	v5 =	vadd.s32 v1, v5  }
0x38e: {  	[tilespmem:s25+$0x20] =	vst v7;
	v7 =	vand.u32 $0xFFFF0000, v11;
	v4 =	vadd.s32 v1, v4;
	v3 =	vld [tilespmem:s5+$0xFFFFFFF0];
	v5 =	vor.u32 v13, v5  }
0x38f: {  	s19 =	simm.s32 $0xE100;
	s29 =	simm.s32 $0x10F00;
	[tilespmem:s28+$0x20] =	vst v7;
	v4 =	vor.u32 v63, v4;
	v11 =	vld.idx.msk [tilespmem:v12+s3+$0x0], $0xffff;
	v12 =	vshll.u32 v60, $0x3;
	v7 =	vor.u32 v0, v5  }
0x390: {  	s15 =	simm.s32 $0x60;
	s26 =	simm.s32 $0x11F00;
	[tilespmem:s4+$0x60] =	vst v62;
	v13 =	vand.u32 $0x7F, v60;
	v14 =	vand.u32 $0xFFFFFC00, v12;
	v12 =	vld [tilespmem:s24+$0x30];
	v5 =	vand.u32 $0xFFFF0000, v15  }
.LBB2_5:
0x391: {  	v15 =	vld [tilespmem:s19+$0x80];
	v14 =	vadd.s32 v1, v14;
	v16 =	vshll.u32 v9, $0x10;
	v9 =	vand.u32 $0xFFFF0000, v9;
	[tilespmem:s1+$0xFFFFFFF0] =	vst v5  }
0x392: {  	v5 =	vld [tilespmem:s19+$0xFFFFFF80];
	v13 =	vor.u32 v13, v14;
	v14 =	vand.u32 $0x7F, v10;
	v10 =	vshll.u32 v10, $0x3;
	[tilespmem:s12+$0xFFFFFF50] =	vst v16  }
0x393: {  	v16 =	vld [tilespmem:s19+$0x0];
	v13 =	vor.u32 v0, v13;
	v10 =	vand.u32 $0xFFFFFC00, v10;
	[tilespmem:s13+$0xFFFFFF50] =	vst v9;
	v9 =	vshll.u32 v3, $0x3  }
0x394: {  	v17 =	vshll.u32 v11, $0x10;
	v10 =	vadd.s32 v1, v10;
	v7 =	vld.idx.msk [tilespmem:v7+s3+$0x0], $0xffff;
	v9 =	vand.u32 $0xFFFFFC00, v9  }
0x395: {  	v11 =	vand.u32 $0xFFFF0000, v11;
	v18 =	vld [tilespmem:s19+$0xFFFFFF00];
	v19 =	vand.u32 $0x7F, v12;
	v12 =	vshll.u32 v12, $0x3;
	[tilespmem:s25+$0xB0] =	vst v17  }
0x396: {  	v10 =	vor.u32 v14, v10;
	v17 =	vshll.u32 v15, $0x3;
	v12 =	vand.u32 $0xFFFFFC00, v12;
	[tilespmem:s28+$0xB0] =	vst v11;
	v8 =	vld.idx.msk [tilespmem:v8+s3+$0x0], $0xffff  }
0x397: {  	v11 =	vand.u32 $0x7F, v5;
	v5 =	vshll.u32 v5, $0x3;
	v14 =	vand.u32 $0xFFFFFC00, v17;
	v17 =	vld [tilespmem:s24+$0xC0]  }
0x398: {  	v15 =	vand.u32 $0x7F, v15;
	v20 =	vshll.u32 v16, $0x3;
	v14 =	vadd.s32 v1, v14;
	v13 =	vld.idx.msk [tilespmem:v13+s3+$0x0], $0xffff  }
0x399: {  	s15 =	sadd.s32 $0x20, s15;
	v5 =	vand.u32 $0xFFFFFC00, v5;
	v20 =	vand.u32 $0xFFFFFC00, v20;
	v14 =	vor.u32 v15, v14;
	v15 =	vld [tilespmem:s6+$0xFFFFFF60]  }
0x39a: {  	p0 =	slt.u32 s15, $0xE0;
	v22 =	vshll.u32 v7, $0x10;
	v21 =	vshll.u32 v18, $0x3;
	v14 =	vor.u32 v0, v14;
	v23 =	vld [tilespmem:s5+$0x70];
	s5 =	smov.u32 s6;
	s6 =	smov.u32 s24  }
0x39b: {  	v5 =	vadd.s32 v1, v5;
	v7 =	vand.u32 $0xFFFF0000, v7;
	s24 =	smov.u32 s19;
	v21 =	vand.u32 $0xFFFFFC00, v21;
	[tilespmem:s12+$0xF0] =	vst v22  }
0x39c: {  	v20 =	vadd.s32 v1, v20;
	v21 =	vadd.s32 v1, v21;
	v22 =	vshll.u32 v17, $0x3;
	[tilespmem:s13+$0xF0] =	vst v7  }
0x39d: {  	v16 =	vand.u32 $0x7F, v16;
	v7 =	vand.u32 $0x7F, v18;
	v18 =	vand.u32 $0xFFFFFC00, v22  }
0x39e: {  	v17 =	vand.u32 $0x7F, v17;
	v7 =	vor.u32 v7, v21;
	v18 =	vadd.s32 v1, v18  }
0x39f: {  	v5 =	vor.u32 v11, v5;
	v11 =	vor.u32 v16, v20;
	v14 =	vld.idx.msk [tilespmem:v14+s3+$0x0], $0xffff;
	v16 =	vor.u32 v17, v18  }
0x3a0: {  	v5 =	vor.u32 v0, v5;
	v7 =	vor.u32 v0, v7;
	v16 =	vor.u32 v0, v16  }
0x3a1: {  	v10 =	vor.u32 v0, v10;
	v12 =	vadd.s32 v1, v12;
	v11 =	vor.u32 v0, v11  }
0x3a2: {  	v12 =	vor.u32 v19, v12;
	v17 =	vshll.u32 v13, $0x10;
	v13 =	vand.u32 $0xFFFF0000, v13  }
0x3a3: {  	v12 =	vor.u32 v0, v12;
	[tilespmem:s25+$0xFFFFFF30] =	vst v17;
	v17 =	vshll.u32 v6, $0x10;
	v6 =	vand.u32 $0xFFFF0000, v6  }
0x3a4: {  	v18 =	vshll.u32 v8, $0x10;
	v8 =	vand.u32 $0xFFFF0000, v8;
	[tilespmem:s28+$0xFFFFFF30] =	vst v13;
	v13 =	vshll.u32 v15, $0x3  }
0x3a5: {  	s25 =	sadd.s32 $0x200, s25;
	v19 =	vshll.u32 v14, $0x10;
	v15 =	vand.u32 $0x7F, v15;
	v16 =	vld.idx.msk [tilespmem:v16+s3+$0x0], $0xffff;
	v13 =	vand.u32 $0xFFFFFC00, v13;
	[tilespmem:s12+$0xFFFFFFD0] =	vst v17  }
0x3a6: {  	v14 =	vand.u32 $0xFFFF0000, v14;
	s28 =	sadd.s32 $0x200, s28;
	v17 =	vshll.u32 v23, $0x3;
	v7 =	vld.idx.msk [tilespmem:v7+s3+$0x0], $0xffff;
	[tilespmem:s25+$0x80] =	vst v19;
	v13 =	vadd.s32 v1, v13  }
0x3a7: {  	v9 =	vadd.s32 v1, v9;
	v5 =	vld.idx.msk [tilespmem:v5+s3+$0x0], $0xffff;
	[tilespmem:s28+$0x80] =	vst v14;
	v13 =	vor.u32 v15, v13;
	v14 =	vand.u32 $0xFFFFFC00, v17  }
0x3a8: {  	v3 =	vand.u32 $0x7F, v3;
	v15 =	vld [tilespmem:s19+$0x90];
	v13 =	vor.u32 v0, v13;
	[tilespmem:s13+$0xFFFFFFD0] =	vst v6;
	v6 =	vadd.s32 v1, v14  }
0x3a9: {  	v4 =	vor.u32 v0, v4;
	v3 =	vor.u32 v3, v9;
	v9 =	vand.u32 $0x7F, v23;
	v11 =	vld.idx.msk [tilespmem:v11+s3+$0x0], $0xffff;
	[tilespmem:s12+$0x50] =	vst v18  }
0x3aa: {  	v10 =	vld.idx.msk [tilespmem:v10+s3+$0x0], $0xffff;
	[tilespmem:s13+$0x50] =	vst v8;
	v8 =	vor.u32 v0, v3;
	v3 =	vor.u32 v9, v6;
	v6 =	vshll.u32 v2, $0x10  }
0x3ab: {  	v2 =	vand.u32 $0xFFFF0000, v2;
	v9 =	vld.idx.msk [tilespmem:v12+s3+$0x0], $0xffff;
	v12 =	vshll.u32 v16, $0x10;
	v14 =	vor.u32 v0, v3;
	[tilespmem:s0+$0x70] =	vst v6;
	s0 =	smov.u32 s14;
	s14 =	smov.u32 s12;
	s12 =	smov.u32 s29  }
0x3ac: {  	v3 =	vshll.u32 v7, $0x10;
	v6 =	vand.u32 $0xFFFF0000, v7;
	s29 =	smov.u32 s25;
	v7 =	vld [tilespmem:s6+$0xFFFFFF40];
	[tilespmem:s12+$0xC0] =	vst v12;
	v12 =	vand.u32 $0xFFFF0000, v16  }
0x3ad: {  	v16 =	vshll.u32 v5, $0x10;
	v5 =	vand.u32 $0xFFFF0000, v5;
	v17 =	vshll.u32 v15, $0x3;
	[tilespmem:s26+$0xC0] =	vst v12;
	v12 =	vld [tilespmem:s5+$0xFFFFFFE0]  }
0x3ae: {  	[tilespmem:s25+$0xFFFFFF00] =	vst v3;
	v3 =	vand.u32 $0xFFFFFC00, v17;
	v17 =	vld [tilespmem:s6+$0xD0]  }
0x3af: {  	v15 =	vand.u32 $0x7F, v15;
	[tilespmem:s28+$0xFFFFFF00] =	vst v6;
	v6 =	vshll.u32 v11, $0x10;
	v3 =	vadd.s32 v1, v3;
	v18 =	vld [tilespmem:s5+$0x60]  }
0x3b0: {  	v11 =	vand.u32 $0xFFFF0000, v11;
	v19 =	vld [tilespmem:s19+$0xFFFFFF10];
	[tilespmem:s25+$0xFFFFFF80] =	vst v16;
	v3 =	vor.u32 v15, v3;
	v15 =	vshll.u32 v10, $0x10  }
0x3b1: {  	[tilespmem:s28+$0xFFFFFF80] =	vst v5;
	v16 =	vor.u32 v0, v3;
	v5 =	vand.u32 $0xFFFF0000, v10;
	v10 =	vshll.u32 v9, $0x10;
	v3 =	vld.idx.msk [tilespmem:v13+s3+$0x0], $0xffff  }
0x3b2: {  	v9 =	vand.u32 $0xFFFF0000, v9;
	v13 =	vld [tilespmem:s19+$0xFFFFFF90];
	[tilespmem:s25+$0x0] =	vst v6;
	v6 =	vand.u32 $0x7F, v7;
	v7 =	vshll.u32 v7, $0x3  }
0x3b3: {  	v20 =	vshll.u32 v12, $0x3;
	[tilespmem:s28+$0x0] =	vst v11;
	v7 =	vand.u32 $0xFFFFFC00, v7;
	v11 =	vshll.u32 v17, $0x3;
	v4 =	vld.idx.msk [tilespmem:v4+s3+$0x0], $0xffff  }
0x3b4: {  	v21 =	vld [tilespmem:s19+$0x10];
	v7 =	vadd.s32 v1, v7;
	[tilespmem:s12+$0xFFFFFFB0] =	vst v15;
	v11 =	vand.u32 $0xFFFFFC00, v11;
	v15 =	vshll.u32 v18, $0x3  }
0x3b5: {  	v17 =	vand.u32 $0x7F, v17;
	v22 =	vshll.u32 v19, $0x3;
	[tilespmem:s26+$0xFFFFFFB0] =	vst v5;
	v11 =	vadd.s32 v1, v11;
	v5 =	vld.idx.msk [tilespmem:v8+s3+$0x0], $0xffff  }
0x3b6: {  	v8 =	vand.u32 $0x7F, v19;
	v19 =	vand.u32 $0xFFFFFC00, v22;
	v16 =	vld.idx.msk [tilespmem:v16+s3+$0x0], $0xffff;
	[tilespmem:s12+$0x30] =	vst v10;
	v10 =	vor.u32 v17, v11  }
0x3b7: {  	v11 =	vadd.s32 v1, v19;
	v17 =	vshll.u32 v13, $0x3;
	v19 =	vld [tilespmem:s6+$0xFFFFFFC0];
	[tilespmem:s26+$0x30] =	vst v9;
	v9 =	vor.u32 v0, v10  }
0x3b8: {  	v10 =	vand.u32 $0x7F, v13;
	v8 =	vor.u32 v8, v11;
	v11 =	vand.u32 $0xFFFFFC00, v17;
	v13 =	vld [tilespmem:s6+$0x40];
	[tilespmem:s1+$0x70] =	vst v2;
	s1 =	smov.u32 s4;
	s4 =	smov.u32 s13;
	s13 =	smov.u32 s26  }
0x3b9: {  	s26 =	smov.u32 s28;
	v11 =	vadd.s32 v1, v11;
	v17 =	vand.u32 $0x7F, v21;
	v21 =	vshll.u32 v21, $0x3;
	v2 =	vld.idx.msk [tilespmem:v14+s3+$0x0], $0xffff  }
0x3ba: {  	v8 =	vor.u32 v0, v8;
	v10 =	vor.u32 v10, v11;
	v11 =	vand.u32 $0xFFFFFC00, v21  }
0x3bb: {  	v6 =	vor.u32 v6, v7;
	v10 =	vor.u32 v0, v10;
	v11 =	vadd.s32 v1, v11  }
0x3bc: {  	v7 =	vor.u32 v17, v11;
	v11 =	vshll.u32 v16, $0x10;
	v14 =	vshll.u32 v19, $0x3;
	v9 =	vld.idx.msk [tilespmem:v9+s3+$0x0], $0xffff  }
0x3bd: {  	v7 =	vor.u32 v0, v7;
	[tilespmem:s25+$0x90] =	vst v11;
	v11 =	vand.u32 $0xFFFF0000, v16;
	v16 =	vshll.u32 v13, $0x3  }
0x3be: {  	v14 =	vand.u32 $0xFFFFFC00, v14;
	[tilespmem:s28+$0x90] =	vst v11;
	v11 =	vand.u32 $0x7F, v19;
	v16 =	vand.u32 $0xFFFFFC00, v16  }
0x3bf: {  	v13 =	vand.u32 $0x7F, v13;
	v14 =	vadd.s32 v1, v14;
	v17 =	vld [tilespmem:s19+$0xA0];
	v16 =	vadd.s32 v1, v16  }
0x3c0: {  	v6 =	vor.u32 v0, v6;
	v11 =	vor.u32 v11, v14;
	v8 =	vld.idx.msk [tilespmem:v8+s3+$0x0], $0xffff;
	v13 =	vor.u32 v13, v16  }
0x3c1: {  	v14 =	vand.u32 $0xFFFFFC00, v20;
	v11 =	vor.u32 v0, v11;
	v10 =	vld.idx.msk [tilespmem:v10+s3+$0x0], $0xffff;
	v13 =	vor.u32 v0, v13  }
0x3c2: {  	v15 =	vand.u32 $0xFFFFFC00, v15;
	v14 =	vadd.s32 v1, v14;
	v16 =	vshll.u32 v9, $0x10;
	v7 =	vld.idx.msk [tilespmem:v7+s3+$0x0], $0xffff  }
0x3c3: {  	v12 =	vand.u32 $0x7F, v12;
	v15 =	vadd.s32 v1, v15;
	v9 =	vand.u32 $0xFFFF0000, v9;
	[tilespmem:s12+$0xD0] =	vst v16  }
0x3c4: {  	v16 =	vshll.u32 v17, $0x3;
	[tilespmem:s13+$0xD0] =	vst v9;
	v9 =	vor.u32 v12, v14;
	v12 =	vand.u32 $0x7F, v18  }
0x3c5: {  	v14 =	vand.u32 $0xFFFFFC00, v16;
	v16 =	vld [tilespmem:s6+$0xE0];
	v9 =	vor.u32 v0, v9;
	v12 =	vor.u32 v12, v15  }
0x3c6: {  	v17 =	vand.u32 $0x7F, v17;
	v15 =	vshll.u32 v8, $0x10;
	v14 =	vadd.s32 v1, v14;
	v6 =	vld.idx.msk [tilespmem:v6+s3+$0x0], $0xffff  }
0x3c7: {  	v8 =	vand.u32 $0xFFFF0000, v8;
	[tilespmem:s25+$0xFFFFFF10] =	vst v15;
	v15 =	vshll.u32 v10, $0x10;
	v14 =	vor.u32 v17, v14;
	v11 =	vld.idx.msk [tilespmem:v11+s3+$0x0], $0xffff  }
0x3c8: {  	[tilespmem:s28+$0xFFFFFF10] =	vst v8;
	v8 =	vand.u32 $0xFFFF0000, v10;
	v10 =	vshll.u32 v7, $0x10;
	v14 =	vor.u32 v0, v14;
	v13 =	vld.idx.msk [tilespmem:v13+s3+$0x0], $0xffff  }
0x3c9: {  	v12 =	vor.u32 v0, v12;
	v7 =	vand.u32 $0xFFFF0000, v7;
	v17 =	vld [tilespmem:s19+$0xFFFFFF20];
	[tilespmem:s25+$0xFFFFFF90] =	vst v15;
	v15 =	vshll.u32 v3, $0x10  }
0x3ca: {  	v18 =	vshll.u32 v4, $0x10;
	v3 =	vand.u32 $0xFFFF0000, v3;
	[tilespmem:s28+$0xFFFFFF90] =	vst v8;
	v8 =	vshll.u32 v16, $0x3;
	v9 =	vld.idx.msk [tilespmem:v9+s3+$0x0], $0xffff  }
0x3cb: {  	v4 =	vand.u32 $0xFFFF0000, v4;
	v19 =	vld [tilespmem:s19+$0xFFFFFFA0];
	[tilespmem:s25+$0x10] =	vst v10;
	v8 =	vand.u32 $0xFFFFFC00, v8;
	v10 =	vshll.u32 v5, $0x10  }
0x3cc: {  	v16 =	vand.u32 $0x7F, v16;
	[tilespmem:s28+$0x10] =	vst v7;
	v7 =	vshll.u32 v6, $0x10;
	v8 =	vadd.s32 v1, v8  }
0x3cd: {  	v6 =	vand.u32 $0xFFFF0000, v6;
	v14 =	vld.idx.msk [tilespmem:v14+s3+$0x0], $0xffff;
	[tilespmem:s12+$0xFFFFFF40] =	vst v7;
	v7 =	vshll.u32 v11, $0x10;
	v8 =	vor.u32 v16, v8  }
0x3ce: {  	v16 =	vand.u32 $0x7F, v17;
	v17 =	vshll.u32 v17, $0x3;
	v20 =	vld [tilespmem:s19+$0x20];
	[tilespmem:s13+$0xFFFFFF40] =	vst v6;
	v6 =	vor.u32 v0, v8  }
0x3cf: {  	v8 =	vand.u32 $0xFFFFFC00, v17;
	v17 =	vld [tilespmem:s6+$0xFFFFFF50];
	[tilespmem:s12+$0xFFFFFFC0] =	vst v7;
	v7 =	vand.u32 $0xFFFF0000, v11;
	v11 =	vshll.u32 v13, $0x10  }
0x3d0: {  	v8 =	vadd.s32 v1, v8;
	v21 =	vand.u32 $0x7F, v19;
	v19 =	vshll.u32 v19, $0x3;
	[tilespmem:s13+$0xFFFFFFC0] =	vst v7;
	v7 =	vld.idx.msk [tilespmem:v12+s3+$0x0], $0xffff  }
0x3d1: {  	v8 =	vor.u32 v16, v8;
	v12 =	vand.u32 $0xFFFFFC00, v19;
	v16 =	vld [tilespmem:s6+$0xFFFFFFD0];
	[tilespmem:s12+$0x40] =	vst v11;
	v11 =	vand.u32 $0xFFFF0000, v13  }
0x3d2: {  	v8 =	vor.u32 v0, v8;
	v12 =	vadd.s32 v1, v12;
	[tilespmem:s13+$0x40] =	vst v11;
	v11 =	vshll.u32 v9, $0x10  }
0x3d3: {  	v13 =	vand.u32 $0x7F, v20;
	v19 =	vshll.u32 v20, $0x3;
	v20 =	vshll.u32 v14, $0x10;
	v6 =	vld.idx.msk [tilespmem:v6+s3+$0x0], $0xffff;
	[tilespmem:s14+$0xFFFFFF60] =	vst v15  }
0x3d4: {  	v12 =	vor.u32 v21, v12;
	v14 =	vand.u32 $0xFFFF0000, v14;
	v15 =	vand.u32 $0xFFFFFC00, v19;
	[tilespmem:s25+$0xA0] =	vst v20;
	v19 =	vld [tilespmem:s6+$0x50]  }
0x3d5: {  	v12 =	vor.u32 v0, v12;
	v15 =	vadd.s32 v1, v15;
	[tilespmem:s28+$0xA0] =	vst v14;
	v14 =	vshll.u32 v17, $0x3  }
0x3d6: {  	v13 =	vor.u32 v13, v15;
	v15 =	vld [tilespmem:s19+$0xB0];
	v14 =	vand.u32 $0xFFFFFC00, v14;
	v20 =	vshll.u32 v16, $0x3;
	[tilespmem:s4+$0xFFFFFF60] =	vst v3  }
0x3d7: {  	v3 =	vld.idx.msk [tilespmem:v8+s3+$0x0], $0xffff;
	v8 =	vor.u32 v0, v13;
	v13 =	vadd.s32 v1, v14;
	v14 =	vand.u32 $0xFFFFFC00, v20;
	[tilespmem:s14+$0xFFFFFFE0] =	vst v11  }
0x3d8: {  	v16 =	vand.u32 $0x7F, v16;
	v11 =	vand.u32 $0x7F, v17;
	v14 =	vadd.s32 v1, v14;
	v17 =	vld [tilespmem:s5+$0xFFFFFF70];
	[tilespmem:s0+$0xFFFFFF70] =	vst v18  }
0x3d9: {  	v20 =	vshll.u32 v6, $0x10;
	v18 =	vand.u32 $0x7F, v19;
	v19 =	vshll.u32 v19, $0x3;
	[tilespmem:s1+$0xFFFFFF70] =	vst v4  }
0x3da: {  	v11 =	vor.u32 v11, v13;
	v6 =	vand.u32 $0xFFFF0000, v6;
	v4 =	vld.idx.msk [tilespmem:v12+s3+$0x0], $0xffff;
	v12 =	vand.u32 $0xFFFFFC00, v19;
	[tilespmem:s12+$0xE0] =	vst v20  }
0x3db: {  	v14 =	vor.u32 v16, v14;
	v13 =	vshll.u32 v15, $0x3;
	v12 =	vadd.s32 v1, v12;
	[tilespmem:s13+$0xE0] =	vst v6  }
0x3dc: {  	v11 =	vor.u32 v0, v11;
	v6 =	vand.u32 $0xFFFFFC00, v13;
	v12 =	vor.u32 v18, v12;
	v13 =	vld [tilespmem:s6+$0xF0];
	[tilespmem:s0+$0xFFFFFFF0] =	vst v10  }
0x3dd: {  	v10 =	vshll.u32 v3, $0x10;
	v16 =	vld.idx.msk [tilespmem:v8+s3+$0x0], $0xffff;
	v8 =	vand.u32 $0x7F, v15;
	v6 =	vadd.s32 v1, v6  }
0x3de: {  	v14 =	vor.u32 v0, v14;
	v3 =	vand.u32 $0xFFFF0000, v3;
	[tilespmem:s25+$0xFFFFFF20] =	vst v10;
	v6 =	vor.u32 v8, v6  }
0x3df: {  	v8 =	vor.u32 v0, v12;
	[tilespmem:s28+$0xFFFFFF20] =	vst v3;
	v6 =	vor.u32 v0, v6;
	v3 =	vand.u32 $0xFFFF0000, v9  }
0x3e0: {  	v15 =	vshll.u32 v7, $0x10;
	v9 =	vshll.u32 v4, $0x10;
	v4 =	vand.u32 $0xFFFF0000, v4;
	v12 =	vld [tilespmem:s19+$0xFFFFFF30];
	[tilespmem:s4+$0xFFFFFFE0] =	vst v3  }
0x3e1: {  	v18 =	vand.u32 $0xFFFF0000, v7;
	v10 =	vshll.u32 v17, $0x3;
	[tilespmem:s25+$0xFFFFFFA0] =	vst v9;
	v9 =	vld.idx.msk [tilespmem:v11+s3+$0x0], $0xffff;
	v3 =	vshll.u32 v13, $0x3  }
.Ltmp3:
0x3e2: {  	v17 =	vand.u32 $0x7F, v17;
	v7 =	vand.u32 $0xFFFFFC00, v10;
	[tilespmem:s28+$0xFFFFFFA0] =	vst v4;
	v4 =	vand.u32 $0xFFFFFC00, v3;
	v3 =	vld [tilespmem:s5+$0xFFFFFFF0];
	(pc) =	sbr.rel @p0 .LBB2_5-.Ltmp3, $4  }
0x3e3: {  	v13 =	vand.u32 $0x7F, v13;
	v11 =	vshll.u32 v16, $0x10;
	v10 =	vld [tilespmem:s19+$0xFFFFFFB0];
	v4 =	vadd.s32 v1, v4;
	[tilespmem:s14+$0x60] =	vst v15  }
0x3e4: {  	v15 =	vand.u32 $0xFFFF0000, v16;
	v16 =	vadd.s32 v1, v7;
	[tilespmem:s25+$0x20] =	vst v11;
	v11 =	vld.idx.msk [tilespmem:v6+s3+$0x0], $0xffff;
	v4 =	vor.u32 v13, v4  }
0x3e5: {  	v13 =	vand.u32 $0x7F, v12;
	v12 =	vshll.u32 v12, $0x3;
	[tilespmem:s28+$0x20] =	vst v15;
	v6 =	vld.idx.msk [tilespmem:v14+s3+$0x0], $0xffff;
	v7 =	vor.u32 v0, v4  }
0x3e6: {  	v5 =	vand.u32 $0xFFFF0000, v5;
	s19 =	sadd.s32 $0x200, s19;
	v4 =	vor.u32 v17, v16;
	v14 =	vand.u32 $0xFFFFFC00, v12;
	v12 =	vld [tilespmem:s24+$0x30];
	[tilespmem:s4+$0x60] =	vst v18  }
0x3e7: {  	_ =	sdelay $0x1  }
0x3e8: {  	v15 =	vshll.u32 v11, $0x10  }
0x3e9: {  	v19 =	vand.u32 $0xFFFF0000, v11;
	[tilespmem:s25+$0xB0] =	vst v15  }
0x3ea: {  	[tilespmem:s28+$0xB0] =	vst v19  }
0x3eb: {  	v11 =	vld [tilespmem:s24+$0xC0];
	_ =	sdelay $0x4  }
0x3ec: {  	v14 =	vadd.s32 v1, v14;
	v20 =	vshll.u32 v11, $0x3  }
0x3ed: {  	v13 =	vor.u32 v13, v14;
	v15 =	vand.u32 $0xFFFFFC00, v20  }
0x3ee: {  	v13 =	vor.u32 v0, v13;
	v11 =	vand.u32 $0x7F, v11;
	v15 =	vadd.s32 v1, v15  }
0x3ef: {  	v11 =	vor.u32 v11, v15  }
0x3f0: {  	v21 =	vshll.u32 v10, $0x3;
	v11 =	vor.u32 v0, v11  }
0x3f1: {  	v14 =	vand.u32 $0xFFFFFC00, v21  }
0x3f2: {  	v22 =	vand.u32 $0x7F, v10;
	v14 =	vadd.s32 v1, v14;
	v23 =	vshll.u32 v12, $0x3  }
0x3f3: {  	v10 =	vor.u32 v22, v14;
	v24 =	vand.u32 $0xFFFFFC00, v23;
	v13 =	vld.idx.msk [tilespmem:v13+s3+$0x0], $0xffff  }
0x3f4: {  	v25 =	vand.u32 $0x7F, v12;
	v10 =	vor.u32 v0, v10;
	v14 =	vadd.s32 v1, v24  }
0x3f5: {  	v12 =	vor.u32 v25, v14;
	v11 =	vld.idx.msk [tilespmem:v11+s3+$0x0], $0xffff  }
0x3f6: {  	v12 =	vor.u32 v0, v12;
	_ =	sdelay $0x1  }
0x3f7: {  	v27 =	vshll.u32 v13, $0x10  }
0x3f8: {  	v10 =	vld.idx.msk [tilespmem:v10+s3+$0x0], $0xffff;
	v28 =	vand.u32 $0xFFFF0000, v13;
	[tilespmem:s25+$0xFFFFFF30] =	vst v27  }
0x3f9: {  	[tilespmem:s28+$0xFFFFFF30] =	vst v28;
	v26 =	vshll.u32 v11, $0x10  }
0x3fa: {  	v12 =	vld.idx.msk [tilespmem:v12+s3+$0x0], $0xffff;
	v11 =	vand.u32 $0xFFFF0000, v11;
	[tilespmem:s29+$0xC0] =	vst v26  }
0x3fb: {  	[tilespmem:s26+$0xC0] =	vst v11;
	v11 =	vld [tilespmem:s24+$0xFFFFFF40]  }
0x3fc: {  	v29 =	vld [tilespmem:s24+$0xD0]  }
0x3fd: {  	v30 =	vshll.u32 v10, $0x10  }
0x3fe: {  	v10 =	vand.u32 $0xFFFF0000, v10;
	[tilespmem:s29+$0xFFFFFFB0] =	vst v30  }
0x3ff: {  	[tilespmem:s26+$0xFFFFFFB0] =	vst v10;
	v31 =	vshll.u32 v12, $0x10  }
0x400: {  	v32 =	vand.u32 $0xFFFF0000, v12;
	v34 =	vld [tilespmem:s24+$0xFFFFFFC0];
	[tilespmem:s29+$0x30] =	vst v31;
	v35 =	vshll.u32 v11, $0x3  }
0x401: {  	[tilespmem:s26+$0x30] =	vst v32;
	v33 =	vshll.u32 v29, $0x3;
	v10 =	vand.u32 $0xFFFFFC00, v35  }
0x402: {  	v36 =	vld [tilespmem:s24+$0x40];
	v11 =	vand.u32 $0x7F, v11;
	v12 =	vand.u32 $0xFFFFFC00, v33;
	v10 =	vadd.s32 v1, v10  }
0x403: {  	v13 =	vand.u32 $0x7F, v29;
	v12 =	vadd.s32 v1, v12;
	v10 =	vor.u32 v11, v10  }
0x404: {  	v12 =	vor.u32 v13, v12;
	v10 =	vor.u32 v0, v10  }
0x405: {  	v37 =	vshll.u32 v34, $0x3;
	v12 =	vor.u32 v0, v12  }
0x406: {  	v11 =	vand.u32 $0xFFFFFC00, v37  }
0x407: {  	v14 =	vand.u32 $0x7F, v34;
	v38 =	vshll.u32 v36, $0x3;
	v11 =	vadd.s32 v1, v11  }
0x408: {  	v13 =	vand.u32 $0xFFFFFC00, v38;
	v11 =	vor.u32 v14, v11  }
0x409: {  	v39 =	vand.u32 $0x7F, v36;
	v13 =	vadd.s32 v1, v13;
	v11 =	vor.u32 v0, v11;
	v10 =	vld.idx.msk [tilespmem:v10+s3+$0x0], $0xffff  }
0x40a: {  	v13 =	vor.u32 v39, v13;
	v12 =	vld.idx.msk [tilespmem:v12+s3+$0x0], $0xffff  }
0x40b: {  	v13 =	vor.u32 v0, v13;
	_ =	sdelay $0x2  }
0x40c: {  	v11 =	vld.idx.msk [tilespmem:v11+s3+$0x0], $0xffff;
	v42 =	vshll.u32 v10, $0x10  }
0x40d: {  	v40 =	vshll.u32 v12, $0x10;
	[tilespmem:s29+$0xFFFFFF40] =	vst v42  }
0x40e: {  	v41 =	vld.idx.msk [tilespmem:v13+s3+$0x0], $0xffff;
	v12 =	vand.u32 $0xFFFF0000, v12;
	[tilespmem:s29+$0xD0] =	vst v40  }
0x40f: {  	v10 =	vand.u32 $0xFFFF0000, v10;
	[tilespmem:s26+$0xD0] =	vst v12  }
0x410: {  	[tilespmem:s26+$0xFFFFFF40] =	vst v10;
	v43 =	vld [tilespmem:s24+$0xE0]  }
0x411: {  	v44 =	vshll.u32 v11, $0x10;
	v45 =	vld [tilespmem:s24+$0xFFFFFF50]  }
0x412: {  	v46 =	vand.u32 $0xFFFF0000, v11;
	[tilespmem:s29+$0xFFFFFFC0] =	vst v44  }
0x413: {  	v47 =	vshll.u32 v41, $0x10;
	[tilespmem:s26+$0xFFFFFFC0] =	vst v46  }
0x414: {  	v48 =	vand.u32 $0xFFFF0000, v41;
	[tilespmem:s29+$0x40] =	vst v47;
	v10 =	vld [tilespmem:s24+$0xFFFFFFD0]  }
0x415: {  	[tilespmem:s26+$0x40] =	vst v48;
	v50 =	vshll.u32 v43, $0x3  }
0x416: {  	v49 =	vshll.u32 v9, $0x10;
	v53 =	vld [tilespmem:s24+$0x50];
	v16 =	vshll.u32 v45, $0x3;
	v52 =	vand.u32 $0xFFFFFC00, v50  }
0x417: {  	v13 =	vand.u32 $0x7F, v43;
	v16 =	vand.u32 $0xFFFFFC00, v16;
	v11 =	vadd.s32 v1, v52  }
0x418: {  	v14 =	vand.u32 $0x7F, v45;
	v54 =	vadd.s32 v1, v16;
	v11 =	vor.u32 v13, v11  }
0x419: {  	v8 =	vld.idx.msk [tilespmem:v8+s3+$0x0], $0xffff;
	v55 =	vshll.u32 v10, $0x3;
	v13 =	vor.u32 v14, v54;
	v11 =	vor.u32 v0, v11  }
0x41a: {  	v51 =	vand.u32 $0xFFFF0000, v9;
	v56 =	vand.u32 $0xFFFFFC00, v55;
	v57 =	vor.u32 v0, v13  }
0x41b: {  	[tilespmem:s12+$0xFFFFFF50] =	vst v49;
	v10 =	vand.u32 $0x7F, v10;
	v59 =	vshll.u32 v53, $0x3;
	v9 =	vadd.s32 v1, v56  }
0x41c: {  	[tilespmem:s13+$0xFFFFFF50] =	vst v51;
	v14 =	vand.u32 $0xFFFFFC00, v59;
	v9 =	vor.u32 v10, v9  }
0x41d: {  	v58 =	vld [tilespmem:s6+$0xFFFFFF60];
	v60 =	vand.u32 $0x7F, v53;
	v14 =	vadd.s32 v1, v14;
	v9 =	vor.u32 v0, v9  }
0x41e: {  	v18 =	vshll.u32 v8, $0x10;
	v10 =	vor.u32 v60, v14;
	v11 =	vld.idx.msk [tilespmem:v11+s3+$0x0], $0xffff  }
0x41f: {  	v19 =	vand.u32 $0xFFFF0000, v8;
	[tilespmem:s12+$0x50] =	vst v18;
	v10 =	vor.u32 v0, v10;
	v12 =	vld.idx.msk [tilespmem:v57+s3+$0x0], $0xffff  }
0x420: {  	v61 =	vshll.u32 v6, $0x10;
	[tilespmem:s13+$0x50] =	vst v19  }
0x421: {  	v62 =	vand.u32 $0xFFFF0000, v6;
	[tilespmem:s12+$0xFFFFFFD0] =	vst v61;
	v23 =	vld [tilespmem:s6+$0x60]  }
0x422: {  	[tilespmem:s13+$0xFFFFFFD0] =	vst v62;
	v22 =	vld.idx.msk [tilespmem:v9+s3+$0x0], $0xffff  }
0x423: {  	v4 =	vor.u32 v0, v4;
	v21 =	vld [tilespmem:s6+$0xFFFFFFE0];
	v63 =	vshll.u32 v58, $0x3;
	v24 =	vshll.u32 v11, $0x10  }
0x424: {  	v25 =	vshll.u32 v3, $0x3;
	v20 =	vand.u32 $0xFFFFFC00, v63;
	v10 =	vld.idx.msk [tilespmem:v10+s3+$0x0], $0xffff;
	v26 =	vshll.u32 v12, $0x10;
	[tilespmem:s29+$0xE0] =	vst v24  }
0x425: {  	v8 =	vadd.s32 v1, v20;
	v15 =	vand.u32 $0xFFFFFC00, v25;
	v12 =	vand.u32 $0xFFFF0000, v12;
	[tilespmem:s29+$0xFFFFFF50] =	vst v26  }
0x426: {  	v27 =	vadd.s32 v1, v15;
	v32 =	vshll.u32 v23, $0x3;
	v11 =	vand.u32 $0xFFFF0000, v11;
	[tilespmem:s26+$0xFFFFFF50] =	vst v12  }
0x427: {  	v28 =	vand.u32 $0x7F, v3;
	v34 =	vand.u32 $0xFFFFFC00, v32;
	v31 =	vshll.u32 v22, $0x10;
	[tilespmem:s26+$0xE0] =	vst v11  }
0x428: {  	v29 =	vshll.u32 v21, $0x3;
	v13 =	vand.u32 $0x7F, v58;
	v6 =	vand.u32 $0xFFFF0000, v22;
	[tilespmem:s29+$0xFFFFFFD0] =	vst v31;
	v30 =	vld [tilespmem:s24+$0xFFFFFF60]  }
0x429: {  	v8 =	vor.u32 v13, v8;
	v14 =	vand.u32 $0x7F, v21;
	v33 =	vshll.u32 v10, $0x10;
	[tilespmem:s26+$0xFFFFFFD0] =	vst v6;
	v36 =	vld [tilespmem:s24+$0xF0]  }
0x42a: {  	v8 =	vor.u32 v0, v8;
	v12 =	vand.u32 $0xFFFFFC00, v29;
	v10 =	vand.u32 $0xFFFF0000, v10;
	[tilespmem:s29+$0x50] =	vst v33;
	v35 =	vld [tilespmem:s24+$0xFFFFFFE0]  }
0x42b: {  	v9 =	vand.u32 $0x7F, v23;
	v12 =	vadd.s32 v1, v12;
	v6 =	vadd.s32 v1, v34;
	[tilespmem:s26+$0x50] =	vst v10  }
0x42c: {  	v3 =	vor.u32 v28, v27;
	v12 =	vor.u32 v14, v12;
	v6 =	vor.u32 v9, v6;
	v39 =	vld [tilespmem:s24+$0x60]  }
0x42d: {  	v3 =	vor.u32 v0, v3;
	v37 =	vor.u32 v0, v12;
	v6 =	vor.u32 v0, v6  }
0x42e: {  	v38 =	vshll.u32 v30, $0x3;
	v11 =	vand.u32 $0x7F, v30;
	v17 =	vshll.u32 v36, $0x3  }
0x42f: {  	v46 =	vand.u32 $0x7F, v36;
	v40 =	vand.u32 $0xFFFFFC00, v38;
	v42 =	vshll.u32 v35, $0x3  }
0x430: {  	v8 =	vld.idx.msk [tilespmem:v8+s3+$0x0], $0xffff;
	v15 =	vand.u32 $0x7F, v35;
	v17 =	vand.u32 $0xFFFFFC00, v17;
	v9 =	vadd.s32 v1, v40  }
0x431: {  	v7 =	vld.idx.msk [tilespmem:v7+s3+$0x0], $0xffff;
	v18 =	vshll.u32 v39, $0x3;
	v9 =	vor.u32 v11, v9;
	v11 =	vand.u32 $0xFFFFFC00, v42  }
0x432: {  	v4 =	vld.idx.msk [tilespmem:v4+s3+$0x0], $0xffff;
	v18 =	vand.u32 $0xFFFFFC00, v18;
	v9 =	vor.u32 v0, v9;
	v11 =	vadd.s32 v1, v11  }
0x433: {  	v10 =	vld.idx.msk [tilespmem:v37+s3+$0x0], $0xffff;
	v14 =	vand.u32 $0x7F, v39;
	v44 =	vadd.s32 v1, v18;
	v11 =	vor.u32 v15, v11  }
0x434: {  	v45 =	vld.idx.msk [tilespmem:v6+s3+$0x0], $0xffff;
	v47 =	vadd.s32 v1, v17;
	v14 =	vor.u32 v14, v44;
	v11 =	vor.u32 v0, v11  }
0x435: {  	v3 =	vld.idx.msk [tilespmem:v3+s3+$0x0], $0xffff;
	v41 =	vshll.u32 v8, $0x10;
	v6 =	vor.u32 v46, v47;
	v48 =	vor.u32 v0, v14  }
0x436: {  	v43 =	vld [tilespmem:s5+$0x70];
	v8 =	vand.u32 $0xFFFF0000, v8;
	[tilespmem:s12+$0xFFFFFF60] =	vst v41;
	v6 =	vor.u32 v0, v6  }
0x437: {  	[tilespmem:s13+$0xFFFFFF60] =	vst v8;
	v51 =	vld.idx.msk [tilespmem:v9+s3+$0x0], $0xffff  }
0x438: {  	[tilespmem:s1+$0xFFFFFFF0] =	vst v5;
	v61 =	vand.u32 $0xFFFF0000, v2;
	v53 =	vld [tilespmem:s6+$0xFFFFFF70];
	v50 =	vshll.u32 v10, $0x10  }
0x439: {  	v62 =	vshll.u32 v4, $0x10;
	v4 =	vand.u32 $0xFFFF0000, v4;
	v57 =	vshll.u32 v45, $0x10;
	[tilespmem:s12+$0xFFFFFFE0] =	vst v50;
	v56 =	vld.idx.msk [tilespmem:v11+s3+$0x0], $0xffff  }
0x43a: {  	v54 =	vshll.u32 v7, $0x10;
	v7 =	vand.u32 $0xFFFF0000, v7;
	v10 =	vand.u32 $0xFFFF0000, v10;
	[tilespmem:s12+$0x60] =	vst v57;
	v60 =	vld.idx.msk [tilespmem:v48+s3+$0x0], $0xffff  }
0x43b: {  	v59 =	vshll.u32 v2, $0x10;
	v49 =	vshll.u32 v43, $0x3;
	v5 =	vand.u32 $0xFFFF0000, v45;
	[tilespmem:s13+$0xFFFFFFE0] =	vst v10;
	v63 =	vld.idx.msk [tilespmem:v6+s3+$0x0], $0xffff  }
0x43c: {  	v55 =	vand.u32 $0x7F, v43;
	v52 =	vand.u32 $0xFFFFFC00, v49;
	[tilespmem:s13+$0x60] =	vst v5;
	v58 =	vld [tilespmem:s6+$0xFFFFFFF0];
	v21 =	vshll.u32 v51, $0x10  }
0x43d: {  	v24 =	vshll.u32 v3, $0x10;
	v3 =	vand.u32 $0xFFFF0000, v3;
	v23 =	vld [tilespmem:s6+$0x70];
	v8 =	vand.u32 $0xFFFF0000, v51;
	[tilespmem:s29+$0xFFFFFF60] =	vst v21  }
0x43e: {  	v22 =	vshll.u32 v53, $0x3;
	v26 =	vand.u32 $0x7F, v53;
	v25 =	vshll.u32 v56, $0x10;
	[tilespmem:s26+$0xFFFFFF60] =	vst v8  }
0x43f: {  	v16 =	vand.u32 $0xFFFFFC00, v22;
	v9 =	vadd.s32 v1, v52;
	v30 =	vshll.u32 v60, $0x10;
	[tilespmem:s29+$0xFFFFFFE0] =	vst v25  }
0x440: {  	v27 =	vadd.s32 v1, v16;
	v9 =	vor.u32 v55, v9;
	v10 =	vand.u32 $0xFFFF0000, v56;
	[tilespmem:s29+$0x60] =	vst v30  }
0x441: {  	v9 =	vor.u32 v0, v9;
	v31 =	vshll.u32 v63, $0x10;
	v11 =	vand.u32 $0xFFFF0000, v60;
	v29 =	vld [tilespmem:s24+$0xFFFFFF70];
	[tilespmem:s26+$0xFFFFFFE0] =	vst v10  }
0x442: {  	v5 =	vand.u32 $0xFFFF0000, v63;
	v28 =	vshll.u32 v58, $0x3;
	v32 =	vshll.u32 v23, $0x3;
	[tilespmem:s26+$0x60] =	vst v11;
	v33 =	vld [tilespmem:s24+$0xFFFFFFF0]  }
0x443: {  	[tilespmem:s14+$0xFFFFFF70] =	vst v62;
	v14 =	vand.u32 $0x7F, v58;
	v8 =	vor.u32 v26, v27;
	v13 =	vand.u32 $0xFFFFFC00, v28;
	v35 =	vld [tilespmem:s24+$0x70]  }
0x444: {  	[tilespmem:s12+$0xF0] =	vst v54;
	v34 =	vand.u32 $0xFFFFFC00, v32;
	v13 =	vadd.s32 v1, v13;
	v8 =	vor.u32 v0, v8  }
0x445: {  	[tilespmem:s13+$0xF0] =	vst v7;
	v36 =	vand.u32 $0x7F, v23;
	v7 =	vadd.s32 v1, v34;
	v13 =	vor.u32 v14, v13  }
0x446: {  	[tilespmem:s4+$0xFFFFFF70] =	vst v4;
	v7 =	vor.u32 v36, v7;
	v38 =	vor.u32 v0, v13;
	v39 =	vshll.u32 v29, $0x3  }
0x447: {  	[tilespmem:s0+$0x70] =	vst v59;
	v37 =	vld.idx.msk [tilespmem:v9+s3+$0x0], $0xffff;
	v7 =	vor.u32 v0, v7;
	v41 =	vand.u32 $0x7F, v29;
	v40 =	vand.u32 $0xFFFFFC00, v39  }
0x448: {  	[tilespmem:s1+$0x70] =	vst v61;
	v12 =	vadd.s32 v1, v40;
	v42 =	vshll.u32 v33, $0x3;
	v45 =	vshll.u32 v35, $0x3  }
0x449: {  	[tilespmem:s14+$0xFFFFFFF0] =	vst v24;
	v43 =	vld.idx.msk [tilespmem:v8+s3+$0x0], $0xffff;
	v47 =	vand.u32 $0x7F, v33;
	v4 =	vor.u32 v41, v12;
	v44 =	vand.u32 $0xFFFFFC00, v42  }
0x44a: {  	[tilespmem:s4+$0xFFFFFFF0] =	vst v3;
	v49 =	vand.u32 $0xFFFFFC00, v45;
	v46 =	vadd.s32 v1, v44;
	v4 =	vor.u32 v0, v4  }
0x44b: {  	[tilespmem:s29+$0xF0] =	vst v31;
	v9 =	vld.idx.msk [tilespmem:v38+s3+$0x0], $0xffff;
	v51 =	vand.u32 $0x7F, v35;
	v50 =	vadd.s32 v1, v49;
	v3 =	vor.u32 v47, v46  }
0x44c: {  	[tilespmem:s26+$0xF0] =	vst v5;
	v48 =	vshll.u32 v37, $0x10;
	v7 =	vld.idx.msk [tilespmem:v7+s3+$0x0], $0xffff;
	v1 =	vor.u32 v51, v50;
	v3 =	vor.u32 v0, v3  }
0x44d: {  	v2 =	vand.u32 $0xFFFF0000, v37;
	[tilespmem:s14+$0x70] =	vst v48;
	v53 =	vor.u32 v0, v1  }
0x44e: {  	[tilespmem:s4+$0x70] =	vst v2;
	v52 =	vshll.u32 v43, $0x10  }
0x44f: {  	v54 =	vand.u32 $0xFFFF0000, v43;
	[tilespmem:s12+$0xFFFFFF70] =	vst v52;
	v55 =	vld.idx.msk [tilespmem:v4+s3+$0x0], $0xffff  }
0x450: {  	v56 =	vshll.u32 v9, $0x10;
	[tilespmem:s13+$0xFFFFFF70] =	vst v54  }
0x451: {  	v58 =	vshll.u32 v7, $0x10;
	[tilespmem:s12+$0xFFFFFFF0] =	vst v56;
	v3 =	vld.idx.msk [tilespmem:v3+s3+$0x0], $0xffff  }
0x452: {  	v57 =	vand.u32 $0xFFFF0000, v9;
	[tilespmem:s12+$0x70] =	vst v58;
	v0 =	vld.idx.msk [tilespmem:v53+s3+$0x0], $0xffff  }
0x453: {  	v59 =	vand.u32 $0xFFFF0000, v7;
	[tilespmem:s13+$0xFFFFFFF0] =	vst v57  }
0x454: {  	[tilespmem:s13+$0x70] =	vst v59;
	v60 =	vshll.u32 v55, $0x10  }
0x455: {  	v2 =	vand.u32 $0xFFFF0000, v55;
	[tilespmem:s29+$0xFFFFFF70] =	vst v60  }
0x456: {  	s28 =	sshll.u32 s31, $0x12;
	v61 =	vshll.u32 v3, $0x10;
	[tilespmem:s26+$0xFFFFFF70] =	vst v2  }
0x457: {  	s0 =	sor.u32 s8, s28;
	v63 =	vshll.u32 v0, $0x10;
	[tilespmem:s29+$0xFFFFFFF0] =	vst v61  }
0x458: {  	s31 =	sor.u32 s7, s0;
	v62 =	vand.u32 $0xFFFF0000, v3;
	[tilespmem:s29+$0x70] =	vst v63  }
.Ltmp4:
0x459: {  	s0 =	sor.u32 s9, s0;
	s1 =	sshrl.u32 s31, $0x3;
	v0 =	vand.u32 $0xFFFF0000, v0;
	[tilespmem:s26+$0xFFFFFFF0] =	vst v62;
	(pc) =	sbr.rel @p1 .LBB2_8-.Ltmp4, $4  }
0x45a: {  	s0 =	sshrl.u32 s0, $0x3;
	s1 =	sadd.s32 s2, s1;
	[tilespmem:s26+$0x70] =	vst v0  }
0x45b: {  	[hbm4b:s1+s17] =	stream.strided.scatter [tilespmem:s22], [sflag:$0x5], $0x1000, s18, s17, $0x38;
	[tilespmem:$0x12800] =	vst v63  }
0x45c: {  	s0 =	sadd.s32 s2, s0  }
0x45d: {  	[hbm4b:s0+s17] =	stream.strided.scatter [tilespmem:s23], [sflag:$0x6], $0x1000, s18, s17, $0x38;
	[tilespmem:$0x12800] =	vst v63  }
.Ltmp5:
0x45e: {  	(pc) =	sbr.rel .LBB2_2-.Ltmp5, $4  }
0x45f: {  	_ = 	snop  }
0x460: {  	s0 =	sshll.u32 s30, $0xA  }
0x461: {  	s1 =	simm.s32 $0xD800;
	s30 =	sadd.s32 $0x1, s30;
	s0 =	sadd.s32 s0, s11  }
0x462: {  	[tilespmem:s1], [sflag:$0x2] =	stream.linear.gather [hbm4b:s0+s3], $0x1000, $0x38;
	[tilespmem:$0x12800] =	vst v63  }
.LBB2_9:
0x463: {  	_ =	sfence.sel $0x180000  }
0x464: {  	[bflag:$0x0] =	sbarrier.arrive $0xFFFF  }
0x465: {  	_ =	strace $0x90000047  }
0x466: {  	s0 =	stileid.u32;
	[bflag:$0x2] =	sbarrier.arrive $0xFFFF  }
0x467: {  	p0 =	sne.s32 s0, $0x0;
	s0 =	rddreg [dreg:$0x2]  }
0x468: {  	s0 =	sadd.s32 @!p0 $0x100000, s0  }
0x469: {  	[sflag:s0] =	ssyncadd.tile.s32 @!p0 $0x1;
	_ =	shalt  }
.Lfunc_end2:
_tile_overlayer_lowered:
.L_overlay_start_2:
0x46a: {  	(tag) =	ssettag $0x2  }
0x46b: {  	s0 =	rddreg [dreg:$0x0];
	s2 =	stileid.u32  }
0x46c: {  	s1 =	rddreg [dreg:$0x1];
	p0 =	sne.s32 s2, $0x0  }
0x46d: {  	s3 =	rddreg [dreg:$0x2];
	[bflag:$0x3] =	sbarrier.arrive $0xFFFF;
	s2 =	simm.s32 @!p0 $0x1C07  }
0x46e: {  	[timem:s3], [sflag:s2] =	dma.local @!p0 [hbm:s0], s1  }
0x46f: {  	s0 =	simm.s32 @!p0 $0x7  }
0x470: {  	_ =	swait.ge @!p0 [sflag:s0], s1  }
0x471: {  	s1 =	ssub.s32 @!p0 $0x0, s1;
	[sflag:s0] =	ssyncset.done @!p0 $0x0  }
0x472: {  	[sflag:s0] =	ssyncadd.s32 @!p0 s1  }
0x473: {  	[bflag:$0x3] =	sbarrier.arrive $0xFFFF  }
0x474: {  	_ =	shalt  }

</sc_bundles>
